<compile_context>
chip_gen: v7x
topology: tpu7x:2x2x1
jax: 0.10.2.dev20260603
libtpu: 0.0.44.dev20260713+nightly
codegen_flags: <defaults>
</compile_context>

<pallas_src>
import math

import jax
import jax.numpy as jnp
from jax import lax
from jax.experimental import pallas as pl
from jax.experimental.pallas import tpu as pltpu
from jax.experimental.pallas import tpu_sc as plsc

_B, _N, _D, _C, _H, _K = 2, 2048, 128, 3, 256, 16
_TPAD = 256
_RA = 256
_RC = 256

_NC, _NS = 2, 16
_NW = _NC * _NS
_E = _B * _N * _K
_EPW = _E // _NW
_CHUNK = 128


def _knn_body(u_ref, coords_ref, coordst_ref, idx_ref, t3_ref, tp_ref):
    xi = coords_ref[0]
    xt = coordst_ref[0]

    ub = u_ref[0]
    xpad = jnp.concatenate(
        [xi, jnp.zeros((_RA, _D - _C), jnp.float32)], axis=1)
    t3_ref[0] = jnp.concatenate([ub, xpad], axis=1)
    ub16 = lax.bitcast_convert_type(ub.astype(jnp.bfloat16), jnp.uint16)
    xb16 = lax.bitcast_convert_type(xpad.astype(jnp.bfloat16), jnp.uint16)
    tp_ref[0] = lax.bitcast_convert_type(
        ub16.astype(jnp.uint32) | (xb16.astype(jnp.uint32) << 16), jnp.int32)
    d0 = xi[:, 0:1] - xt[0:1, :]
    acc = d0 * d0
    d1 = xi[:, 1:2] - xt[1:2, :]
    acc = acc + d1 * d1
    d2 = xi[:, 2:3] - xt[2:3, :]
    acc = acc + d2 * d2

    half = _N // 2
    d_a = acc[:, :half]
    d_b = acc[:, half:]
    iotah = lax.broadcasted_iota(jnp.int32, (_RA, half), 1).astype(jnp.float32)
    cond = d_b < d_a
    lo = jnp.minimum(d_a, d_b)
    hi = jnp.maximum(d_a, d_b)
    elo = jnp.where(cond, iotah + half, iotah)
    ehi = jnp.where(cond, iotah, iotah + half)
    big = jnp.float32(_N)
    inf = jnp.float32(jnp.inf)
    cols = []
    for _ in range(_K):
        m = jnp.min(lo, axis=1, keepdims=True)
        j = jnp.min(jnp.where(lo == m, elo, big), axis=1, keepdims=True)
        cols.append(j)
        pick = elo == j
        lo = jnp.where(pick, hi, lo)
        elo = jnp.where(pick, ehi, elo)
        hi = jnp.where(pick, inf, hi)
    idx = jnp.concatenate(cols, axis=1).astype(jnp.int32)
    idx_ref[0] = idx.T


def _knn_call(u, coords, coordst):
    return pl.pallas_call(
        _knn_body,
        grid=(_N // _RA,),
        in_specs=[
            pl.BlockSpec((1, _RA, _D), lambda i: (0, i, 0)),
            pl.BlockSpec((1, _RA, _C), lambda i: (0, i, 0)),
            pl.BlockSpec((1, _C, _N), lambda i: (0, 0, 0)),
        ],
        out_specs=[
            pl.BlockSpec((1, _K, _RA), lambda i: (0, 0, i)),
            pl.BlockSpec((1, _RA, _TPAD), lambda i: (0, i, 0)),
            pl.BlockSpec((1, _RA, _D), lambda i: (0, i, 0)),
        ],
        out_shape=[
            jax.ShapeDtypeStruct((1, _K, _N), jnp.int32),
            jax.ShapeDtypeStruct((1, _N, _TPAD), jnp.float32),
            jax.ShapeDtypeStruct((1, _N, _D), jnp.int32),
        ],
    )(u, coords, coordst)


def _gather_body(t_hbm, idx_hbm, out_hbm, idx_v, rv0, rv1, sem0, sem1):
    wid = lax.axis_index("s") * _NC + lax.axis_index("c")
    nchunk = idx_v.shape[0]
    row0 = wid * nchunk
    pltpu.sync_copy(idx_hbm.at[pl.ds(row0, nchunk)], idx_v)

    rv = (rv0, rv1)
    sems = (sem0, sem1)
    prev = None
    for ci in range(nchunk):
        cur = pltpu.async_copy(
            t_hbm.at[idx_v.at[ci]], rv[ci % 2], sems[ci % 2])
        if prev is not None:
            prev.wait()
            pltpu.sync_copy(
                rv[(ci - 1) % 2],
                out_hbm.at[pl.ds((row0 + ci - 1) * _CHUNK, _CHUNK)])
        prev = cur
    prev.wait()
    pltpu.sync_copy(
        rv[(nchunk - 1) % 2],
        out_hbm.at[pl.ds((row0 + nchunk - 1) * _CHUNK, _CHUNK)])


def _gather_call(t_flat, idx2d):
    mesh = plsc.VectorSubcoreMesh(
        core_axis_name="c", subcore_axis_name="s",
        num_cores=_NC, num_subcores=_NS)
    ne = idx2d.shape[0] * _CHUNK
    f = pl.kernel(
        _gather_body,
        out_type=jax.ShapeDtypeStruct((ne, _D), jnp.int32),
        mesh=mesh,
        scratch_types=[
            pltpu.VMEM((ne // _NW // _CHUNK, _CHUNK), jnp.int32),
            pltpu.VMEM((_CHUNK, _D), jnp.int32),
            pltpu.VMEM((_CHUNK, _D), jnp.int32),
            pltpu.SemaphoreType.DMA,
            pltpu.SemaphoreType.DMA,
        ],
    )
    return f(t_flat, idx2d)


def _mlp_body(t_ref, g_ref, wi_ref, wgu_ref, wgx_ref, b1_ref, w2_ref, b2_ref,
              w3_ref, b3_ref, wl_ref, bl_ref, out_ref):
    t = t_ref[0]
    bf = jnp.bfloat16
    wgu = wgu_ref[...].astype(bf)
    wgx = wgx_ref[...].astype(bf)
    w2 = w2_ref[...].astype(bf)
    w3 = w3_ref[...].astype(bf)
    a_i = jnp.dot(t.astype(bf), wi_ref[...].astype(bf),
                  preferred_element_type=jnp.float32)
    a_i = a_i + b1_ref[...]
    sub = 8
    kc = _K // sub
    rows = kc * _RC
    agg = None
    for s in range(sub):
        gs = g_ref[0, s * kc:(s + 1) * kc, :, :].reshape(rows, _D)
        u_f = lax.bitcast_convert_type(gs << 16, jnp.float32)
        x_f = lax.bitcast_convert_type(gs & jnp.int32(-65536), jnp.float32)
        a_j = (jnp.dot(u_f.astype(bf), wgu, preferred_element_type=jnp.float32)
               + jnp.dot(x_f.astype(bf), wgx,
                         preferred_element_type=jnp.float32))
        a_i_rep = jnp.broadcast_to(
            a_i[None, :, :], (kc, _RC, _H)).reshape(rows, _H)
        h1 = jnp.maximum(a_j + a_i_rep, 0.0)
        h2 = jnp.dot(h1.astype(bf), w2, preferred_element_type=jnp.float32)
        h2 = jnp.maximum(h2 + b2_ref[...], 0.0)
        kfull = jnp.dot(h2.astype(bf), w3, preferred_element_type=jnp.float32)
        kw = (kfull[:, 0:1] + b3_ref[...]) * (1.0 / math.sqrt(_K))
        msg = kw * u_f
        agg_s = jnp.sum(msg.reshape(kc, _RC, _D), axis=0)
        agg = agg_s if agg is None else agg + agg_s
    u_blk = t[:, :_D]
    out = jnp.dot(u_blk, wl_ref[...], preferred_element_type=jnp.float32)
    out = out + bl_ref[...] + agg + u_blk
    out_ref[0] = jnp.maximum(out, 0.0)


def _mlp_call(t3, g4, wi, wgu, wgx, b1, w2, b2, w3r, b3, wl, bl):
    full = lambda s: pl.BlockSpec(s, lambda i: tuple(0 for _ in s))
    return pl.pallas_call(
        _mlp_body,
        grid=(_N // _RC,),
        in_specs=[
            pl.BlockSpec((1, _RC, _TPAD), lambda i: (0, i, 0)),
            pl.BlockSpec((1, _K, _RC, _D), lambda i: (0, 0, i, 0)),
            full((_TPAD, _H)),
            full((_D, _H)),
            full((_D, _H)),
            full((1, _H)),
            full((_H, _H)),
            full((1, _H)),
            full((_H, _D)),
            full((1, 1)),
            full((_D, _D)),
            full((1, _D)),
        ],
        out_specs=pl.BlockSpec((1, _RC, _D), lambda i: (0, i, 0)),
        out_shape=jax.ShapeDtypeStruct((1, _N, _D), jnp.float32),
    )(t3, g4, wi, wgu, wgx, b1, w2, b2, w3r, b3, wl, bl)


def kernel(u, coords, W_local, b_local, W1, b1, W2, b2, W3, b3):
    b, n, d = u.shape
    c = coords.shape[-1]
    coordst = jnp.swapaxes(coords, 1, 2)

    zpad = jnp.zeros((_TPAD - d - c, _H), jnp.float32)
    wi = jnp.concatenate([W1[2 * c:2 * c + d], W1[0:c], zpad], axis=0)
    wgu = W1[2 * c + d:]
    wgx = jnp.concatenate(
        [W1[c:2 * c], jnp.zeros((_D - c, _H), jnp.float32)], axis=0)
    w3p = jnp.concatenate([W3, jnp.zeros((_H, _D - 1), jnp.float32)], axis=1)

    outs = []
    for bi in range(b):
        idx, t3, tpack = _knn_call(
            u[bi:bi + 1], coords[bi:bi + 1], coordst[bi:bi + 1])
        idx2d = idx.reshape(n * _K // _CHUNK, _CHUNK)
        g = _gather_call(tpack.reshape(n, _D), idx2d)
        g4 = g.reshape(1, _K, n, _D)
        outs.append(_mlp_call(
            t3, g4, wi, wgu, wgx,
            b1.reshape(1, _H), W2, b2.reshape(1, _H),
            w3p, b3.reshape(1, 1),
            W_local, b_local.reshape(1, _D)))
    return jnp.concatenate(outs, axis=0)

# --- scband reference (transcript-rebuilt; emitter-appended) ---
"""Pipeline reference for scband-graph-kernel-layer-11003706212821 (READ-ONLY COPY).

The authoritative reference and input builder live on the scoring server;
editing this copy changes nothing except your own understanding.
"""

import math
import jax, jax.numpy as jnp
import numpy as np

B, N, D, C, H, K_NEIGH = 2, 2048, 128, 3, 256, 16


def _lin(key, fan_in, fan_out):
    return jax.random.normal(key, (fan_in, fan_out), jnp.float32) / np.sqrt(fan_in)


def setup_inputs(seed: int = 0) -> dict:
    key = jax.random.key(seed)
    ks = jax.random.split(key, 8)
    u = jax.random.normal(ks[0], (B, N, D), jnp.float32)
    coords = jax.random.uniform(ks[1], (B, N, C), jnp.float32)
    kin = 2 * C + 2 * D
    W_local = _lin(ks[2], D, D)
    b_local = jnp.zeros((D,), jnp.float32)
    W1 = _lin(ks[3], kin, H)
    b1 = jnp.zeros((H,), jnp.float32)
    W2 = _lin(ks[4], H, H)
    b2 = jnp.zeros((H,), jnp.float32)
    W3 = _lin(ks[5], H, 1)
    b3 = jnp.zeros((1,), jnp.float32)
    return {"u": u, "coords": coords, "W_local": W_local, "b_local": b_local,
            "W1": W1, "b1": b1, "W2": W2, "b2": b2, "W3": W3, "b3": b3}


def reference(u, coords, W_local, b_local, W1, b1, W2, b2, W3, b3):
    b, n, d = u.shape
    c = coords.shape[-1]
    k = min(K_NEIGH, n)
    diff = coords[:, :, None, :] - coords[:, None, :, :]
    dist2 = jnp.sum(diff * diff, axis=-1)
    _, knn_idx = jax.lax.top_k(-dist2, k)  # smallest distances -> nearest neighbors
    gather = jax.vmap(lambda arr, idx: arr[idx])  # per-batch gather
    u_j = gather(u, knn_idx)        # [B, N, k, D]
    x_j = gather(coords, knn_idx)   # [B, N, k, C]
    u_i = jnp.broadcast_to(u[:, :, None, :], (b, n, k, d))
    x_i = jnp.broadcast_to(coords[:, :, None, :], (b, n, k, c))
    pair_feat = jnp.concatenate([x_i, x_j, u_i, u_j], axis=-1)
    pair_flat = pair_feat.reshape(b * n * k, -1)
    h = jax.nn.relu(pair_flat @ W1 + b1)
    h = jax.nn.relu(h @ W2 + b2)
    K_flat = (h @ W3 + b3)[:, 0]
    K = K_flat.reshape(b, n, k) / math.sqrt(k)
    messages = K[..., None] * u_j
    agg = jnp.sum(messages, axis=2)
    out = u @ W_local + b_local + agg
    out = out + u  # residual (in_dim == out_dim)
    return jax.nn.relu(out)

if __name__ == "__main__":
    import jax
    _d = setup_inputs()
    print(jax.jit(kernel)(*tuple(_d.values())))

</pallas_src>

<mosaic_0001>
#map = affine_map<(d0, d1) -> (0, 0)>
module attributes {stable_mosaic.version = 14 : i64} {
  func.func @_gather_body(%arg0: i32, %arg1: i32, %arg2: memref<2048x128xi32, #tpu.memory_space<hbm>>, %arg3: memref<256x128xi32, #tpu.memory_space<hbm>>, %arg4: memref<32768x128xi32, #tpu.memory_space<hbm>>, %arg5: memref<8x128xi32, #tpu.memory_space<vmem>>, %arg6: memref<128x128xi32, #tpu.memory_space<vmem>>, %arg7: memref<128x128xi32, #tpu.memory_space<vmem>>, %arg8: memref<!tpu.dma_semaphore, #tpu.memory_space<semaphore_mem>>, %arg9: memref<!tpu.dma_semaphore, #tpu.memory_space<semaphore_mem>>) attributes {dimension_semantics = [#tpu.dimension_semantics<core_parallel>, #tpu.dimension_semantics<subcore_parallel>], iteration_bounds = array<i64: 2, 16>, scalar_prefetch = 0 : i64, scratch_operands = 5 : i64, tpu.core_type = #tpu.core_type<sc_vector_subcore>, window_params = [{transform_indices = #map}, {transform_indices = #map}, {transform_indices = #map}]} {
    %mul3A = arith.constant 2 : i32
    %mul3A_0 = arith.muli %arg1, %mul3A : i32
    %add3A = arith.addi %mul3A_0, %arg0 : i32
    %mul3A_1 = arith.constant 8 : i32
    %mul3A_2 = arith.muli %add3A, %mul3A_1 : i32
    "tpu.region"() ({
      %run_scoped3A = tpu.sem_alloc : memref<!tpu.dma_semaphore, #tpu.memory_space<semaphore_mem>>
      %dma_start3A_160 = arith.constant 0 : i32
      %dma_start3A_161 = tpu.memref_slice %arg3[%mul3A_2, %dma_start3A_160] : memref<256x128xi32, #tpu.memory_space<hbm>> -> memref<8x128xi32, #tpu.memory_space<hbm>>
      %dma_start3A_162 = arith.constant 0 : i32
      %dma_start3A_163 = tpu.memref_slice %arg3[%mul3A_2, %dma_start3A_162] : memref<256x128xi32, #tpu.memory_space<hbm>> -> memref<8x128xi32, #tpu.memory_space<hbm>>
      tpu.enqueue_dma source(%dma_start3A_163 : memref<8x128xi32, #tpu.memory_space<hbm>>) target(%arg5 : memref<8x128xi32, #tpu.memory_space<vmem>>) target_semaphore(%run_scoped3A : memref<!tpu.dma_semaphore, #tpu.memory_space<semaphore_mem>>)
      %dma_wait3A_164 = arith.constant 0 : i32
      %dma_wait3A_165 = tpu.memref_slice %arg3[%mul3A_2, %dma_wait3A_164] : memref<256x128xi32, #tpu.memory_space<hbm>> -> memref<8x128xi32, #tpu.memory_space<hbm>>
      %dma_wait3A_166 = arith.constant 0 : i32
      %dma_wait3A_167 = tpu.memref_slice %arg3[%mul3A_2, %dma_wait3A_166] : memref<256x128xi32, #tpu.memory_space<hbm>> -> memref<8x128xi32, #tpu.memory_space<hbm>>
      tpu.wait_dma2 semaphore(%run_scoped3A : memref<!tpu.dma_semaphore, #tpu.memory_space<semaphore_mem>>) src(%dma_wait3A_167 : memref<8x128xi32, #tpu.memory_space<hbm>>) dst(%arg5 : memref<8x128xi32, #tpu.memory_space<vmem>>)
      tpu.yield
    }) : () -> ()
    %dma_start3A = arith.constant 0 : i32
    %dma_start3A_3 = arith.constant 0 : i32
    %dma_start3A_4 = tpu.memref_slice %arg5[%dma_start3A, %dma_start3A_3] : memref<8x128xi32, #tpu.memory_space<vmem>> -> memref<1x128xi32, #tpu.memory_space<vmem>>
    %dma_start3A_5 = tpu.memref_squeeze %dma_start3A_4 : memref<1x128xi32, #tpu.memory_space<vmem>> -> memref<128xi32, #tpu.memory_space<vmem>>
    %dma_start3A_6 = arith.constant 0 : i32
    %dma_start3A_7 = arith.constant 0 : i32
    %dma_start3A_8 = tpu.memref_slice %arg2[%dma_start3A_6, %dma_start3A_7] : memref<2048x128xi32, #tpu.memory_space<hbm>> -> memref<2048x128xi32, #tpu.memory_space<hbm>>
    tpu.enqueue_indirect_dma source(%dma_start3A_8 : memref<2048x128xi32, #tpu.memory_space<hbm>>) target(%arg6 : memref<128x128xi32, #tpu.memory_space<vmem>>) offsets(%dma_start3A_5 : memref<128xi32, #tpu.memory_space<vmem>>) semaphore(%arg8 : memref<!tpu.dma_semaphore, #tpu.memory_space<semaphore_mem>>)
    %dma_start3A_9 = arith.constant 1 : i32
    %dma_start3A_10 = arith.constant 0 : i32
    %dma_start3A_11 = tpu.memref_slice %arg5[%dma_start3A_9, %dma_start3A_10] : memref<8x128xi32, #tpu.memory_space<vmem>> -> memref<1x128xi32, #tpu.memory_space<vmem>>
    %dma_start3A_12 = tpu.memref_squeeze %dma_start3A_11 : memref<1x128xi32, #tpu.memory_space<vmem>> -> memref<128xi32, #tpu.memory_space<vmem>>
    %dma_start3A_13 = arith.constant 0 : i32
    %dma_start3A_14 = arith.constant 0 : i32
    %dma_start3A_15 = tpu.memref_slice %arg2[%dma_start3A_13, %dma_start3A_14] : memref<2048x128xi32, #tpu.memory_space<hbm>> -> memref<2048x128xi32, #tpu.memory_space<hbm>>
    tpu.enqueue_indirect_dma source(%dma_start3A_15 : memref<2048x128xi32, #tpu.memory_space<hbm>>) target(%arg7 : memref<128x128xi32, #tpu.memory_space<vmem>>) offsets(%dma_start3A_12 : memref<128xi32, #tpu.memory_space<vmem>>) semaphore(%arg9 : memref<!tpu.dma_semaphore, #tpu.memory_space<semaphore_mem>>)
    %dma_wait3A = arith.constant 0 : i32
    %dma_wait3A_16 = arith.constant 0 : i32
    %dma_wait3A_17 = tpu.memref_slice %arg5[%dma_wait3A, %dma_wait3A_16] : memref<8x128xi32, #tpu.memory_space<vmem>> -> memref<1x128xi32, #tpu.memory_space<vmem>>
    %dma_wait3A_18 = tpu.memref_squeeze %dma_wait3A_17 : memref<1x128xi32, #tpu.memory_space<vmem>> -> memref<128xi32, #tpu.memory_space<vmem>>
    %dma_wait3A_19 = arith.constant 0 : i32
    %dma_wait3A_20 = arith.constant 0 : i32
    %dma_wait3A_21 = tpu.memref_slice %arg2[%dma_wait3A_19, %dma_wait3A_20] : memref<2048x128xi32, #tpu.memory_space<hbm>> -> memref<2048x128xi32, #tpu.memory_space<hbm>>
    tpu.wait_indirect_dma semaphore(%arg8 : memref<!tpu.dma_semaphore, #tpu.memory_space<semaphore_mem>>) src(%dma_wait3A_21 : memref<2048x128xi32, #tpu.memory_space<hbm>>) dst(%arg6 : memref<128x128xi32, #tpu.memory_space<vmem>>)
    %add3A_22 = arith.constant 1 : i32
    %add3A_23 = arith.addi %mul3A_2, %add3A_22 : i32
    %sub3A = arith.constant 1 : i32
    %sub3A_24 = arith.subi %add3A_23, %sub3A : i32
    %mul3A_25 = arith.constant 128 : i32
    %mul3A_26 = arith.muli %sub3A_24, %mul3A_25 : i32
    "tpu.region"() ({
      %run_scoped3A = tpu.sem_alloc : memref<!tpu.dma_semaphore, #tpu.memory_space<semaphore_mem>>
      %dma_start3A_160 = arith.constant 0 : i32
      %dma_start3A_161 = tpu.memref_slice %arg4[%mul3A_26, %dma_start3A_160] : memref<32768x128xi32, #tpu.memory_space<hbm>> -> memref<128x128xi32, #tpu.memory_space<hbm>>
      %dma_start3A_162 = arith.constant 0 : i32
      %dma_start3A_163 = tpu.memref_slice %arg4[%mul3A_26, %dma_start3A_162] : memref<32768x128xi32, #tpu.memory_space<hbm>> -> memref<128x128xi32, #tpu.memory_space<hbm>>
      tpu.enqueue_dma source(%arg6 : memref<128x128xi32, #tpu.memory_space<vmem>>) target(%dma_start3A_163 : memref<128x128xi32, #tpu.memory_space<hbm>>) target_semaphore(%run_scoped3A : memref<!tpu.dma_semaphore, #tpu.memory_space<semaphore_mem>>)
      %dma_wait3A_164 = arith.constant 0 : i32
      %dma_wait3A_165 = tpu.memref_slice %arg4[%mul3A_26, %dma_wait3A_164] : memref<32768x128xi32, #tpu.memory_space<hbm>> -> memref<128x128xi32, #tpu.memory_space<hbm>>
      %dma_wait3A_166 = arith.constant 0 : i32
      %dma_wait3A_167 = tpu.memref_slice %arg4[%mul3A_26, %dma_wait3A_166] : memref<32768x128xi32, #tpu.memory_space<hbm>> -> memref<128x128xi32, #tpu.memory_space<hbm>>
      tpu.wait_dma2 semaphore(%run_scoped3A : memref<!tpu.dma_semaphore, #tpu.memory_space<semaphore_mem>>) src(%arg6 : memref<128x128xi32, #tpu.memory_space<vmem>>) dst(%dma_wait3A_167 : memref<128x128xi32, #tpu.memory_space<hbm>>)
      tpu.yield
    }) : () -> ()
    %dma_start3A_27 = arith.constant 2 : i32
    %dma_start3A_28 = arith.constant 0 : i32
    %dma_start3A_29 = tpu.memref_slice %arg5[%dma_start3A_27, %dma_start3A_28] : memref<8x128xi32, #tpu.memory_space<vmem>> -> memref<1x128xi32, #tpu.memory_space<vmem>>
    %dma_start3A_30 = tpu.memref_squeeze %dma_start3A_29 : memref<1x128xi32, #tpu.memory_space<vmem>> -> memref<128xi32, #tpu.memory_space<vmem>>
    %dma_start3A_31 = arith.constant 0 : i32
    %dma_start3A_32 = arith.constant 0 : i32
    %dma_start3A_33 = tpu.memref_slice %arg2[%dma_start3A_31, %dma_start3A_32] : memref<2048x128xi32, #tpu.memory_space<hbm>> -> memref<2048x128xi32, #tpu.memory_space<hbm>>
    tpu.enqueue_indirect_dma source(%dma_start3A_33 : memref<2048x128xi32, #tpu.memory_space<hbm>>) target(%arg6 : memref<128x128xi32, #tpu.memory_space<vmem>>) offsets(%dma_start3A_30 : memref<128xi32, #tpu.memory_space<vmem>>) semaphore(%arg8 : memref<!tpu.dma_semaphore, #tpu.memory_space<semaphore_mem>>)
    %dma_wait3A_34 = arith.constant 1 : i32
    %dma_wait3A_35 = arith.constant 0 : i32
    %dma_wait3A_36 = tpu.memref_slice %arg5[%dma_wait3A_34, %dma_wait3A_35] : memref<8x128xi32, #tpu.memory_space<vmem>> -> memref<1x128xi32, #tpu.memory_space<vmem>>
    %dma_wait3A_37 = tpu.memref_squeeze %dma_wait3A_36 : memref<1x128xi32, #tpu.memory_space<vmem>> -> memref<128xi32, #tpu.memory_space<vmem>>
    %dma_wait3A_38 = arith.constant 0 : i32
    %dma_wait3A_39 = arith.constant 0 : i32
    %dma_wait3A_40 = tpu.memref_slice %arg2[%dma_wait3A_38, %dma_wait3A_39] : memref<2048x128xi32, #tpu.memory_space<hbm>> -> memref<2048x128xi32, #tpu.memory_space<hbm>>
    tpu.wait_indirect_dma semaphore(%arg9 : memref<!tpu.dma_semaphore, #tpu.memory_space<semaphore_mem>>) src(%dma_wait3A_40 : memref<2048x128xi32, #tpu.memory_space<hbm>>) dst(%arg7 : memref<128x128xi32, #tpu.memory_space<vmem>>)
    %add3A_41 = arith.constant 2 : i32
    %add3A_42 = arith.addi %mul3A_2, %add3A_41 : i32
    %sub3A_43 = arith.constant 1 : i32
    %sub3A_44 = arith.subi %add3A_42, %sub3A_43 : i32
    %mul3A_45 = arith.constant 128 : i32
    %mul3A_46 = arith.muli %sub3A_44, %mul3A_45 : i32
    "tpu.region"() ({
      %run_scoped3A = tpu.sem_alloc : memref<!tpu.dma_semaphore, #tpu.memory_space<semaphore_mem>>
      %dma_start3A_160 = arith.constant 0 : i32
      %dma_start3A_161 = tpu.memref_slice %arg4[%mul3A_46, %dma_start3A_160] : memref<32768x128xi32, #tpu.memory_space<hbm>> -> memref<128x128xi32, #tpu.memory_space<hbm>>
      %dma_start3A_162 = arith.constant 0 : i32
      %dma_start3A_163 = tpu.memref_slice %arg4[%mul3A_46, %dma_start3A_162] : memref<32768x128xi32, #tpu.memory_space<hbm>> -> memref<128x128xi32, #tpu.memory_space<hbm>>
      tpu.enqueue_dma source(%arg7 : memref<128x128xi32, #tpu.memory_space<vmem>>) target(%dma_start3A_163 : memref<128x128xi32, #tpu.memory_space<hbm>>) target_semaphore(%run_scoped3A : memref<!tpu.dma_semaphore, #tpu.memory_space<semaphore_mem>>)
      %dma_wait3A_164 = arith.constant 0 : i32
      %dma_wait3A_165 = tpu.memref_slice %arg4[%mul3A_46, %dma_wait3A_164] : memref<32768x128xi32, #tpu.memory_space<hbm>> -> memref<128x128xi32, #tpu.memory_space<hbm>>
      %dma_wait3A_166 = arith.constant 0 : i32
      %dma_wait3A_167 = tpu.memref_slice %arg4[%mul3A_46, %dma_wait3A_166] : memref<32768x128xi32, #tpu.memory_space<hbm>> -> memref<128x128xi32, #tpu.memory_space<hbm>>
      tpu.wait_dma2 semaphore(%run_scoped3A : memref<!tpu.dma_semaphore, #tpu.memory_space<semaphore_mem>>) src(%arg7 : memref<128x128xi32, #tpu.memory_space<vmem>>) dst(%dma_wait3A_167 : memref<128x128xi32, #tpu.memory_space<hbm>>)
      tpu.yield
    }) : () -> ()
    %dma_start3A_47 = arith.constant 3 : i32
    %dma_start3A_48 = arith.constant 0 : i32
    %dma_start3A_49 = tpu.memref_slice %arg5[%dma_start3A_47, %dma_start3A_48] : memref<8x128xi32, #tpu.memory_space<vmem>> -> memref<1x128xi32, #tpu.memory_space<vmem>>
    %dma_start3A_50 = tpu.memref_squeeze %dma_start3A_49 : memref<1x128xi32, #tpu.memory_space<vmem>> -> memref<128xi32, #tpu.memory_space<vmem>>
    %dma_start3A_51 = arith.constant 0 : i32
    %dma_start3A_52 = arith.constant 0 : i32
    %dma_start3A_53 = tpu.memref_slice %arg2[%dma_start3A_51, %dma_start3A_52] : memref<2048x128xi32, #tpu.memory_space<hbm>> -> memref<2048x128xi32, #tpu.memory_space<hbm>>
    tpu.enqueue_indirect_dma source(%dma_start3A_53 : memref<2048x128xi32, #tpu.memory_space<hbm>>) target(%arg7 : memref<128x128xi32, #tpu.memory_space<vmem>>) offsets(%dma_start3A_50 : memref<128xi32, #tpu.memory_space<vmem>>) semaphore(%arg9 : memref<!tpu.dma_semaphore, #tpu.memory_space<semaphore_mem>>)
    %dma_wait3A_54 = arith.constant 2 : i32
    %dma_wait3A_55 = arith.constant 0 : i32
    %dma_wait3A_56 = tpu.memref_slice %arg5[%dma_wait3A_54, %dma_wait3A_55] : memref<8x128xi32, #tpu.memory_space<vmem>> -> memref<1x128xi32, #tpu.memory_space<vmem>>
    %dma_wait3A_57 = tpu.memref_squeeze %dma_wait3A_56 : memref<1x128xi32, #tpu.memory_space<vmem>> -> memref<128xi32, #tpu.memory_space<vmem>>
    %dma_wait3A_58 = arith.constant 0 : i32
    %dma_wait3A_59 = arith.constant 0 : i32
    %dma_wait3A_60 = tpu.memref_slice %arg2[%dma_wait3A_58, %dma_wait3A_59] : memref<2048x128xi32, #tpu.memory_space<hbm>> -> memref<2048x128xi32, #tpu.memory_space<hbm>>
    tpu.wait_indirect_dma semaphore(%arg8 : memref<!tpu.dma_semaphore, #tpu.memory_space<semaphore_mem>>) src(%dma_wait3A_60 : memref<2048x128xi32, #tpu.memory_space<hbm>>) dst(%arg6 : memref<128x128xi32, #tpu.memory_space<vmem>>)
    %add3A_61 = arith.constant 3 : i32
    %add3A_62 = arith.addi %mul3A_2, %add3A_61 : i32
    %sub3A_63 = arith.constant 1 : i32
    %sub3A_64 = arith.subi %add3A_62, %sub3A_63 : i32
    %mul3A_65 = arith.constant 128 : i32
    %mul3A_66 = arith.muli %sub3A_64, %mul3A_65 : i32
    "tpu.region"() ({
      %run_scoped3A = tpu.sem_alloc : memref<!tpu.dma_semaphore, #tpu.memory_space<semaphore_mem>>
      %dma_start3A_160 = arith.constant 0 : i32
      %dma_start3A_161 = tpu.memref_slice %arg4[%mul3A_66, %dma_start3A_160] : memref<32768x128xi32, #tpu.memory_space<hbm>> -> memref<128x128xi32, #tpu.memory_space<hbm>>
      %dma_start3A_162 = arith.constant 0 : i32
      %dma_start3A_163 = tpu.memref_slice %arg4[%mul3A_66, %dma_start3A_162] : memref<32768x128xi32, #tpu.memory_space<hbm>> -> memref<128x128xi32, #tpu.memory_space<hbm>>
      tpu.enqueue_dma source(%arg6 : memref<128x128xi32, #tpu.memory_space<vmem>>) target(%dma_start3A_163 : memref<128x128xi32, #tpu.memory_space<hbm>>) target_semaphore(%run_scoped3A : memref<!tpu.dma_semaphore, #tpu.memory_space<semaphore_mem>>)
      %dma_wait3A_164 = arith.constant 0 : i32
      %dma_wait3A_165 = tpu.memref_slice %arg4[%mul3A_66, %dma_wait3A_164] : memref<32768x128xi32, #tpu.memory_space<hbm>> -> memref<128x128xi32, #tpu.memory_space<hbm>>
      %dma_wait3A_166 = arith.constant 0 : i32
      %dma_wait3A_167 = tpu.memref_slice %arg4[%mul3A_66, %dma_wait3A_166] : memref<32768x128xi32, #tpu.memory_space<hbm>> -> memref<128x128xi32, #tpu.memory_space<hbm>>
      tpu.wait_dma2 semaphore(%run_scoped3A : memref<!tpu.dma_semaphore, #tpu.memory_space<semaphore_mem>>) src(%arg6 : memref<128x128xi32, #tpu.memory_space<vmem>>) dst(%dma_wait3A_167 : memref<128x128xi32, #tpu.memory_space<hbm>>)
      tpu.yield
    }) : () -> ()
    %dma_start3A_67 = arith.constant 4 : i32
    %dma_start3A_68 = arith.constant 0 : i32
    %dma_start3A_69 = tpu.memref_slice %arg5[%dma_start3A_67, %dma_start3A_68] : memref<8x128xi32, #tpu.memory_space<vmem>> -> memref<1x128xi32, #tpu.memory_space<vmem>>
    %dma_start3A_70 = tpu.memref_squeeze %dma_start3A_69 : memref<1x128xi32, #tpu.memory_space<vmem>> -> memref<128xi32, #tpu.memory_space<vmem>>
    %dma_start3A_71 = arith.constant 0 : i32
    %dma_start3A_72 = arith.constant 0 : i32
    %dma_start3A_73 = tpu.memref_slice %arg2[%dma_start3A_71, %dma_start3A_72] : memref<2048x128xi32, #tpu.memory_space<hbm>> -> memref<2048x128xi32, #tpu.memory_space<hbm>>
    tpu.enqueue_indirect_dma source(%dma_start3A_73 : memref<2048x128xi32, #tpu.memory_space<hbm>>) target(%arg6 : memref<128x128xi32, #tpu.memory_space<vmem>>) offsets(%dma_start3A_70 : memref<128xi32, #tpu.memory_space<vmem>>) semaphore(%arg8 : memref<!tpu.dma_semaphore, #tpu.memory_space<semaphore_mem>>)
    %dma_wait3A_74 = arith.constant 3 : i32
    %dma_wait3A_75 = arith.constant 0 : i32
    %dma_wait3A_76 = tpu.memref_slice %arg5[%dma_wait3A_74, %dma_wait3A_75] : memref<8x128xi32, #tpu.memory_space<vmem>> -> memref<1x128xi32, #tpu.memory_space<vmem>>
    %dma_wait3A_77 = tpu.memref_squeeze %dma_wait3A_76 : memref<1x128xi32, #tpu.memory_space<vmem>> -> memref<128xi32, #tpu.memory_space<vmem>>
    %dma_wait3A_78 = arith.constant 0 : i32
    %dma_wait3A_79 = arith.constant 0 : i32
    %dma_wait3A_80 = tpu.memref_slice %arg2[%dma_wait3A_78, %dma_wait3A_79] : memref<2048x128xi32, #tpu.memory_space<hbm>> -> memref<2048x128xi32, #tpu.memory_space<hbm>>
    tpu.wait_indirect_dma semaphore(%arg9 : memref<!tpu.dma_semaphore, #tpu.memory_space<semaphore_mem>>) src(%dma_wait3A_80 : memref<2048x128xi32, #tpu.memory_space<hbm>>) dst(%arg7 : memref<128x128xi32, #tpu.memory_space<vmem>>)
    %add3A_81 = arith.constant 4 : i32
    %add3A_82 = arith.addi %mul3A_2, %add3A_81 : i32
    %sub3A_83 = arith.constant 1 : i32
    %sub3A_84 = arith.subi %add3A_82, %sub3A_83 : i32
    %mul3A_85 = arith.constant 128 : i32
    %mul3A_86 = arith.muli %sub3A_84, %mul3A_85 : i32
    "tpu.region"() ({
      %run_scoped3A = tpu.sem_alloc : memref<!tpu.dma_semaphore, #tpu.memory_space<semaphore_mem>>
      %dma_start3A_160 = arith.constant 0 : i32
      %dma_start3A_161 = tpu.memref_slice %arg4[%mul3A_86, %dma_start3A_160] : memref<32768x128xi32, #tpu.memory_space<hbm>> -> memref<128x128xi32, #tpu.memory_space<hbm>>
      %dma_start3A_162 = arith.constant 0 : i32
      %dma_start3A_163 = tpu.memref_slice %arg4[%mul3A_86, %dma_start3A_162] : memref<32768x128xi32, #tpu.memory_space<hbm>> -> memref<128x128xi32, #tpu.memory_space<hbm>>
      tpu.enqueue_dma source(%arg7 : memref<128x128xi32, #tpu.memory_space<vmem>>) target(%dma_start3A_163 : memref<128x128xi32, #tpu.memory_space<hbm>>) target_semaphore(%run_scoped3A : memref<!tpu.dma_semaphore, #tpu.memory_space<semaphore_mem>>)
      %dma_wait3A_164 = arith.constant 0 : i32
      %dma_wait3A_165 = tpu.memref_slice %arg4[%mul3A_86, %dma_wait3A_164] : memref<32768x128xi32, #tpu.memory_space<hbm>> -> memref<128x128xi32, #tpu.memory_space<hbm>>
      %dma_wait3A_166 = arith.constant 0 : i32
      %dma_wait3A_167 = tpu.memref_slice %arg4[%mul3A_86, %dma_wait3A_166] : memref<32768x128xi32, #tpu.memory_space<hbm>> -> memref<128x128xi32, #tpu.memory_space<hbm>>
      tpu.wait_dma2 semaphore(%run_scoped3A : memref<!tpu.dma_semaphore, #tpu.memory_space<semaphore_mem>>) src(%arg7 : memref<128x128xi32, #tpu.memory_space<vmem>>) dst(%dma_wait3A_167 : memref<128x128xi32, #tpu.memory_space<hbm>>)
      tpu.yield
    }) : () -> ()
    %dma_start3A_87 = arith.constant 5 : i32
    %dma_start3A_88 = arith.constant 0 : i32
    %dma_start3A_89 = tpu.memref_slice %arg5[%dma_start3A_87, %dma_start3A_88] : memref<8x128xi32, #tpu.memory_space<vmem>> -> memref<1x128xi32, #tpu.memory_space<vmem>>
    %dma_start3A_90 = tpu.memref_squeeze %dma_start3A_89 : memref<1x128xi32, #tpu.memory_space<vmem>> -> memref<128xi32, #tpu.memory_space<vmem>>
    %dma_start3A_91 = arith.constant 0 : i32
    %dma_start3A_92 = arith.constant 0 : i32
    %dma_start3A_93 = tpu.memref_slice %arg2[%dma_start3A_91, %dma_start3A_92] : memref<2048x128xi32, #tpu.memory_space<hbm>> -> memref<2048x128xi32, #tpu.memory_space<hbm>>
    tpu.enqueue_indirect_dma source(%dma_start3A_93 : memref<2048x128xi32, #tpu.memory_space<hbm>>) target(%arg7 : memref<128x128xi32, #tpu.memory_space<vmem>>) offsets(%dma_start3A_90 : memref<128xi32, #tpu.memory_space<vmem>>) semaphore(%arg9 : memref<!tpu.dma_semaphore, #tpu.memory_space<semaphore_mem>>)
    %dma_wait3A_94 = arith.constant 4 : i32
    %dma_wait3A_95 = arith.constant 0 : i32
    %dma_wait3A_96 = tpu.memref_slice %arg5[%dma_wait3A_94, %dma_wait3A_95] : memref<8x128xi32, #tpu.memory_space<vmem>> -> memref<1x128xi32, #tpu.memory_space<vmem>>
    %dma_wait3A_97 = tpu.memref_squeeze %dma_wait3A_96 : memref<1x128xi32, #tpu.memory_space<vmem>> -> memref<128xi32, #tpu.memory_space<vmem>>
    %dma_wait3A_98 = arith.constant 0 : i32
    %dma_wait3A_99 = arith.constant 0 : i32
    %dma_wait3A_100 = tpu.memref_slice %arg2[%dma_wait3A_98, %dma_wait3A_99] : memref<2048x128xi32, #tpu.memory_space<hbm>> -> memref<2048x128xi32, #tpu.memory_space<hbm>>
    tpu.wait_indirect_dma semaphore(%arg8 : memref<!tpu.dma_semaphore, #tpu.memory_space<semaphore_mem>>) src(%dma_wait3A_100 : memref<2048x128xi32, #tpu.memory_space<hbm>>) dst(%arg6 : memref<128x128xi32, #tpu.memory_space<vmem>>)
    %add3A_101 = arith.constant 5 : i32
    %add3A_102 = arith.addi %mul3A_2, %add3A_101 : i32
    %sub3A_103 = arith.constant 1 : i32
    %sub3A_104 = arith.subi %add3A_102, %sub3A_103 : i32
    %mul3A_105 = arith.constant 128 : i32
    %mul3A_106 = arith.muli %sub3A_104, %mul3A_105 : i32
    "tpu.region"() ({
      %run_scoped3A = tpu.sem_alloc : memref<!tpu.dma_semaphore, #tpu.memory_space<semaphore_mem>>
      %dma_start3A_160 = arith.constant 0 : i32
      %dma_start3A_161 = tpu.memref_slice %arg4[%mul3A_106, %dma_start3A_160] : memref<32768x128xi32, #tpu.memory_space<hbm>> -> memref<128x128xi32, #tpu.memory_space<hbm>>
      %dma_start3A_162 = arith.constant 0 : i32
      %dma_start3A_163 = tpu.memref_slice %arg4[%mul3A_106, %dma_start3A_162] : memref<32768x128xi32, #tpu.memory_space<hbm>> -> memref<128x128xi32, #tpu.memory_space<hbm>>
      tpu.enqueue_dma source(%arg6 : memref<128x128xi32, #tpu.memory_space<vmem>>) target(%dma_start3A_163 : memref<128x128xi32, #tpu.memory_space<hbm>>) target_semaphore(%run_scoped3A : memref<!tpu.dma_semaphore, #tpu.memory_space<semaphore_mem>>)
      %dma_wait3A_164 = arith.constant 0 : i32
      %dma_wait3A_165 = tpu.memref_slice %arg4[%mul3A_106, %dma_wait3A_164] : memref<32768x128xi32, #tpu.memory_space<hbm>> -> memref<128x128xi32, #tpu.memory_space<hbm>>
      %dma_wait3A_166 = arith.constant 0 : i32
      %dma_wait3A_167 = tpu.memref_slice %arg4[%mul3A_106, %dma_wait3A_166] : memref<32768x128xi32, #tpu.memory_space<hbm>> -> memref<128x128xi32, #tpu.memory_space<hbm>>
      tpu.wait_dma2 semaphore(%run_scoped3A : memref<!tpu.dma_semaphore, #tpu.memory_space<semaphore_mem>>) src(%arg6 : memref<128x128xi32, #tpu.memory_space<vmem>>) dst(%dma_wait3A_167 : memref<128x128xi32, #tpu.memory_space<hbm>>)
      tpu.yield
    }) : () -> ()
    %dma_start3A_107 = arith.constant 6 : i32
    %dma_start3A_108 = arith.constant 0 : i32
    %dma_start3A_109 = tpu.memref_slice %arg5[%dma_start3A_107, %dma_start3A_108] : memref<8x128xi32, #tpu.memory_space<vmem>> -> memref<1x128xi32, #tpu.memory_space<vmem>>
    %dma_start3A_110 = tpu.memref_squeeze %dma_start3A_109 : memref<1x128xi32, #tpu.memory_space<vmem>> -> memref<128xi32, #tpu.memory_space<vmem>>
    %dma_start3A_111 = arith.constant 0 : i32
    %dma_start3A_112 = arith.constant 0 : i32
    %dma_start3A_113 = tpu.memref_slice %arg2[%dma_start3A_111, %dma_start3A_112] : memref<2048x128xi32, #tpu.memory_space<hbm>> -> memref<2048x128xi32, #tpu.memory_space<hbm>>
    tpu.enqueue_indirect_dma source(%dma_start3A_113 : memref<2048x128xi32, #tpu.memory_space<hbm>>) target(%arg6 : memref<128x128xi32, #tpu.memory_space<vmem>>) offsets(%dma_start3A_110 : memref<128xi32, #tpu.memory_space<vmem>>) semaphore(%arg8 : memref<!tpu.dma_semaphore, #tpu.memory_space<semaphore_mem>>)
    %dma_wait3A_114 = arith.constant 5 : i32
    %dma_wait3A_115 = arith.constant 0 : i32
    %dma_wait3A_116 = tpu.memref_slice %arg5[%dma_wait3A_114, %dma_wait3A_115] : memref<8x128xi32, #tpu.memory_space<vmem>> -> memref<1x128xi32, #tpu.memory_space<vmem>>
    %dma_wait3A_117 = tpu.memref_squeeze %dma_wait3A_116 : memref<1x128xi32, #tpu.memory_space<vmem>> -> memref<128xi32, #tpu.memory_space<vmem>>
    %dma_wait3A_118 = arith.constant 0 : i32
    %dma_wait3A_119 = arith.constant 0 : i32
    %dma_wait3A_120 = tpu.memref_slice %arg2[%dma_wait3A_118, %dma_wait3A_119] : memref<2048x128xi32, #tpu.memory_space<hbm>> -> memref<2048x128xi32, #tpu.memory_space<hbm>>
    tpu.wait_indirect_dma semaphore(%arg9 : memref<!tpu.dma_semaphore, #tpu.memory_space<semaphore_mem>>) src(%dma_wait3A_120 : memref<2048x128xi32, #tpu.memory_space<hbm>>) dst(%arg7 : memref<128x128xi32, #tpu.memory_space<vmem>>)
    %add3A_121 = arith.constant 6 : i32
    %add3A_122 = arith.addi %mul3A_2, %add3A_121 : i32
    %sub3A_123 = arith.constant 1 : i32
    %sub3A_124 = arith.subi %add3A_122, %sub3A_123 : i32
    %mul3A_125 = arith.constant 128 : i32
    %mul3A_126 = arith.muli %sub3A_124, %mul3A_125 : i32
    "tpu.region"() ({
      %run_scoped3A = tpu.sem_alloc : memref<!tpu.dma_semaphore, #tpu.memory_space<semaphore_mem>>
      %dma_start3A_160 = arith.constant 0 : i32
      %dma_start3A_161 = tpu.memref_slice %arg4[%mul3A_126, %dma_start3A_160] : memref<32768x128xi32, #tpu.memory_space<hbm>> -> memref<128x128xi32, #tpu.memory_space<hbm>>
      %dma_start3A_162 = arith.constant 0 : i32
      %dma_start3A_163 = tpu.memref_slice %arg4[%mul3A_126, %dma_start3A_162] : memref<32768x128xi32, #tpu.memory_space<hbm>> -> memref<128x128xi32, #tpu.memory_space<hbm>>
      tpu.enqueue_dma source(%arg7 : memref<128x128xi32, #tpu.memory_space<vmem>>) target(%dma_start3A_163 : memref<128x128xi32, #tpu.memory_space<hbm>>) target_semaphore(%run_scoped3A : memref<!tpu.dma_semaphore, #tpu.memory_space<semaphore_mem>>)
      %dma_wait3A_164 = arith.constant 0 : i32
      %dma_wait3A_165 = tpu.memref_slice %arg4[%mul3A_126, %dma_wait3A_164] : memref<32768x128xi32, #tpu.memory_space<hbm>> -> memref<128x128xi32, #tpu.memory_space<hbm>>
      %dma_wait3A_166 = arith.constant 0 : i32
      %dma_wait3A_167 = tpu.memref_slice %arg4[%mul3A_126, %dma_wait3A_166] : memref<32768x128xi32, #tpu.memory_space<hbm>> -> memref<128x128xi32, #tpu.memory_space<hbm>>
      tpu.wait_dma2 semaphore(%run_scoped3A : memref<!tpu.dma_semaphore, #tpu.memory_space<semaphore_mem>>) src(%arg7 : memref<128x128xi32, #tpu.memory_space<vmem>>) dst(%dma_wait3A_167 : memref<128x128xi32, #tpu.memory_space<hbm>>)
      tpu.yield
    }) : () -> ()
    %dma_start3A_127 = arith.constant 7 : i32
    %dma_start3A_128 = arith.constant 0 : i32
    %dma_start3A_129 = tpu.memref_slice %arg5[%dma_start3A_127, %dma_start3A_128] : memref<8x128xi32, #tpu.memory_space<vmem>> -> memref<1x128xi32, #tpu.memory_space<vmem>>
    %dma_start3A_130 = tpu.memref_squeeze %dma_start3A_129 : memref<1x128xi32, #tpu.memory_space<vmem>> -> memref<128xi32, #tpu.memory_space<vmem>>
    %dma_start3A_131 = arith.constant 0 : i32
    %dma_start3A_132 = arith.constant 0 : i32
    %dma_start3A_133 = tpu.memref_slice %arg2[%dma_start3A_131, %dma_start3A_132] : memref<2048x128xi32, #tpu.memory_space<hbm>> -> memref<2048x128xi32, #tpu.memory_space<hbm>>
    tpu.enqueue_indirect_dma source(%dma_start3A_133 : memref<2048x128xi32, #tpu.memory_space<hbm>>) target(%arg7 : memref<128x128xi32, #tpu.memory_space<vmem>>) offsets(%dma_start3A_130 : memref<128xi32, #tpu.memory_space<vmem>>) semaphore(%arg9 : memref<!tpu.dma_semaphore, #tpu.memory_space<semaphore_mem>>)
    %dma_wait3A_134 = arith.constant 6 : i32
    %dma_wait3A_135 = arith.constant 0 : i32
    %dma_wait3A_136 = tpu.memref_slice %arg5[%dma_wait3A_134, %dma_wait3A_135] : memref<8x128xi32, #tpu.memory_space<vmem>> -> memref<1x128xi32, #tpu.memory_space<vmem>>
    %dma_wait3A_137 = tpu.memref_squeeze %dma_wait3A_136 : memref<1x128xi32, #tpu.memory_space<vmem>> -> memref<128xi32, #tpu.memory_space<vmem>>
    %dma_wait3A_138 = arith.constant 0 : i32
    %dma_wait3A_139 = arith.constant 0 : i32
    %dma_wait3A_140 = tpu.memref_slice %arg2[%dma_wait3A_138, %dma_wait3A_139] : memref<2048x128xi32, #tpu.memory_space<hbm>> -> memref<2048x128xi32, #tpu.memory_space<hbm>>
    tpu.wait_indirect_dma semaphore(%arg8 : memref<!tpu.dma_semaphore, #tpu.memory_space<semaphore_mem>>) src(%dma_wait3A_140 : memref<2048x128xi32, #tpu.memory_space<hbm>>) dst(%arg6 : memref<128x128xi32, #tpu.memory_space<vmem>>)
    %add3A_141 = arith.constant 7 : i32
    %add3A_142 = arith.addi %mul3A_2, %add3A_141 : i32
    %sub3A_143 = arith.constant 1 : i32
    %sub3A_144 = arith.subi %add3A_142, %sub3A_143 : i32
    %mul3A_145 = arith.constant 128 : i32
    %mul3A_146 = arith.muli %sub3A_144, %mul3A_145 : i32
    "tpu.region"() ({
      %run_scoped3A = tpu.sem_alloc : memref<!tpu.dma_semaphore, #tpu.memory_space<semaphore_mem>>
      %dma_start3A_160 = arith.constant 0 : i32
      %dma_start3A_161 = tpu.memref_slice %arg4[%mul3A_146, %dma_start3A_160] : memref<32768x128xi32, #tpu.memory_space<hbm>> -> memref<128x128xi32, #tpu.memory_space<hbm>>
      %dma_start3A_162 = arith.constant 0 : i32
      %dma_start3A_163 = tpu.memref_slice %arg4[%mul3A_146, %dma_start3A_162] : memref<32768x128xi32, #tpu.memory_space<hbm>> -> memref<128x128xi32, #tpu.memory_space<hbm>>
      tpu.enqueue_dma source(%arg6 : memref<128x128xi32, #tpu.memory_space<vmem>>) target(%dma_start3A_163 : memref<128x128xi32, #tpu.memory_space<hbm>>) target_semaphore(%run_scoped3A : memref<!tpu.dma_semaphore, #tpu.memory_space<semaphore_mem>>)
      %dma_wait3A_164 = arith.constant 0 : i32
      %dma_wait3A_165 = tpu.memref_slice %arg4[%mul3A_146, %dma_wait3A_164] : memref<32768x128xi32, #tpu.memory_space<hbm>> -> memref<128x128xi32, #tpu.memory_space<hbm>>
      %dma_wait3A_166 = arith.constant 0 : i32
      %dma_wait3A_167 = tpu.memref_slice %arg4[%mul3A_146, %dma_wait3A_166] : memref<32768x128xi32, #tpu.memory_space<hbm>> -> memref<128x128xi32, #tpu.memory_space<hbm>>
      tpu.wait_dma2 semaphore(%run_scoped3A : memref<!tpu.dma_semaphore, #tpu.memory_space<semaphore_mem>>) src(%arg6 : memref<128x128xi32, #tpu.memory_space<vmem>>) dst(%dma_wait3A_167 : memref<128x128xi32, #tpu.memory_space<hbm>>)
      tpu.yield
    }) : () -> ()
    %dma_wait3A_147 = arith.constant 7 : i32
    %dma_wait3A_148 = arith.constant 0 : i32
    %dma_wait3A_149 = tpu.memref_slice %arg5[%dma_wait3A_147, %dma_wait3A_148] : memref<8x128xi32, #tpu.memory_space<vmem>> -> memref<1x128xi32, #tpu.memory_space<vmem>>
    %dma_wait3A_150 = tpu.memref_squeeze %dma_wait3A_149 : memref<1x128xi32, #tpu.memory_space<vmem>> -> memref<128xi32, #tpu.memory_space<vmem>>
    %dma_wait3A_151 = arith.constant 0 : i32
    %dma_wait3A_152 = arith.constant 0 : i32
    %dma_wait3A_153 = tpu.memref_slice %arg2[%dma_wait3A_151, %dma_wait3A_152] : memref<2048x128xi32, #tpu.memory_space<hbm>> -> memref<2048x128xi32, #tpu.memory_space<hbm>>
    tpu.wait_indirect_dma semaphore(%arg9 : memref<!tpu.dma_semaphore, #tpu.memory_space<semaphore_mem>>) src(%dma_wait3A_153 : memref<2048x128xi32, #tpu.memory_space<hbm>>) dst(%arg7 : memref<128x128xi32, #tpu.memory_space<vmem>>)
    %add3A_154 = arith.constant 8 : i32
    %add3A_155 = arith.addi %mul3A_2, %add3A_154 : i32
    %sub3A_156 = arith.constant 1 : i32
    %sub3A_157 = arith.subi %add3A_155, %sub3A_156 : i32
    %mul3A_158 = arith.constant 128 : i32
    %mul3A_159 = arith.muli %sub3A_157, %mul3A_158 : i32
    "tpu.region"() ({
      %run_scoped3A = tpu.sem_alloc : memref<!tpu.dma_semaphore, #tpu.memory_space<semaphore_mem>>
      %dma_start3A_160 = arith.constant 0 : i32
      %dma_start3A_161 = tpu.memref_slice %arg4[%mul3A_159, %dma_start3A_160] : memref<32768x128xi32, #tpu.memory_space<hbm>> -> memref<128x128xi32, #tpu.memory_space<hbm>>
      %dma_start3A_162 = arith.constant 0 : i32
      %dma_start3A_163 = tpu.memref_slice %arg4[%mul3A_159, %dma_start3A_162] : memref<32768x128xi32, #tpu.memory_space<hbm>> -> memref<128x128xi32, #tpu.memory_space<hbm>>
      tpu.enqueue_dma source(%arg7 : memref<128x128xi32, #tpu.memory_space<vmem>>) target(%dma_start3A_163 : memref<128x128xi32, #tpu.memory_space<hbm>>) target_semaphore(%run_scoped3A : memref<!tpu.dma_semaphore, #tpu.memory_space<semaphore_mem>>)
      %dma_wait3A_164 = arith.constant 0 : i32
      %dma_wait3A_165 = tpu.memref_slice %arg4[%mul3A_159, %dma_wait3A_164] : memref<32768x128xi32, #tpu.memory_space<hbm>> -> memref<128x128xi32, #tpu.memory_space<hbm>>
      %dma_wait3A_166 = arith.constant 0 : i32
      %dma_wait3A_167 = tpu.memref_slice %arg4[%mul3A_159, %dma_wait3A_166] : memref<32768x128xi32, #tpu.memory_space<hbm>> -> memref<128x128xi32, #tpu.memory_space<hbm>>
      tpu.wait_dma2 semaphore(%run_scoped3A : memref<!tpu.dma_semaphore, #tpu.memory_space<semaphore_mem>>) src(%arg7 : memref<128x128xi32, #tpu.memory_space<vmem>>) dst(%dma_wait3A_167 : memref<128x128xi32, #tpu.memory_space<hbm>>)
      tpu.yield
    }) : () -> ()
    return
  }
}

#map = affine_map<(d0, d1) -> (0, 0)>
module attributes {stable_mosaic.version = 14 : i64} {
  func.func @_gather_body(%arg0: i32, %arg1: i32, %arg2: memref<2048x128xi32, #tpu.memory_space<hbm>>, %arg3: memref<256x128xi32, #tpu.memory_space<hbm>>, %arg4: memref<32768x128xi32, #tpu.memory_space<hbm>>, %arg5: memref<8x128xi32, #tpu.memory_space<vmem>>, %arg6: memref<128x128xi32, #tpu.memory_space<vmem>>, %arg7: memref<128x128xi32, #tpu.memory_space<vmem>>, %arg8: memref<!tpu.dma_semaphore, #tpu.memory_space<semaphore_mem>>, %arg9: memref<!tpu.dma_semaphore, #tpu.memory_space<semaphore_mem>>) attributes {dimension_semantics = [#tpu.dimension_semantics<core_parallel>, #tpu.dimension_semantics<subcore_parallel>], iteration_bounds = array<i64: 2, 16>, scalar_prefetch = 0 : i64, scratch_operands = 5 : i64, tpu.core_type = #tpu.core_type<sc_vector_subcore>, window_params = [{transform_indices = #map}, {transform_indices = #map}, {transform_indices = #map}]} {
    %mul3A = arith.constant 2 : i32
    %mul3A_0 = arith.muli %arg1, %mul3A : i32
    %add3A = arith.addi %mul3A_0, %arg0 : i32
    %mul3A_1 = arith.constant 8 : i32
    %mul3A_2 = arith.muli %add3A, %mul3A_1 : i32
    "tpu.region"() ({
      %run_scoped3A = tpu.sem_alloc : memref<!tpu.dma_semaphore, #tpu.memory_space<semaphore_mem>>
      %dma_start3A_160 = arith.constant 0 : i32
      %dma_start3A_161 = tpu.memref_slice %arg3[%mul3A_2, %dma_start3A_160] : memref<256x128xi32, #tpu.memory_space<hbm>> -> memref<8x128xi32, #tpu.memory_space<hbm>>
      %dma_start3A_162 = arith.constant 0 : i32
      %dma_start3A_163 = tpu.memref_slice %arg3[%mul3A_2, %dma_start3A_162] : memref<256x128xi32, #tpu.memory_space<hbm>> -> memref<8x128xi32, #tpu.memory_space<hbm>>
      tpu.enqueue_dma source(%dma_start3A_163 : memref<8x128xi32, #tpu.memory_space<hbm>>) target(%arg5 : memref<8x128xi32, #tpu.memory_space<vmem>>) target_semaphore(%run_scoped3A : memref<!tpu.dma_semaphore, #tpu.memory_space<semaphore_mem>>)
      %dma_wait3A_164 = arith.constant 0 : i32
      %dma_wait3A_165 = tpu.memref_slice %arg3[%mul3A_2, %dma_wait3A_164] : memref<256x128xi32, #tpu.memory_space<hbm>> -> memref<8x128xi32, #tpu.memory_space<hbm>>
      %dma_wait3A_166 = arith.constant 0 : i32
      %dma_wait3A_167 = tpu.memref_slice %arg3[%mul3A_2, %dma_wait3A_166] : memref<256x128xi32, #tpu.memory_space<hbm>> -> memref<8x128xi32, #tpu.memory_space<hbm>>
      tpu.wait_dma2 semaphore(%run_scoped3A : memref<!tpu.dma_semaphore, #tpu.memory_space<semaphore_mem>>) src(%dma_wait3A_167 : memref<8x128xi32, #tpu.memory_space<hbm>>) dst(%arg5 : memref<8x128xi32, #tpu.memory_space<vmem>>)
      tpu.yield
    }) : () -> ()
    %dma_start3A = arith.constant 0 : i32
    %dma_start3A_3 = arith.constant 0 : i32
    %dma_start3A_4 = tpu.memref_slice %arg5[%dma_start3A, %dma_start3A_3] : memref<8x128xi32, #tpu.memory_space<vmem>> -> memref<1x128xi32, #tpu.memory_space<vmem>>
    %dma_start3A_5 = tpu.memref_squeeze %dma_start3A_4 : memref<1x128xi32, #tpu.memory_space<vmem>> -> memref<128xi32, #tpu.memory_space<vmem>>
    %dma_start3A_6 = arith.constant 0 : i32
    %dma_start3A_7 = arith.constant 0 : i32
    %dma_start3A_8 = tpu.memref_slice %arg2[%dma_start3A_6, %dma_start3A_7] : memref<2048x128xi32, #tpu.memory_space<hbm>> -> memref<2048x128xi32, #tpu.memory_space<hbm>>
    tpu.enqueue_indirect_dma source(%dma_start3A_8 : memref<2048x128xi32, #tpu.memory_space<hbm>>) target(%arg6 : memref<128x128xi32, #tpu.memory_space<vmem>>) offsets(%dma_start3A_5 : memref<128xi32, #tpu.memory_space<vmem>>) semaphore(%arg8 : memref<!tpu.dma_semaphore, #tpu.memory_space<semaphore_mem>>)
    %dma_start3A_9 = arith.constant 1 : i32
    %dma_start3A_10 = arith.constant 0 : i32
    %dma_start3A_11 = tpu.memref_slice %arg5[%dma_start3A_9, %dma_start3A_10] : memref<8x128xi32, #tpu.memory_space<vmem>> -> memref<1x128xi32, #tpu.memory_space<vmem>>
    %dma_start3A_12 = tpu.memref_squeeze %dma_start3A_11 : memref<1x128xi32, #tpu.memory_space<vmem>> -> memref<128xi32, #tpu.memory_space<vmem>>
    %dma_start3A_13 = arith.constant 0 : i32
    %dma_start3A_14 = arith.constant 0 : i32
    %dma_start3A_15 = tpu.memref_slice %arg2[%dma_start3A_13, %dma_start3A_14] : memref<2048x128xi32, #tpu.memory_space<hbm>> -> memref<2048x128xi32, #tpu.memory_space<hbm>>
    tpu.enqueue_indirect_dma source(%dma_start3A_15 : memref<2048x128xi32, #tpu.memory_space<hbm>>) target(%arg7 : memref<128x128xi32, #tpu.memory_space<vmem>>) offsets(%dma_start3A_12 : memref<128xi32, #tpu.memory_space<vmem>>) semaphore(%arg9 : memref<!tpu.dma_semaphore, #tpu.memory_space<semaphore_mem>>)
    %dma_wait3A = arith.constant 0 : i32
    %dma_wait3A_16 = arith.constant 0 : i32
    %dma_wait3A_17 = tpu.memref_slice %arg5[%dma_wait3A, %dma_wait3A_16] : memref<8x128xi32, #tpu.memory_space<vmem>> -> memref<1x128xi32, #tpu.memory_space<vmem>>
    %dma_wait3A_18 = tpu.memref_squeeze %dma_wait3A_17 : memref<1x128xi32, #tpu.memory_space<vmem>> -> memref<128xi32, #tpu.memory_space<vmem>>
    %dma_wait3A_19 = arith.constant 0 : i32
    %dma_wait3A_20 = arith.constant 0 : i32
    %dma_wait3A_21 = tpu.memref_slice %arg2[%dma_wait3A_19, %dma_wait3A_20] : memref<2048x128xi32, #tpu.memory_space<hbm>> -> memref<2048x128xi32, #tpu.memory_space<hbm>>
    tpu.wait_indirect_dma semaphore(%arg8 : memref<!tpu.dma_semaphore, #tpu.memory_space<semaphore_mem>>) src(%dma_wait3A_21 : memref<2048x128xi32, #tpu.memory_space<hbm>>) dst(%arg6 : memref<128x128xi32, #tpu.memory_space<vmem>>)
    %add3A_22 = arith.constant 1 : i32
    %add3A_23 = arith.addi %mul3A_2, %add3A_22 : i32
    %sub3A = arith.constant 1 : i32
    %sub3A_24 = arith.subi %add3A_23, %sub3A : i32
    %mul3A_25 = arith.constant 128 : i32
    %mul3A_26 = arith.muli %sub3A_24, %mul3A_25 : i32
    "tpu.region"() ({
      %run_scoped3A = tpu.sem_alloc : memref<!tpu.dma_semaphore, #tpu.memory_space<semaphore_mem>>
      %dma_start3A_160 = arith.constant 0 : i32
      %dma_start3A_161 = tpu.memref_slice %arg4[%mul3A_26, %dma_start3A_160] : memref<32768x128xi32, #tpu.memory_space<hbm>> -> memref<128x128xi32, #tpu.memory_space<hbm>>
      %dma_start3A_162 = arith.constant 0 : i32
      %dma_start3A_163 = tpu.memref_slice %arg4[%mul3A_26, %dma_start3A_162] : memref<32768x128xi32, #tpu.memory_space<hbm>> -> memref<128x128xi32, #tpu.memory_space<hbm>>
      tpu.enqueue_dma source(%arg6 : memref<128x128xi32, #tpu.memory_space<vmem>>) target(%dma_start3A_163 : memref<128x128xi32, #tpu.memory_space<hbm>>) target_semaphore(%run_scoped3A : memref<!tpu.dma_semaphore, #tpu.memory_space<semaphore_mem>>)
      %dma_wait3A_164 = arith.constant 0 : i32
      %dma_wait3A_165 = tpu.memref_slice %arg4[%mul3A_26, %dma_wait3A_164] : memref<32768x128xi32, #tpu.memory_space<hbm>> -> memref<128x128xi32, #tpu.memory_space<hbm>>
      %dma_wait3A_166 = arith.constant 0 : i32
      %dma_wait3A_167 = tpu.memref_slice %arg4[%mul3A_26, %dma_wait3A_166] : memref<32768x128xi32, #tpu.memory_space<hbm>> -> memref<128x128xi32, #tpu.memory_space<hbm>>
      tpu.wait_dma2 semaphore(%run_scoped3A : memref<!tpu.dma_semaphore, #tpu.memory_space<semaphore_mem>>) src(%arg6 : memref<128x128xi32, #tpu.memory_space<vmem>>) dst(%dma_wait3A_167 : memref<128x128xi32, #tpu.memory_space<hbm>>)
      tpu.yield
    }) : () -> ()
    %dma_start3A_27 = arith.constant 2 : i32
    %dma_start3A_28 = arith.constant 0 : i32
    %dma_start3A_29 = tpu.memref_slice %arg5[%dma_start3A_27, %dma_start3A_28] : memref<8x128xi32, #tpu.memory_space<vmem>> -> memref<1x128xi32, #tpu.memory_space<vmem>>
    %dma_start3A_30 = tpu.memref_squeeze %dma_start3A_29 : memref<1x128xi32, #tpu.memory_space<vmem>> -> memref<128xi32, #tpu.memory_space<vmem>>
    %dma_start3A_31 = arith.constant 0 : i32
    %dma_start3A_32 = arith.constant 0 : i32
    %dma_start3A_33 = tpu.memref_slice %arg2[%dma_start3A_31, %dma_start3A_32] : memref<2048x128xi32, #tpu.memory_space<hbm>> -> memref<2048x128xi32, #tpu.memory_space<hbm>>
    tpu.enqueue_indirect_dma source(%dma_start3A_33 : memref<2048x128xi32, #tpu.memory_space<hbm>>) target(%arg6 : memref<128x128xi32, #tpu.memory_space<vmem>>) offsets(%dma_start3A_30 : memref<128xi32, #tpu.memory_space<vmem>>) semaphore(%arg8 : memref<!tpu.dma_semaphore, #tpu.memory_space<semaphore_mem>>)
    %dma_wait3A_34 = arith.constant 1 : i32
    %dma_wait3A_35 = arith.constant 0 : i32
    %dma_wait3A_36 = tpu.memref_slice %arg5[%dma_wait3A_34, %dma_wait3A_35] : memref<8x128xi32, #tpu.memory_space<vmem>> -> memref<1x128xi32, #tpu.memory_space<vmem>>
    %dma_wait3A_37 = tpu.memref_squeeze %dma_wait3A_36 : memref<1x128xi32, #tpu.memory_space<vmem>> -> memref<128xi32, #tpu.memory_space<vmem>>
    %dma_wait3A_38 = arith.constant 0 : i32
    %dma_wait3A_39 = arith.constant 0 : i32
    %dma_wait3A_40 = tpu.memref_slice %arg2[%dma_wait3A_38, %dma_wait3A_39] : memref<2048x128xi32, #tpu.memory_space<hbm>> -> memref<2048x128xi32, #tpu.memory_space<hbm>>
    tpu.wait_indirect_dma semaphore(%arg9 : memref<!tpu.dma_semaphore, #tpu.memory_space<semaphore_mem>>) src(%dma_wait3A_40 : memref<2048x128xi32, #tpu.memory_space<hbm>>) dst(%arg7 : memref<128x128xi32, #tpu.memory_space<vmem>>)
    %add3A_41 = arith.constant 2 : i32
    %add3A_42 = arith.addi %mul3A_2, %add3A_41 : i32
    %sub3A_43 = arith.constant 1 : i32
    %sub3A_44 = arith.subi %add3A_42, %sub3A_43 : i32
    %mul3A_45 = arith.constant 128 : i32
    %mul3A_46 = arith.muli %sub3A_44, %mul3A_45 : i32
    "tpu.region"() ({
      %run_scoped3A = tpu.sem_alloc : memref<!tpu.dma_semaphore, #tpu.memory_space<semaphore_mem>>
      %dma_start3A_160 = arith.constant 0 : i32
      %dma_start3A_161 = tpu.memref_slice %arg4[%mul3A_46, %dma_start3A_160] : memref<32768x128xi32, #tpu.memory_space<hbm>> -> memref<128x128xi32, #tpu.memory_space<hbm>>
      %dma_start3A_162 = arith.constant 0 : i32
      %dma_start3A_163 = tpu.memref_slice %arg4[%mul3A_46, %dma_start3A_162] : memref<32768x128xi32, #tpu.memory_space<hbm>> -> memref<128x128xi32, #tpu.memory_space<hbm>>
      tpu.enqueue_dma source(%arg7 : memref<128x128xi32, #tpu.memory_space<vmem>>) target(%dma_start3A_163 : memref<128x128xi32, #tpu.memory_space<hbm>>) target_semaphore(%run_scoped3A : memref<!tpu.dma_semaphore, #tpu.memory_space<semaphore_mem>>)
      %dma_wait3A_164 = arith.constant 0 : i32
      %dma_wait3A_165 = tpu.memref_slice %arg4[%mul3A_46, %dma_wait3A_164] : memref<32768x128xi32, #tpu.memory_space<hbm>> -> memref<128x128xi32, #tpu.memory_space<hbm>>
      %dma_wait3A_166 = arith.constant 0 : i32
      %dma_wait3A_167 = tpu.memref_slice %arg4[%mul3A_46, %dma_wait3A_166] : memref<32768x128xi32, #tpu.memory_space<hbm>> -> memref<128x128xi32, #tpu.memory_space<hbm>>
      tpu.wait_dma2 semaphore(%run_scoped3A : memref<!tpu.dma_semaphore, #tpu.memory_space<semaphore_mem>>) src(%arg7 : memref<128x128xi32, #tpu.memory_space<vmem>>) dst(%dma_wait3A_167 : memref<128x128xi32, #tpu.memory_space<hbm>>)
      tpu.yield
    }) : () -> ()
    %dma_start3A_47 = arith.constant 3 : i32
    %dma_start3A_48 = arith.constant 0 : i32
    %dma_start3A_49 = tpu.memref_slice %arg5[%dma_start3A_47, %dma_start3A_48] : memref<8x128xi32, #tpu.memory_space<vmem>> -> memref<1x128xi32, #tpu.memory_space<vmem>>
    %dma_start3A_50 = tpu.memref_squeeze %dma_start3A_49 : memref<1x128xi32, #tpu.memory_space<vmem>> -> memref<128xi32, #tpu.memory_space<vmem>>
    %dma_start3A_51 = arith.constant 0 : i32
    %dma_start3A_52 = arith.constant 0 : i32
    %dma_start3A_53 = tpu.memref_slice %arg2[%dma_start3A_51, %dma_start3A_52] : memref<2048x128xi32, #tpu.memory_space<hbm>> -> memref<2048x128xi32, #tpu.memory_space<hbm>>
    tpu.enqueue_indirect_dma source(%dma_start3A_53 : memref<2048x128xi32, #tpu.memory_space<hbm>>) target(%arg7 : memref<128x128xi32, #tpu.memory_space<vmem>>) offsets(%dma_start3A_50 : memref<128xi32, #tpu.memory_space<vmem>>) semaphore(%arg9 : memref<!tpu.dma_semaphore, #tpu.memory_space<semaphore_mem>>)
    %dma_wait3A_54 = arith.constant 2 : i32
    %dma_wait3A_55 = arith.constant 0 : i32
    %dma_wait3A_56 = tpu.memref_slice %arg5[%dma_wait3A_54, %dma_wait3A_55] : memref<8x128xi32, #tpu.memory_space<vmem>> -> memref<1x128xi32, #tpu.memory_space<vmem>>
    %dma_wait3A_57 = tpu.memref_squeeze %dma_wait3A_56 : memref<1x128xi32, #tpu.memory_space<vmem>> -> memref<128xi32, #tpu.memory_space<vmem>>
    %dma_wait3A_58 = arith.constant 0 : i32
    %dma_wait3A_59 = arith.constant 0 : i32
    %dma_wait3A_60 = tpu.memref_slice %arg2[%dma_wait3A_58, %dma_wait3A_59] : memref<2048x128xi32, #tpu.memory_space<hbm>> -> memref<2048x128xi32, #tpu.memory_space<hbm>>
    tpu.wait_indirect_dma semaphore(%arg8 : memref<!tpu.dma_semaphore, #tpu.memory_space<semaphore_mem>>) src(%dma_wait3A_60 : memref<2048x128xi32, #tpu.memory_space<hbm>>) dst(%arg6 : memref<128x128xi32, #tpu.memory_space<vmem>>)
    %add3A_61 = arith.constant 3 : i32
    %add3A_62 = arith.addi %mul3A_2, %add3A_61 : i32
    %sub3A_63 = arith.constant 1 : i32
    %sub3A_64 = arith.subi %add3A_62, %sub3A_63 : i32
    %mul3A_65 = arith.constant 128 : i32
    %mul3A_66 = arith.muli %sub3A_64, %mul3A_65 : i32
    "tpu.region"() ({
      %run_scoped3A = tpu.sem_alloc : memref<!tpu.dma_semaphore, #tpu.memory_space<semaphore_mem>>
      %dma_start3A_160 = arith.constant 0 : i32
      %dma_start3A_161 = tpu.memref_slice %arg4[%mul3A_66, %dma_start3A_160] : memref<32768x128xi32, #tpu.memory_space<hbm>> -> memref<128x128xi32, #tpu.memory_space<hbm>>
      %dma_start3A_162 = arith.constant 0 : i32
      %dma_start3A_163 = tpu.memref_slice %arg4[%mul3A_66, %dma_start3A_162] : memref<32768x128xi32, #tpu.memory_space<hbm>> -> memref<128x128xi32, #tpu.memory_space<hbm>>
      tpu.enqueue_dma source(%arg6 : memref<128x128xi32, #tpu.memory_space<vmem>>) target(%dma_start3A_163 : memref<128x128xi32, #tpu.memory_space<hbm>>) target_semaphore(%run_scoped3A : memref<!tpu.dma_semaphore, #tpu.memory_space<semaphore_mem>>)
      %dma_wait3A_164 = arith.constant 0 : i32
      %dma_wait3A_165 = tpu.memref_slice %arg4[%mul3A_66, %dma_wait3A_164] : memref<32768x128xi32, #tpu.memory_space<hbm>> -> memref<128x128xi32, #tpu.memory_space<hbm>>
      %dma_wait3A_166 = arith.constant 0 : i32
      %dma_wait3A_167 = tpu.memref_slice %arg4[%mul3A_66, %dma_wait3A_166] : memref<32768x128xi32, #tpu.memory_space<hbm>> -> memref<128x128xi32, #tpu.memory_space<hbm>>
      tpu.wait_dma2 semaphore(%run_scoped3A : memref<!tpu.dma_semaphore, #tpu.memory_space<semaphore_mem>>) src(%arg6 : memref<128x128xi32, #tpu.memory_space<vmem>>) dst(%dma_wait3A_167 : memref<128x128xi32, #tpu.memory_space<hbm>>)
      tpu.yield
    }) : () -> ()
    %dma_start3A_67 = arith.constant 4 : i32
    %dma_start3A_68 = arith.constant 0 : i32
    %dma_start3A_69 = tpu.memref_slice %arg5[%dma_start3A_67, %dma_start3A_68] : memref<8x128xi32, #tpu.memory_space<vmem>> -> memref<1x128xi32, #tpu.memory_space<vmem>>
    %dma_start3A_70 = tpu.memref_squeeze %dma_start3A_69 : memref<1x128xi32, #tpu.memory_space<vmem>> -> memref<128xi32, #tpu.memory_space<vmem>>
    %dma_start3A_71 = arith.constant 0 : i32
    %dma_start3A_72 = arith.constant 0 : i32
    %dma_start3A_73 = tpu.memref_slice %arg2[%dma_start3A_71, %dma_start3A_72] : memref<2048x128xi32, #tpu.memory_space<hbm>> -> memref<2048x128xi32, #tpu.memory_space<hbm>>
    tpu.enqueue_indirect_dma source(%dma_start3A_73 : memref<2048x128xi32, #tpu.memory_space<hbm>>) target(%arg6 : memref<128x128xi32, #tpu.memory_space<vmem>>) offsets(%dma_start3A_70 : memref<128xi32, #tpu.memory_space<vmem>>) semaphore(%arg8 : memref<!tpu.dma_semaphore, #tpu.memory_space<semaphore_mem>>)
    %dma_wait3A_74 = arith.constant 3 : i32
    %dma_wait3A_75 = arith.constant 0 : i32
    %dma_wait3A_76 = tpu.memref_slice %arg5[%dma_wait3A_74, %dma_wait3A_75] : memref<8x128xi32, #tpu.memory_space<vmem>> -> memref<1x128xi32, #tpu.memory_space<vmem>>
    %dma_wait3A_77 = tpu.memref_squeeze %dma_wait3A_76 : memref<1x128xi32, #tpu.memory_space<vmem>> -> memref<128xi32, #tpu.memory_space<vmem>>
    %dma_wait3A_78 = arith.constant 0 : i32
    %dma_wait3A_79 = arith.constant 0 : i32
    %dma_wait3A_80 = tpu.memref_slice %arg2[%dma_wait3A_78, %dma_wait3A_79] : memref<2048x128xi32, #tpu.memory_space<hbm>> -> memref<2048x128xi32, #tpu.memory_space<hbm>>
    tpu.wait_indirect_dma semaphore(%arg9 : memref<!tpu.dma_semaphore, #tpu.memory_space<semaphore_mem>>) src(%dma_wait3A_80 : memref<2048x128xi32, #tpu.memory_space<hbm>>) dst(%arg7 : memref<128x128xi32, #tpu.memory_space<vmem>>)
    %add3A_81 = arith.constant 4 : i32
    %add3A_82 = arith.addi %mul3A_2, %add3A_81 : i32
    %sub3A_83 = arith.constant 1 : i32
    %sub3A_84 = arith.subi %add3A_82, %sub3A_83 : i32
    %mul3A_85 = arith.constant 128 : i32
    %mul3A_86 = arith.muli %sub3A_84, %mul3A_85 : i32
    "tpu.region"() ({
      %run_scoped3A = tpu.sem_alloc : memref<!tpu.dma_semaphore, #tpu.memory_space<semaphore_mem>>
      %dma_start3A_160 = arith.constant 0 : i32
      %dma_start3A_161 = tpu.memref_slice %arg4[%mul3A_86, %dma_start3A_160] : memref<32768x128xi32, #tpu.memory_space<hbm>> -> memref<128x128xi32, #tpu.memory_space<hbm>>
      %dma_start3A_162 = arith.constant 0 : i32
      %dma_start3A_163 = tpu.memref_slice %arg4[%mul3A_86, %dma_start3A_162] : memref<32768x128xi32, #tpu.memory_space<hbm>> -> memref<128x128xi32, #tpu.memory_space<hbm>>
      tpu.enqueue_dma source(%arg7 : memref<128x128xi32, #tpu.memory_space<vmem>>) target(%dma_start3A_163 : memref<128x128xi32, #tpu.memory_space<hbm>>) target_semaphore(%run_scoped3A : memref<!tpu.dma_semaphore, #tpu.memory_space<semaphore_mem>>)
      %dma_wait3A_164 = arith.constant 0 : i32
      %dma_wait3A_165 = tpu.memref_slice %arg4[%mul3A_86, %dma_wait3A_164] : memref<32768x128xi32, #tpu.memory_space<hbm>> -> memref<128x128xi32, #tpu.memory_space<hbm>>
      %dma_wait3A_166 = arith.constant 0 : i32
      %dma_wait3A_167 = tpu.memref_slice %arg4[%mul3A_86, %dma_wait3A_166] : memref<32768x128xi32, #tpu.memory_space<hbm>> -> memref<128x128xi32, #tpu.memory_space<hbm>>
      tpu.wait_dma2 semaphore(%run_scoped3A : memref<!tpu.dma_semaphore, #tpu.memory_space<semaphore_mem>>) src(%arg7 : memref<128x128xi32, #tpu.memory_space<vmem>>) dst(%dma_wait3A_167 : memref<128x128xi32, #tpu.memory_space<hbm>>)
      tpu.yield
    }) : () -> ()
    %dma_start3A_87 = arith.constant 5 : i32
    %dma_start3A_88 = arith.constant 0 : i32
    %dma_start3A_89 = tpu.memref_slice %arg5[%dma_start3A_87, %dma_start3A_88] : memref<8x128xi32, #tpu.memory_space<vmem>> -> memref<1x128xi32, #tpu.memory_space<vmem>>
    %dma_start3A_90 = tpu.memref_squeeze %dma_start3A_89 : memref<1x128xi32, #tpu.memory_space<vmem>> -> memref<128xi32, #tpu.memory_space<vmem>>
    %dma_start3A_91 = arith.constant 0 : i32
    %dma_start3A_92 = arith.constant 0 : i32
    %dma_start3A_93 = tpu.memref_slice %arg2[%dma_start3A_91, %dma_start3A_92] : memref<2048x128xi32, #tpu.memory_space<hbm>> -> memref<2048x128xi32, #tpu.memory_space<hbm>>
    tpu.enqueue_indirect_dma source(%dma_start3A_93 : memref<2048x128xi32, #tpu.memory_space<hbm>>) target(%arg7 : memref<128x128xi32, #tpu.memory_space<vmem>>) offsets(%dma_start3A_90 : memref<128xi32, #tpu.memory_space<vmem>>) semaphore(%arg9 : memref<!tpu.dma_semaphore, #tpu.memory_space<semaphore_mem>>)
    %dma_wait3A_94 = arith.constant 4 : i32
    %dma_wait3A_95 = arith.constant 0 : i32
    %dma_wait3A_96 = tpu.memref_slice %arg5[%dma_wait3A_94, %dma_wait3A_95] : memref<8x128xi32, #tpu.memory_space<vmem>> -> memref<1x128xi32, #tpu.memory_space<vmem>>
    %dma_wait3A_97 = tpu.memref_squeeze %dma_wait3A_96 : memref<1x128xi32, #tpu.memory_space<vmem>> -> memref<128xi32, #tpu.memory_space<vmem>>
    %dma_wait3A_98 = arith.constant 0 : i32
    %dma_wait3A_99 = arith.constant 0 : i32
    %dma_wait3A_100 = tpu.memref_slice %arg2[%dma_wait3A_98, %dma_wait3A_99] : memref<2048x128xi32, #tpu.memory_space<hbm>> -> memref<2048x128xi32, #tpu.memory_space<hbm>>
    tpu.wait_indirect_dma semaphore(%arg8 : memref<!tpu.dma_semaphore, #tpu.memory_space<semaphore_mem>>) src(%dma_wait3A_100 : memref<2048x128xi32, #tpu.memory_space<hbm>>) dst(%arg6 : memref<128x128xi32, #tpu.memory_space<vmem>>)
    %add3A_101 = arith.constant 5 : i32
    %add3A_102 = arith.addi %mul3A_2, %add3A_101 : i32
    %sub3A_103 = arith.constant 1 : i32
    %sub3A_104 = arith.subi %add3A_102, %sub3A_103 : i32
    %mul3A_105 = arith.constant 128 : i32
    %mul3A_106 = arith.muli %sub3A_104, %mul3A_105 : i32
    "tpu.region"() ({
      %run_scoped3A = tpu.sem_alloc : memref<!tpu.dma_semaphore, #tpu.memory_space<semaphore_mem>>
      %dma_start3A_160 = arith.constant 0 : i32
      %dma_start3A_161 = tpu.memref_slice %arg4[%mul3A_106, %dma_start3A_160] : memref<32768x128xi32, #tpu.memory_space<hbm>> -> memref<128x128xi32, #tpu.memory_space<hbm>>
      %dma_start3A_162 = arith.constant 0 : i32
      %dma_start3A_163 = tpu.memref_slice %arg4[%mul3A_106, %dma_start3A_162] : memref<32768x128xi32, #tpu.memory_space<hbm>> -> memref<128x128xi32, #tpu.memory_space<hbm>>
      tpu.enqueue_dma source(%arg6 : memref<128x128xi32, #tpu.memory_space<vmem>>) target(%dma_start3A_163 : memref<128x128xi32, #tpu.memory_space<hbm>>) target_semaphore(%run_scoped3A : memref<!tpu.dma_semaphore, #tpu.memory_space<semaphore_mem>>)
      %dma_wait3A_164 = arith.constant 0 : i32
      %dma_wait3A_165 = tpu.memref_slice %arg4[%mul3A_106, %dma_wait3A_164] : memref<32768x128xi32, #tpu.memory_space<hbm>> -> memref<128x128xi32, #tpu.memory_space<hbm>>
      %dma_wait3A_166 = arith.constant 0 : i32
      %dma_wait3A_167 = tpu.memref_slice %arg4[%mul3A_106, %dma_wait3A_166] : memref<32768x128xi32, #tpu.memory_space<hbm>> -> memref<128x128xi32, #tpu.memory_space<hbm>>
      tpu.wait_dma2 semaphore(%run_scoped3A : memref<!tpu.dma_semaphore, #tpu.memory_space<semaphore_mem>>) src(%arg6 : memref<128x128xi32, #tpu.memory_space<vmem>>) dst(%dma_wait3A_167 : memref<128x128xi32, #tpu.memory_space<hbm>>)
      tpu.yield
    }) : () -> ()
    %dma_start3A_107 = arith.constant 6 : i32
    %dma_start3A_108 = arith.constant 0 : i32
    %dma_start3A_109 = tpu.memref_slice %arg5[%dma_start3A_107, %dma_start3A_108] : memref<8x128xi32, #tpu.memory_space<vmem>> -> memref<1x128xi32, #tpu.memory_space<vmem>>
    %dma_start3A_110 = tpu.memref_squeeze %dma_start3A_109 : memref<1x128xi32, #tpu.memory_space<vmem>> -> memref<128xi32, #tpu.memory_space<vmem>>
    %dma_start3A_111 = arith.constant 0 : i32
    %dma_start3A_112 = arith.constant 0 : i32
    %dma_start3A_113 = tpu.memref_slice %arg2[%dma_start3A_111, %dma_start3A_112] : memref<2048x128xi32, #tpu.memory_space<hbm>> -> memref<2048x128xi32, #tpu.memory_space<hbm>>
    tpu.enqueue_indirect_dma source(%dma_start3A_113 : memref<2048x128xi32, #tpu.memory_space<hbm>>) target(%arg6 : memref<128x128xi32, #tpu.memory_space<vmem>>) offsets(%dma_start3A_110 : memref<128xi32, #tpu.memory_space<vmem>>) semaphore(%arg8 : memref<!tpu.dma_semaphore, #tpu.memory_space<semaphore_mem>>)
    %dma_wait3A_114 = arith.constant 5 : i32
    %dma_wait3A_115 = arith.constant 0 : i32
    %dma_wait3A_116 = tpu.memref_slice %arg5[%dma_wait3A_114, %dma_wait3A_115] : memref<8x128xi32, #tpu.memory_space<vmem>> -> memref<1x128xi32, #tpu.memory_space<vmem>>
    %dma_wait3A_117 = tpu.memref_squeeze %dma_wait3A_116 : memref<1x128xi32, #tpu.memory_space<vmem>> -> memref<128xi32, #tpu.memory_space<vmem>>
    %dma_wait3A_118 = arith.constant 0 : i32
    %dma_wait3A_119 = arith.constant 0 : i32
    %dma_wait3A_120 = tpu.memref_slice %arg2[%dma_wait3A_118, %dma_wait3A_119] : memref<2048x128xi32, #tpu.memory_space<hbm>> -> memref<2048x128xi32, #tpu.memory_space<hbm>>
    tpu.wait_indirect_dma semaphore(%arg9 : memref<!tpu.dma_semaphore, #tpu.memory_space<semaphore_mem>>) src(%dma_wait3A_120 : memref<2048x128xi32, #tpu.memory_space<hbm>>) dst(%arg7 : memref<128x128xi32, #tpu.memory_space<vmem>>)
    %add3A_121 = arith.constant 6 : i32
    %add3A_122 = arith.addi %mul3A_2, %add3A_121 : i32
    %sub3A_123 = arith.constant 1 : i32
    %sub3A_124 = arith.subi %add3A_122, %sub3A_123 : i32
    %mul3A_125 = arith.constant 128 : i32
    %mul3A_126 = arith.muli %sub3A_124, %mul3A_125 : i32
    "tpu.region"() ({
      %run_scoped3A = tpu.sem_alloc : memref<!tpu.dma_semaphore, #tpu.memory_space<semaphore_mem>>
      %dma_start3A_160 = arith.constant 0 : i32
      %dma_start3A_161 = tpu.memref_slice %arg4[%mul3A_126, %dma_start3A_160] : memref<32768x128xi32, #tpu.memory_space<hbm>> -> memref<128x128xi32, #tpu.memory_space<hbm>>
      %dma_start3A_162 = arith.constant 0 : i32
      %dma_start3A_163 = tpu.memref_slice %arg4[%mul3A_126, %dma_start3A_162] : memref<32768x128xi32, #tpu.memory_space<hbm>> -> memref<128x128xi32, #tpu.memory_space<hbm>>
      tpu.enqueue_dma source(%arg7 : memref<128x128xi32, #tpu.memory_space<vmem>>) target(%dma_start3A_163 : memref<128x128xi32, #tpu.memory_space<hbm>>) target_semaphore(%run_scoped3A : memref<!tpu.dma_semaphore, #tpu.memory_space<semaphore_mem>>)
      %dma_wait3A_164 = arith.constant 0 : i32
      %dma_wait3A_165 = tpu.memref_slice %arg4[%mul3A_126, %dma_wait3A_164] : memref<32768x128xi32, #tpu.memory_space<hbm>> -> memref<128x128xi32, #tpu.memory_space<hbm>>
      %dma_wait3A_166 = arith.constant 0 : i32
      %dma_wait3A_167 = tpu.memref_slice %arg4[%mul3A_126, %dma_wait3A_166] : memref<32768x128xi32, #tpu.memory_space<hbm>> -> memref<128x128xi32, #tpu.memory_space<hbm>>
      tpu.wait_dma2 semaphore(%run_scoped3A : memref<!tpu.dma_semaphore, #tpu.memory_space<semaphore_mem>>) src(%arg7 : memref<128x128xi32, #tpu.memory_space<vmem>>) dst(%dma_wait3A_167 : memref<128x128xi32, #tpu.memory_space<hbm>>)
      tpu.yield
    }) : () -> ()
    %dma_start3A_127 = arith.constant 7 : i32
    %dma_start3A_128 = arith.constant 0 : i32
    %dma_start3A_129 = tpu.memref_slice %arg5[%dma_start3A_127, %dma_start3A_128] : memref<8x128xi32, #tpu.memory_space<vmem>> -> memref<1x128xi32, #tpu.memory_space<vmem>>
    %dma_start3A_130 = tpu.memref_squeeze %dma_start3A_129 : memref<1x128xi32, #tpu.memory_space<vmem>> -> memref<128xi32, #tpu.memory_space<vmem>>
    %dma_start3A_131 = arith.constant 0 : i32
    %dma_start3A_132 = arith.constant 0 : i32
    %dma_start3A_133 = tpu.memref_slice %arg2[%dma_start3A_131, %dma_start3A_132] : memref<2048x128xi32, #tpu.memory_space<hbm>> -> memref<2048x128xi32, #tpu.memory_space<hbm>>
    tpu.enqueue_indirect_dma source(%dma_start3A_133 : memref<2048x128xi32, #tpu.memory_space<hbm>>) target(%arg7 : memref<128x128xi32, #tpu.memory_space<vmem>>) offsets(%dma_start3A_130 : memref<128xi32, #tpu.memory_space<vmem>>) semaphore(%arg9 : memref<!tpu.dma_semaphore, #tpu.memory_space<semaphore_mem>>)
    %dma_wait3A_134 = arith.constant 6 : i32
    %dma_wait3A_135 = arith.constant 0 : i32
    %dma_wait3A_136 = tpu.memref_slice %arg5[%dma_wait3A_134, %dma_wait3A_135] : memref<8x128xi32, #tpu.memory_space<vmem>> -> memref<1x128xi32, #tpu.memory_space<vmem>>
    %dma_wait3A_137 = tpu.memref_squeeze %dma_wait3A_136 : memref<1x128xi32, #tpu.memory_space<vmem>> -> memref<128xi32, #tpu.memory_space<vmem>>
    %dma_wait3A_138 = arith.constant 0 : i32
    %dma_wait3A_139 = arith.constant 0 : i32
    %dma_wait3A_140 = tpu.memref_slice %arg2[%dma_wait3A_138, %dma_wait3A_139] : memref<2048x128xi32, #tpu.memory_space<hbm>> -> memref<2048x128xi32, #tpu.memory_space<hbm>>
    tpu.wait_indirect_dma semaphore(%arg8 : memref<!tpu.dma_semaphore, #tpu.memory_space<semaphore_mem>>) src(%dma_wait3A_140 : memref<2048x128xi32, #tpu.memory_space<hbm>>) dst(%arg6 : memref<128x128xi32, #tpu.memory_space<vmem>>)
    %add3A_141 = arith.constant 7 : i32
    %add3A_142 = arith.addi %mul3A_2, %add3A_141 : i32
    %sub3A_143 = arith.constant 1 : i32
    %sub3A_144 = arith.subi %add3A_142, %sub3A_143 : i32
    %mul3A_145 = arith.constant 128 : i32
    %mul3A_146 = arith.muli %sub3A_144, %mul3A_145 : i32
    "tpu.region"() ({
      %run_scoped3A = tpu.sem_alloc : memref<!tpu.dma_semaphore, #tpu.memory_space<semaphore_mem>>
      %dma_start3A_160 = arith.constant 0 : i32
      %dma_start3A_161 = tpu.memref_slice %arg4[%mul3A_146, %dma_start3A_160] : memref<32768x128xi32, #tpu.memory_space<hbm>> -> memref<128x128xi32, #tpu.memory_space<hbm>>
      %dma_start3A_162 = arith.constant 0 : i32
      %dma_start3A_163 = tpu.memref_slice %arg4[%mul3A_146, %dma_start3A_162] : memref<32768x128xi32, #tpu.memory_space<hbm>> -> memref<128x128xi32, #tpu.memory_space<hbm>>
      tpu.enqueue_dma source(%arg6 : memref<128x128xi32, #tpu.memory_space<vmem>>) target(%dma_start3A_163 : memref<128x128xi32, #tpu.memory_space<hbm>>) target_semaphore(%run_scoped3A : memref<!tpu.dma_semaphore, #tpu.memory_space<semaphore_mem>>)
      %dma_wait3A_164 = arith.constant 0 : i32
      %dma_wait3A_165 = tpu.memref_slice %arg4[%mul3A_146, %dma_wait3A_164] : memref<32768x128xi32, #tpu.memory_space<hbm>> -> memref<128x128xi32, #tpu.memory_space<hbm>>
      %dma_wait3A_166 = arith.constant 0 : i32
      %dma_wait3A_167 = tpu.memref_slice %arg4[%mul3A_146, %dma_wait3A_166] : memref<32768x128xi32, #tpu.memory_space<hbm>> -> memref<128x128xi32, #tpu.memory_space<hbm>>
      tpu.wait_dma2 semaphore(%run_scoped3A : memref<!tpu.dma_semaphore, #tpu.memory_space<semaphore_mem>>) src(%arg6 : memref<128x128xi32, #tpu.memory_space<vmem>>) dst(%dma_wait3A_167 : memref<128x128xi32, #tpu.memory_space<hbm>>)
      tpu.yield
    }) : () -> ()
    %dma_wait3A_147 = arith.constant 7 : i32
    %dma_wait3A_148 = arith.constant 0 : i32
    %dma_wait3A_149 = tpu.memref_slice %arg5[%dma_wait3A_147, %dma_wait3A_148] : memref<8x128xi32, #tpu.memory_space<vmem>> -> memref<1x128xi32, #tpu.memory_space<vmem>>
    %dma_wait3A_150 = tpu.memref_squeeze %dma_wait3A_149 : memref<1x128xi32, #tpu.memory_space<vmem>> -> memref<128xi32, #tpu.memory_space<vmem>>
    %dma_wait3A_151 = arith.constant 0 : i32
    %dma_wait3A_152 = arith.constant 0 : i32
    %dma_wait3A_153 = tpu.memref_slice %arg2[%dma_wait3A_151, %dma_wait3A_152] : memref<2048x128xi32, #tpu.memory_space<hbm>> -> memref<2048x128xi32, #tpu.memory_space<hbm>>
    tpu.wait_indirect_dma semaphore(%arg9 : memref<!tpu.dma_semaphore, #tpu.memory_space<semaphore_mem>>) src(%dma_wait3A_153 : memref<2048x128xi32, #tpu.memory_space<hbm>>) dst(%arg7 : memref<128x128xi32, #tpu.memory_space<vmem>>)
    %add3A_154 = arith.constant 8 : i32
    %add3A_155 = arith.addi %mul3A_2, %add3A_154 : i32
    %sub3A_156 = arith.constant 1 : i32
    %sub3A_157 = arith.subi %add3A_155, %sub3A_156 : i32
    %mul3A_158 = arith.constant 128 : i32
    %mul3A_159 = arith.muli %sub3A_157, %mul3A_158 : i32
    "tpu.region"() ({
      %run_scoped3A = tpu.sem_alloc : memref<!tpu.dma_semaphore, #tpu.memory_space<semaphore_mem>>
      %dma_start3A_160 = arith.constant 0 : i32
      %dma_start3A_161 = tpu.memref_slice %arg4[%mul3A_159, %dma_start3A_160] : memref<32768x128xi32, #tpu.memory_space<hbm>> -> memref<128x128xi32, #tpu.memory_space<hbm>>
      %dma_start3A_162 = arith.constant 0 : i32
      %dma_start3A_163 = tpu.memref_slice %arg4[%mul3A_159, %dma_start3A_162] : memref<32768x128xi32, #tpu.memory_space<hbm>> -> memref<128x128xi32, #tpu.memory_space<hbm>>
      tpu.enqueue_dma source(%arg7 : memref<128x128xi32, #tpu.memory_space<vmem>>) target(%dma_start3A_163 : memref<128x128xi32, #tpu.memory_space<hbm>>) target_semaphore(%run_scoped3A : memref<!tpu.dma_semaphore, #tpu.memory_space<semaphore_mem>>)
      %dma_wait3A_164 = arith.constant 0 : i32
      %dma_wait3A_165 = tpu.memref_slice %arg4[%mul3A_159, %dma_wait3A_164] : memref<32768x128xi32, #tpu.memory_space<hbm>> -> memref<128x128xi32, #tpu.memory_space<hbm>>
      %dma_wait3A_166 = arith.constant 0 : i32
      %dma_wait3A_167 = tpu.memref_slice %arg4[%mul3A_159, %dma_wait3A_166] : memref<32768x128xi32, #tpu.memory_space<hbm>> -> memref<128x128xi32, #tpu.memory_space<hbm>>
      tpu.wait_dma2 semaphore(%run_scoped3A : memref<!tpu.dma_semaphore, #tpu.memory_space<semaphore_mem>>) src(%arg7 : memref<128x128xi32, #tpu.memory_space<vmem>>) dst(%dma_wait3A_167 : memref<128x128xi32, #tpu.memory_space<hbm>>)
      tpu.yield
    }) : () -> ()
    return
  }
}

module attributes {stable_mosaic.version = 14 : i64} {
  func.func @_knn_body(%arg0: i32, %arg1: memref<1x256x128xf32, #tpu.memory_space<vmem>>, %arg2: memref<1x256x3xf32, #tpu.memory_space<vmem>>, %arg3: memref<1x3x2048xf32, #tpu.memory_space<vmem>>, %arg4: memref<1x16x256xi32, #tpu.memory_space<vmem>>, %arg5: memref<1x256x256xf32, #tpu.memory_space<vmem>>, %arg6: memref<1x256x128xi32, #tpu.memory_space<vmem>>) attributes {dimension_semantics = [#tpu.dimension_semantics<arbitrary>], iteration_bounds = array<i64: 8>, scalar_prefetch = 0 : i64, scratch_operands = 0 : i64, tpu.core_type = #tpu.core_type<tc>, window_params = [{transform_indices = @transform_0, window_bounds = array<i64: 1, 256, 128>}, {transform_indices = @transform_1, window_bounds = array<i64: 1, 256, 3>}, {pipeline_mode = #tpu.pipeline_mode<synchronous>, transform_indices = @transform_2, window_bounds = array<i64: 1, 3, 2048>}, {transform_indices = @transform_3, window_bounds = array<i64: 1, 16, 256>}, {transform_indices = @transform_4, window_bounds = array<i64: 1, 256, 256>}, {transform_indices = @transform_5, window_bounds = array<i64: 1, 256, 128>}]} {
    %get3A = arith.constant 0 : index
    %get3A_0 = arith.constant 0 : index
    %get3A_1 = arith.constant 0 : index
    %get3A_2 = vector.load %arg2[%get3A, %get3A_0, %get3A_1] : memref<1x256x3xf32, #tpu.memory_space<vmem>>, vector<1x256x3xf32>
    %get3A_3 = vector.shape_cast %get3A_2 : vector<1x256x3xf32> to vector<256x3xf32>
    %get3A_4 = arith.constant 0 : index
    %get3A_5 = arith.constant 0 : index
    %get3A_6 = arith.constant 0 : index
    %get3A_7 = vector.load %arg3[%get3A_4, %get3A_5, %get3A_6] : memref<1x3x2048xf32, #tpu.memory_space<vmem>>, vector<1x3x2048xf32>
    %get3A_8 = vector.shape_cast %get3A_7 : vector<1x3x2048xf32> to vector<3x2048xf32>
    %get3A_9 = arith.constant 0 : index
    %get3A_10 = arith.constant 0 : index
    %get3A_11 = arith.constant 0 : index
    %get3A_12 = vector.load %arg1[%get3A_9, %get3A_10, %get3A_11] : memref<1x256x128xf32, #tpu.memory_space<vmem>>, vector<1x256x128xf32>
    %get3A_13 = vector.shape_cast %get3A_12 : vector<1x256x128xf32> to vector<256x128xf32>
    %broadcast_in_dim3A = arith.constant 0.000000e+00 : f32
    %broadcast_in_dim3A_14 = vector.broadcast %broadcast_in_dim3A : f32 to vector<256x125xf32>
    %concatenate3A = tpu.concatenate %get3A_3, %broadcast_in_dim3A_14 in 1 : vector<256x3xf32>, vector<256x125xf32> -> vector<256x128xf32>
    %concatenate3A_15 = tpu.concatenate %get3A_13, %concatenate3A in 1 : vector<256x128xf32>, vector<256x128xf32> -> vector<256x256xf32>
    %swap3A = arith.constant 0 : index
    %swap3A_16 = arith.constant 0 : index
    %swap3A_17 = arith.constant 0 : index
    %swap3A_18 = vector.load %arg5[%swap3A, %swap3A_16, %swap3A_17] : memref<1x256x256xf32, #tpu.memory_space<vmem>>, vector<1x256x256xf32>
    %swap3A_19 = vector.shape_cast %swap3A_18 : vector<1x256x256xf32> to vector<256x256xf32>
    %swap3A_20 = vector.shape_cast %concatenate3A_15 : vector<256x256xf32> to vector<1x256x256xf32>
    tpu.vector_store %arg5[%swap3A, %swap3A_16, %swap3A_17], %swap3A_20 {strides = array<i32>} : memref<1x256x256xf32, #tpu.memory_space<vmem>>, vector<1x256x256xf32>,
    %convert_element_type3A = arith.truncf %get3A_13 : vector<256x128xf32> to vector<256x128xbf16>
    %bitcast_convert_type3A = tpu.bitcast %convert_element_type3A : vector<256x128xbf16> -> vector<256x128xi16>
    %convert_element_type3A_21 = arith.truncf %concatenate3A : vector<256x128xf32> to vector<256x128xbf16>
    %bitcast_convert_type3A_22 = tpu.bitcast %convert_element_type3A_21 : vector<256x128xbf16> -> vector<256x128xi16>
    %convert_element_type3A_23 = arith.extui %bitcast_convert_type3A : vector<256x128xi16> to vector<256x128xi32>
    %convert_element_type3A_24 = arith.extui %bitcast_convert_type3A_22 : vector<256x128xi16> to vector<256x128xi32>
    %shift_left3A = arith.constant 16 : i32
    %shift_left3A_25 = vector.broadcast %shift_left3A : i32 to vector<256x128xi32>
    %shift_left3A_26 = arith.shli %convert_element_type3A_24, %shift_left3A_25 : vector<256x128xi32>
    %or3A = arith.ori %convert_element_type3A_23, %shift_left3A_26 : vector<256x128xi32>
    %bitcast_convert_type3A_27 = tpu.bitcast %or3A : vector<256x128xi32> -> vector<256x128xi32>
    %swap3A_28 = arith.constant 0 : index
    %swap3A_29 = arith.constant 0 : index
    %swap3A_30 = arith.constant 0 : index
    %swap3A_31 = vector.load %arg6[%swap3A_28, %swap3A_29, %swap3A_30] : memref<1x256x128xi32, #tpu.memory_space<vmem>>, vector<1x256x128xi32>
    %swap3A_32 = vector.shape_cast %swap3A_31 : vector<1x256x128xi32> to vector<256x128xi32>
    %swap3A_33 = vector.shape_cast %bitcast_convert_type3A_27 : vector<256x128xi32> to vector<1x256x128xi32>
    tpu.vector_store %arg6[%swap3A_28, %swap3A_29, %swap3A_30], %swap3A_33 {strides = array<i32>} : memref<1x256x128xi32, #tpu.memory_space<vmem>>, vector<1x256x128xi32>,
    %slice3A = vector.extract_strided_slice %get3A_3 {offsets = [0, 0], sizes = [256, 1], strides = [1, 1]} : vector<256x3xf32> to vector<256x1xf32>
    %slice3A_34 = vector.extract_strided_slice %get3A_8 {offsets = [0, 0], sizes = [1, 2048], strides = [1, 1]} : vector<3x2048xf32> to vector<1x2048xf32>
    %sub3A = vector.broadcast %slice3A : vector<256x1xf32> to vector<256x2048xf32>
    %sub3A_35 = vector.broadcast %slice3A_34 : vector<1x2048xf32> to vector<256x2048xf32>
    %sub3A_36 = arith.subf %sub3A, %sub3A_35 : vector<256x2048xf32>
    %mul3A = arith.mulf %sub3A_36, %sub3A_36 : vector<256x2048xf32>
    %slice3A_37 = vector.extract_strided_slice %get3A_3 {offsets = [0, 1], sizes = [256, 1], strides = [1, 1]} : vector<256x3xf32> to vector<256x1xf32>
    %slice3A_38 = vector.extract_strided_slice %get3A_8 {offsets = [1, 0], sizes = [1, 2048], strides = [1, 1]} : vector<3x2048xf32> to vector<1x2048xf32>
    %sub3A_39 = vector.broadcast %slice3A_37 : vector<256x1xf32> to vector<256x2048xf32>
    %sub3A_40 = vector.broadcast %slice3A_38 : vector<1x2048xf32> to vector<256x2048xf32>
    %sub3A_41 = arith.subf %sub3A_39, %sub3A_40 : vector<256x2048xf32>
    %mul3A_42 = arith.mulf %sub3A_41, %sub3A_41 : vector<256x2048xf32>
    %add3A = arith.addf %mul3A, %mul3A_42 : vector<256x2048xf32>
    %slice3A_43 = vector.extract_strided_slice %get3A_3 {offsets = [0, 2], sizes = [256, 1], strides = [1, 1]} : vector<256x3xf32> to vector<256x1xf32>
    %slice3A_44 = vector.extract_strided_slice %get3A_8 {offsets = [2, 0], sizes = [1, 2048], strides = [1, 1]} : vector<3x2048xf32> to vector<1x2048xf32>
    %sub3A_45 = vector.broadcast %slice3A_43 : vector<256x1xf32> to vector<256x2048xf32>
    %sub3A_46 = vector.broadcast %slice3A_44 : vector<1x2048xf32> to vector<256x2048xf32>
    %sub3A_47 = arith.subf %sub3A_45, %sub3A_46 : vector<256x2048xf32>
    %mul3A_48 = arith.mulf %sub3A_47, %sub3A_47 : vector<256x2048xf32>
    %add3A_49 = arith.addf %add3A, %mul3A_48 : vector<256x2048xf32>
    %slice3A_50 = vector.extract_strided_slice %add3A_49 {offsets = [0, 0], sizes = [256, 1024], strides = [1, 1]} : vector<256x2048xf32> to vector<256x1024xf32>
    %slice3A_51 = vector.extract_strided_slice %add3A_49 {offsets = [0, 1024], sizes = [256, 1024], strides = [1, 1]} : vector<256x2048xf32> to vector<256x1024xf32>
    %iota3A = tpu.iota {dimensions = array<i32: 1>} : vector<256x1024xi32>
    %convert_element_type3A_52 = arith.sitofp %iota3A : vector<256x1024xi32> to vector<256x1024xf32>
    %lt3A = arith.cmpf olt, %slice3A_51, %slice3A_50 : vector<256x1024xf32>
    %min3A = arith.minimumf %slice3A_50, %slice3A_51 : vector<256x1024xf32>
    %max3A = arith.maximumf %slice3A_50, %slice3A_51 : vector<256x1024xf32>
    %add3A_53 = arith.constant 1.024000e+03 : f32
    %add3A_54 = vector.broadcast %add3A_53 : f32 to vector<256x1024xf32>
    %add3A_55 = arith.addf %convert_element_type3A_52, %add3A_54 : vector<256x1024xf32>
    %select_n3A = arith.select %lt3A, %add3A_55, %convert_element_type3A_52 : vector<256x1024xi1>, vector<256x1024xf32>
    %add3A_56 = arith.constant 1.024000e+03 : f32
    %add3A_57 = vector.broadcast %add3A_56 : f32 to vector<256x1024xf32>
    %add3A_58 = arith.addf %convert_element_type3A_52, %add3A_57 : vector<256x1024xf32>
    %select_n3A_59 = arith.select %lt3A, %convert_element_type3A_52, %add3A_58 : vector<256x1024xi1>, vector<256x1024xf32>
    %reduce_min3A = arith.constant dense<0x7F800000> : vector<256xf32>
    %reduce_min3A_60 = vector.multi_reduction <minimumf>, %min3A, %reduce_min3A [1] : vector<256x1024xf32> to vector<256xf32>
    %broadcast_in_dim3A_61 = vector.shape_cast %reduce_min3A_60 : vector<256xf32> to vector<256x1xf32>
    %eq3A = vector.broadcast %broadcast_in_dim3A_61 : vector<256x1xf32> to vector<256x1024xf32>
    %eq3A_62 = arith.cmpf oeq, %min3A, %eq3A : vector<256x1024xf32>
    %jit3A = arith.constant 2.048000e+03 : f32
    %broadcast_in_dim3A_63 = vector.broadcast %jit3A : f32 to vector<256x1024xf32>
    %select_n3A_64 = arith.select %eq3A_62, %select_n3A, %broadcast_in_dim3A_63 : vector<256x1024xi1>, vector<256x1024xf32>
    %reduce_min3A_65 = arith.constant dense<0x7F800000> : vector<256xf32>
    %reduce_min3A_66 = vector.multi_reduction <minimumf>, %select_n3A_64, %reduce_min3A_65 [1] : vector<256x1024xf32> to vector<256xf32>
    %broadcast_in_dim3A_67 = vector.shape_cast %reduce_min3A_66 : vector<256xf32> to vector<256x1xf32>
    %eq3A_68 = vector.broadcast %broadcast_in_dim3A_67 : vector<256x1xf32> to vector<256x1024xf32>
    %eq3A_69 = arith.cmpf oeq, %select_n3A, %eq3A_68 : vector<256x1024xf32>
    %select_n3A_70 = arith.select %eq3A_69, %max3A, %min3A : vector<256x1024xi1>, vector<256x1024xf32>
    %select_n3A_71 = arith.select %eq3A_69, %select_n3A_59, %select_n3A : vector<256x1024xi1>, vector<256x1024xf32>
    %jit3A_72 = arith.constant 0x7F800000 : f32
    %broadcast_in_dim3A_73 = vector.broadcast %jit3A_72 : f32 to vector<256x1024xf32>
    %select_n3A_74 = arith.select %eq3A_69, %broadcast_in_dim3A_73, %max3A : vector<256x1024xi1>, vector<256x1024xf32>
    %reduce_min3A_75 = arith.constant dense<0x7F800000> : vector<256xf32>
    %reduce_min3A_76 = vector.multi_reduction <minimumf>, %select_n3A_70, %reduce_min3A_75 [1] : vector<256x1024xf32> to vector<256xf32>
    %broadcast_in_dim3A_77 = vector.shape_cast %reduce_min3A_76 : vector<256xf32> to vector<256x1xf32>
    %eq3A_78 = vector.broadcast %broadcast_in_dim3A_77 : vector<256x1xf32> to vector<256x1024xf32>
    %eq3A_79 = arith.cmpf oeq, %select_n3A_70, %eq3A_78 : vector<256x1024xf32>
    %jit3A_80 = arith.constant 2.048000e+03 : f32
    %broadcast_in_dim3A_81 = vector.broadcast %jit3A_80 : f32 to vector<256x1024xf32>
    %select_n3A_82 = arith.select %eq3A_79, %select_n3A_71, %broadcast_in_dim3A_81 : vector<256x1024xi1>, vector<256x1024xf32>
    %reduce_min3A_83 = arith.constant dense<0x7F800000> : vector<256xf32>
    %reduce_min3A_84 = vector.multi_reduction <minimumf>, %select_n3A_82, %reduce_min3A_83 [1] : vector<256x1024xf32> to vector<256xf32>
    %broadcast_in_dim3A_85 = vector.shape_cast %reduce_min3A_84 : vector<256xf32> to vector<256x1xf32>
    %eq3A_86 = vector.broadcast %broadcast_in_dim3A_85 : vector<256x1xf32> to vector<256x1024xf32>
    %eq3A_87 = arith.cmpf oeq, %select_n3A_71, %eq3A_86 : vector<256x1024xf32>
    %select_n3A_88 = arith.select %eq3A_87, %select_n3A_74, %select_n3A_70 : vector<256x1024xi1>, vector<256x1024xf32>
    %select_n3A_89 = arith.select %eq3A_87, %select_n3A_59, %select_n3A_71 : vector<256x1024xi1>, vector<256x1024xf32>
    %jit3A_90 = arith.constant 0x7F800000 : f32
    %broadcast_in_dim3A_91 = vector.broadcast %jit3A_90 : f32 to vector<256x1024xf32>
    %select_n3A_92 = arith.select %eq3A_87, %broadcast_in_dim3A_91, %select_n3A_74 : vector<256x1024xi1>, vector<256x1024xf32>
    %reduce_min3A_93 = arith.constant dense<0x7F800000> : vector<256xf32>
    %reduce_min3A_94 = vector.multi_reduction <minimumf>, %select_n3A_88, %reduce_min3A_93 [1] : vector<256x1024xf32> to vector<256xf32>
    %broadcast_in_dim3A_95 = vector.shape_cast %reduce_min3A_94 : vector<256xf32> to vector<256x1xf32>
    %eq3A_96 = vector.broadcast %broadcast_in_dim3A_95 : vector<256x1xf32> to vector<256x1024xf32>
    %eq3A_97 = arith.cmpf oeq, %select_n3A_88, %eq3A_96 : vector<256x1024xf32>
    %jit3A_98 = arith.constant 2.048000e+03 : f32
    %broadcast_in_dim3A_99 = vector.broadcast %jit3A_98 : f32 to vector<256x1024xf32>
    %select_n3A_100 = arith.select %eq3A_97, %select_n3A_89, %broadcast_in_dim3A_99 : vector<256x1024xi1>, vector<256x1024xf32>
    %reduce_min3A_101 = arith.constant dense<0x7F800000> : vector<256xf32>
    %reduce_min3A_102 = vector.multi_reduction <minimumf>, %select_n3A_100, %reduce_min3A_101 [1] : vector<256x1024xf32> to vector<256xf32>
    %broadcast_in_dim3A_103 = vector.shape_cast %reduce_min3A_102 : vector<256xf32> to vector<256x1xf32>
    %eq3A_104 = vector.broadcast %broadcast_in_dim3A_103 : vector<256x1xf32> to vector<256x1024xf32>
    %eq3A_105 = arith.cmpf oeq, %select_n3A_89, %eq3A_104 : vector<256x1024xf32>
    %select_n3A_106 = arith.select %eq3A_105, %select_n3A_92, %select_n3A_88 : vector<256x1024xi1>, vector<256x1024xf32>
    %select_n3A_107 = arith.select %eq3A_105, %select_n3A_59, %select_n3A_89 : vector<256x1024xi1>, vector<256x1024xf32>
    %jit3A_108 = arith.constant 0x7F800000 : f32
    %broadcast_in_dim3A_109 = vector.broadcast %jit3A_108 : f32 to vector<256x1024xf32>
    %select_n3A_110 = arith.select %eq3A_105, %broadcast_in_dim3A_109, %select_n3A_92 : vector<256x1024xi1>, vector<256x1024xf32>
    %reduce_min3A_111 = arith.constant dense<0x7F800000> : vector<256xf32>
    %reduce_min3A_112 = vector.multi_reduction <minimumf>, %select_n3A_106, %reduce_min3A_111 [1] : vector<256x1024xf32> to vector<256xf32>
    %broadcast_in_dim3A_113 = vector.shape_cast %reduce_min3A_112 : vector<256xf32> to vector<256x1xf32>
    %eq3A_114 = vector.broadcast %broadcast_in_dim3A_113 : vector<256x1xf32> to vector<256x1024xf32>
    %eq3A_115 = arith.cmpf oeq, %select_n3A_106, %eq3A_114 : vector<256x1024xf32>
    %jit3A_116 = arith.constant 2.048000e+03 : f32
    %broadcast_in_dim3A_117 = vector.broadcast %jit3A_116 : f32 to vector<256x1024xf32>
    %select_n3A_118 = arith.select %eq3A_115, %select_n3A_107, %broadcast_in_dim3A_117 : vector<256x1024xi1>, vector<256x1024xf32>
    %reduce_min3A_119 = arith.constant dense<0x7F800000> : vector<256xf32>
    %reduce_min3A_120 = vector.multi_reduction <minimumf>, %select_n3A_118, %reduce_min3A_119 [1] : vector<256x1024xf32> to vector<256xf32>
    %broadcast_in_dim3A_121 = vector.shape_cast %reduce_min3A_120 : vector<256xf32> to vector<256x1xf32>
    %eq3A_122 = vector.broadcast %broadcast_in_dim3A_121 : vector<256x1xf32> to vector<256x1024xf32>
    %eq3A_123 = arith.cmpf oeq, %select_n3A_107, %eq3A_122 : vector<256x1024xf32>
    %select_n3A_124 = arith.select %eq3A_123, %select_n3A_110, %select_n3A_106 : vector<256x1024xi1>, vector<256x1024xf32>
    %select_n3A_125 = arith.select %eq3A_123, %select_n3A_59, %select_n3A_107 : vector<256x1024xi1>, vector<256x1024xf32>
    %jit3A_126 = arith.constant 0x7F800000 : f32
    %broadcast_in_dim3A_127 = vector.broadcast %jit3A_126 : f32 to vector<256x1024xf32>
    %select_n3A_128 = arith.select %eq3A_123, %broadcast_in_dim3A_127, %select_n3A_110 : vector<256x1024xi1>, vector<256x1024xf32>
    %reduce_min3A_129 = arith.constant dense<0x7F800000> : vector<256xf32>
    %reduce_min3A_130 = vector.multi_reduction <minimumf>, %select_n3A_124, %reduce_min3A_129 [1] : vector<256x1024xf32> to vector<256xf32>
    %broadcast_in_dim3A_131 = vector.shape_cast %reduce_min3A_130 : vector<256xf32> to vector<256x1xf32>
    %eq3A_132 = vector.broadcast %broadcast_in_dim3A_131 : vector<256x1xf32> to vector<256x1024xf32>
    %eq3A_133 = arith.cmpf oeq, %select_n3A_124, %eq3A_132 : vector<256x1024xf32>
    %jit3A_134 = arith.constant 2.048000e+03 : f32
    %broadcast_in_dim3A_135 = vector.broadcast %jit3A_134 : f32 to vector<256x1024xf32>
    %select_n3A_136 = arith.select %eq3A_133, %select_n3A_125, %broadcast_in_dim3A_135 : vector<256x1024xi1>, vector<256x1024xf32>
    %reduce_min3A_137 = arith.constant dense<0x7F800000> : vector<256xf32>
    %reduce_min3A_138 = vector.multi_reduction <minimumf>, %select_n3A_136, %reduce_min3A_137 [1] : vector<256x1024xf32> to vector<256xf32>
    %broadcast_in_dim3A_139 = vector.shape_cast %reduce_min3A_138 : vector<256xf32> to vector<256x1xf32>
    %eq3A_140 = vector.broadcast %broadcast_in_dim3A_139 : vector<256x1xf32> to vector<256x1024xf32>
    %eq3A_141 = arith.cmpf oeq, %select_n3A_125, %eq3A_140 : vector<256x1024xf32>
    %select_n3A_142 = arith.select %eq3A_141, %select_n3A_128, %select_n3A_124 : vector<256x1024xi1>, vector<256x1024xf32>
    %select_n3A_143 = arith.select %eq3A_141, %select_n3A_59, %select_n3A_125 : vector<256x1024xi1>, vector<256x1024xf32>
    %jit3A_144 = arith.constant 0x7F800000 : f32
    %broadcast_in_dim3A_145 = vector.broadcast %jit3A_144 : f32 to vector<256x1024xf32>
    %select_n3A_146 = arith.select %eq3A_141, %broadcast_in_dim3A_145, %select_n3A_128 : vector<256x1024xi1>, vector<256x1024xf32>
    %reduce_min3A_147 = arith.constant dense<0x7F800000> : vector<256xf32>
    %reduce_min3A_148 = vector.multi_reduction <minimumf>, %select_n3A_142, %reduce_min3A_147 [1] : vector<256x1024xf32> to vector<256xf32>
    %broadcast_in_dim3A_149 = vector.shape_cast %reduce_min3A_148 : vector<256xf32> to vector<256x1xf32>
    %eq3A_150 = vector.broadcast %broadcast_in_dim3A_149 : vector<256x1xf32> to vector<256x1024xf32>
    %eq3A_151 = arith.cmpf oeq, %select_n3A_142, %eq3A_150 : vector<256x1024xf32>
    %jit3A_152 = arith.constant 2.048000e+03 : f32
    %broadcast_in_dim3A_153 = vector.broadcast %jit3A_152 : f32 to vector<256x1024xf32>
    %select_n3A_154 = arith.select %eq3A_151, %select_n3A_143, %broadcast_in_dim3A_153 : vector<256x1024xi1>, vector<256x1024xf32>
    %reduce_min3A_155 = arith.constant dense<0x7F800000> : vector<256xf32>
    %reduce_min3A_156 = vector.multi_reduction <minimumf>, %select_n3A_154, %reduce_min3A_155 [1] : vector<256x1024xf32> to vector<256xf32>
    %broadcast_in_dim3A_157 = vector.shape_cast %reduce_min3A_156 : vector<256xf32> to vector<256x1xf32>
    %eq3A_158 = vector.broadcast %broadcast_in_dim3A_157 : vector<256x1xf32> to vector<256x1024xf32>
    %eq3A_159 = arith.cmpf oeq, %select_n3A_143, %eq3A_158 : vector<256x1024xf32>
    %select_n3A_160 = arith.select %eq3A_159, %select_n3A_146, %select_n3A_142 : vector<256x1024xi1>, vector<256x1024xf32>
    %select_n3A_161 = arith.select %eq3A_159, %select_n3A_59, %select_n3A_143 : vector<256x1024xi1>, vector<256x1024xf32>
    %jit3A_162 = arith.constant 0x7F800000 : f32
    %broadcast_in_dim3A_163 = vector.broadcast %jit3A_162 : f32 to vector<256x1024xf32>
    %select_n3A_164 = arith.select %eq3A_159, %broadcast_in_dim3A_163, %select_n3A_146 : vector<256x1024xi1>, vector<256x1024xf32>
    %reduce_min3A_165 = arith.constant dense<0x7F800000> : vector<256xf32>
    %reduce_min3A_166 = vector.multi_reduction <minimumf>, %select_n3A_160, %reduce_min3A_165 [1] : vector<256x1024xf32> to vector<256xf32>
    %broadcast_in_dim3A_167 = vector.shape_cast %reduce_min3A_166 : vector<256xf32> to vector<256x1xf32>
    %eq3A_168 = vector.broadcast %broadcast_in_dim3A_167 : vector<256x1xf32> to vector<256x1024xf32>
    %eq3A_169 = arith.cmpf oeq, %select_n3A_160, %eq3A_168 : vector<256x1024xf32>
    %jit3A_170 = arith.constant 2.048000e+03 : f32
    %broadcast_in_dim3A_171 = vector.broadcast %jit3A_170 : f32 to vector<256x1024xf32>
    %select_n3A_172 = arith.select %eq3A_169, %select_n3A_161, %broadcast_in_dim3A_171 : vector<256x1024xi1>, vector<256x1024xf32>
    %reduce_min3A_173 = arith.constant dense<0x7F800000> : vector<256xf32>
    %reduce_min3A_174 = vector.multi_reduction <minimumf>, %select_n3A_172, %reduce_min3A_173 [1] : vector<256x1024xf32> to vector<256xf32>
    %broadcast_in_dim3A_175 = vector.shape_cast %reduce_min3A_174 : vector<256xf32> to vector<256x1xf32>
    %eq3A_176 = vector.broadcast %broadcast_in_dim3A_175 : vector<256x1xf32> to vector<256x1024xf32>
    %eq3A_177 = arith.cmpf oeq, %select_n3A_161, %eq3A_176 : vector<256x1024xf32>
    %select_n3A_178 = arith.select %eq3A_177, %select_n3A_164, %select_n3A_160 : vector<256x1024xi1>, vector<256x1024xf32>
    %select_n3A_179 = arith.select %eq3A_177, %select_n3A_59, %select_n3A_161 : vector<256x1024xi1>, vector<256x1024xf32>
    %jit3A_180 = arith.constant 0x7F800000 : f32
    %broadcast_in_dim3A_181 = vector.broadcast %jit3A_180 : f32 to vector<256x1024xf32>
    %select_n3A_182 = arith.select %eq3A_177, %broadcast_in_dim3A_181, %select_n3A_164 : vector<256x1024xi1>, vector<256x1024xf32>
    %reduce_min3A_183 = arith.constant dense<0x7F800000> : vector<256xf32>
    %reduce_min3A_184 = vector.multi_reduction <minimumf>, %select_n3A_178, %reduce_min3A_183 [1] : vector<256x1024xf32> to vector<256xf32>
    %broadcast_in_dim3A_185 = vector.shape_cast %reduce_min3A_184 : vector<256xf32> to vector<256x1xf32>
    %eq3A_186 = vector.broadcast %broadcast_in_dim3A_185 : vector<256x1xf32> to vector<256x1024xf32>
    %eq3A_187 = arith.cmpf oeq, %select_n3A_178, %eq3A_186 : vector<256x1024xf32>
    %jit3A_188 = arith.constant 2.048000e+03 : f32
    %broadcast_in_dim3A_189 = vector.broadcast %jit3A_188 : f32 to vector<256x1024xf32>
    %select_n3A_190 = arith.select %eq3A_187, %select_n3A_179, %broadcast_in_dim3A_189 : vector<256x1024xi1>, vector<256x1024xf32>
    %reduce_min3A_191 = arith.constant dense<0x7F800000> : vector<256xf32>
    %reduce_min3A_192 = vector.multi_reduction <minimumf>, %select_n3A_190, %reduce_min3A_191 [1] : vector<256x1024xf32> to vector<256xf32>
    %broadcast_in_dim3A_193 = vector.shape_cast %reduce_min3A_192 : vector<256xf32> to vector<256x1xf32>
    %eq3A_194 = vector.broadcast %broadcast_in_dim3A_193 : vector<256x1xf32> to vector<256x1024xf32>
    %eq3A_195 = arith.cmpf oeq, %select_n3A_179, %eq3A_194 : vector<256x1024xf32>
    %select_n3A_196 = arith.select %eq3A_195, %select_n3A_182, %select_n3A_178 : vector<256x1024xi1>, vector<256x1024xf32>
    %select_n3A_197 = arith.select %eq3A_195, %select_n3A_59, %select_n3A_179 : vector<256x1024xi1>, vector<256x1024xf32>
    %jit3A_198 = arith.constant 0x7F800000 : f32
    %broadcast_in_dim3A_199 = vector.broadcast %jit3A_198 : f32 to vector<256x1024xf32>
    %select_n3A_200 = arith.select %eq3A_195, %broadcast_in_dim3A_199, %select_n3A_182 : vector<256x1024xi1>, vector<256x1024xf32>
    %reduce_min3A_201 = arith.constant dense<0x7F800000> : vector<256xf32>
    %reduce_min3A_202 = vector.multi_reduction <minimumf>, %select_n3A_196, %reduce_min3A_201 [1] : vector<256x1024xf32> to vector<256xf32>
    %broadcast_in_dim3A_203 = vector.shape_cast %reduce_min3A_202 : vector<256xf32> to vector<256x1xf32>
    %eq3A_204 = vector.broadcast %broadcast_in_dim3A_203 : vector<256x1xf32> to vector<256x1024xf32>
    %eq3A_205 = arith.cmpf oeq, %select_n3A_196, %eq3A_204 : vector<256x1024xf32>
    %jit3A_206 = arith.constant 2.048000e+03 : f32
    %broadcast_in_dim3A_207 = vector.broadcast %jit3A_206 : f32 to vector<256x1024xf32>
    %select_n3A_208 = arith.select %eq3A_205, %select_n3A_197, %broadcast_in_dim3A_207 : vector<256x1024xi1>, vector<256x1024xf32>
    %reduce_min3A_209 = arith.constant dense<0x7F800000> : vector<256xf32>
    %reduce_min3A_210 = vector.multi_reduction <minimumf>, %select_n3A_208, %reduce_min3A_209 [1] : vector<256x1024xf32> to vector<256xf32>
    %broadcast_in_dim3A_211 = vector.shape_cast %reduce_min3A_210 : vector<256xf32> to vector<256x1xf32>
    %eq3A_212 = vector.broadcast %broadcast_in_dim3A_211 : vector<256x1xf32> to vector<256x1024xf32>
    %eq3A_213 = arith.cmpf oeq, %select_n3A_197, %eq3A_212 : vector<256x1024xf32>
    %select_n3A_214 = arith.select %eq3A_213, %select_n3A_200, %select_n3A_196 : vector<256x1024xi1>, vector<256x1024xf32>
    %select_n3A_215 = arith.select %eq3A_213, %select_n3A_59, %select_n3A_197 : vector<256x1024xi1>, vector<256x1024xf32>
    %jit3A_216 = arith.constant 0x7F800000 : f32
    %broadcast_in_dim3A_217 = vector.broadcast %jit3A_216 : f32 to vector<256x1024xf32>
    %select_n3A_218 = arith.select %eq3A_213, %broadcast_in_dim3A_217, %select_n3A_200 : vector<256x1024xi1>, vector<256x1024xf32>
    %reduce_min3A_219 = arith.constant dense<0x7F800000> : vector<256xf32>
    %reduce_min3A_220 = vector.multi_reduction <minimumf>, %select_n3A_214, %reduce_min3A_219 [1] : vector<256x1024xf32> to vector<256xf32>
    %broadcast_in_dim3A_221 = vector.shape_cast %reduce_min3A_220 : vector<256xf32> to vector<256x1xf32>
    %eq3A_222 = vector.broadcast %broadcast_in_dim3A_221 : vector<256x1xf32> to vector<256x1024xf32>
    %eq3A_223 = arith.cmpf oeq, %select_n3A_214, %eq3A_222 : vector<256x1024xf32>
    %jit3A_224 = arith.constant 2.048000e+03 : f32
    %broadcast_in_dim3A_225 = vector.broadcast %jit3A_224 : f32 to vector<256x1024xf32>
    %select_n3A_226 = arith.select %eq3A_223, %select_n3A_215, %broadcast_in_dim3A_225 : vector<256x1024xi1>, vector<256x1024xf32>
    %reduce_min3A_227 = arith.constant dense<0x7F800000> : vector<256xf32>
    %reduce_min3A_228 = vector.multi_reduction <minimumf>, %select_n3A_226, %reduce_min3A_227 [1] : vector<256x1024xf32> to vector<256xf32>
    %broadcast_in_dim3A_229 = vector.shape_cast %reduce_min3A_228 : vector<256xf32> to vector<256x1xf32>
    %eq3A_230 = vector.broadcast %broadcast_in_dim3A_229 : vector<256x1xf32> to vector<256x1024xf32>
    %eq3A_231 = arith.cmpf oeq, %select_n3A_215, %eq3A_230 : vector<256x1024xf32>
    %select_n3A_232 = arith.select %eq3A_231, %select_n3A_218, %select_n3A_214 : vector<256x1024xi1>, vector<256x1024xf32>
    %select_n3A_233 = arith.select %eq3A_231, %select_n3A_59, %select_n3A_215 : vector<256x1024xi1>, vector<256x1024xf32>
    %jit3A_234 = arith.constant 0x7F800000 : f32
    %broadcast_in_dim3A_235 = vector.broadcast %jit3A_234 : f32 to vector<256x1024xf32>
    %select_n3A_236 = arith.select %eq3A_231, %broadcast_in_dim3A_235, %select_n3A_218 : vector<256x1024xi1>, vector<256x1024xf32>
    %reduce_min3A_237 = arith.constant dense<0x7F800000> : vector<256xf32>
    %reduce_min3A_238 = vector.multi_reduction <minimumf>, %select_n3A_232, %reduce_min3A_237 [1] : vector<256x1024xf32> to vector<256xf32>
    %broadcast_in_dim3A_239 = vector.shape_cast %reduce_min3A_238 : vector<256xf32> to vector<256x1xf32>
    %eq3A_240 = vector.broadcast %broadcast_in_dim3A_239 : vector<256x1xf32> to vector<256x1024xf32>
    %eq3A_241 = arith.cmpf oeq, %select_n3A_232, %eq3A_240 : vector<256x1024xf32>
    %jit3A_242 = arith.constant 2.048000e+03 : f32
    %broadcast_in_dim3A_243 = vector.broadcast %jit3A_242 : f32 to vector<256x1024xf32>
    %select_n3A_244 = arith.select %eq3A_241, %select_n3A_233, %broadcast_in_dim3A_243 : vector<256x1024xi1>, vector<256x1024xf32>
    %reduce_min3A_245 = arith.constant dense<0x7F800000> : vector<256xf32>
    %reduce_min3A_246 = vector.multi_reduction <minimumf>, %select_n3A_244, %reduce_min3A_245 [1] : vector<256x1024xf32> to vector<256xf32>
    %broadcast_in_dim3A_247 = vector.shape_cast %reduce_min3A_246 : vector<256xf32> to vector<256x1xf32>
    %eq3A_248 = vector.broadcast %broadcast_in_dim3A_247 : vector<256x1xf32> to vector<256x1024xf32>
    %eq3A_249 = arith.cmpf oeq, %select_n3A_233, %eq3A_248 : vector<256x1024xf32>
    %select_n3A_250 = arith.select %eq3A_249, %select_n3A_236, %select_n3A_232 : vector<256x1024xi1>, vector<256x1024xf32>
    %select_n3A_251 = arith.select %eq3A_249, %select_n3A_59, %select_n3A_233 : vector<256x1024xi1>, vector<256x1024xf32>
    %jit3A_252 = arith.constant 0x7F800000 : f32
    %broadcast_in_dim3A_253 = vector.broadcast %jit3A_252 : f32 to vector<256x1024xf32>
    %select_n3A_254 = arith.select %eq3A_249, %broadcast_in_dim3A_253, %select_n3A_236 : vector<256x1024xi1>, vector<256x1024xf32>
    %reduce_min3A_255 = arith.constant dense<0x7F800000> : vector<256xf32>
    %reduce_min3A_256 = vector.multi_reduction <minimumf>, %select_n3A_250, %reduce_min3A_255 [1] : vector<256x1024xf32> to vector<256xf32>
    %broadcast_in_dim3A_257 = vector.shape_cast %reduce_min3A_256 : vector<256xf32> to vector<256x1xf32>
    %eq3A_258 = vector.broadcast %broadcast_in_dim3A_257 : vector<256x1xf32> to vector<256x1024xf32>
    %eq3A_259 = arith.cmpf oeq, %select_n3A_250, %eq3A_258 : vector<256x1024xf32>
    %jit3A_260 = arith.constant 2.048000e+03 : f32
    %broadcast_in_dim3A_261 = vector.broadcast %jit3A_260 : f32 to vector<256x1024xf32>
    %select_n3A_262 = arith.select %eq3A_259, %select_n3A_251, %broadcast_in_dim3A_261 : vector<256x1024xi1>, vector<256x1024xf32>
    %reduce_min3A_263 = arith.constant dense<0x7F800000> : vector<256xf32>
    %reduce_min3A_264 = vector.multi_reduction <minimumf>, %select_n3A_262, %reduce_min3A_263 [1] : vector<256x1024xf32> to vector<256xf32>
    %broadcast_in_dim3A_265 = vector.shape_cast %reduce_min3A_264 : vector<256xf32> to vector<256x1xf32>
    %eq3A_266 = vector.broadcast %broadcast_in_dim3A_265 : vector<256x1xf32> to vector<256x1024xf32>
    %eq3A_267 = arith.cmpf oeq, %select_n3A_251, %eq3A_266 : vector<256x1024xf32>
    %select_n3A_268 = arith.select %eq3A_267, %select_n3A_254, %select_n3A_250 : vector<256x1024xi1>, vector<256x1024xf32>
    %select_n3A_269 = arith.select %eq3A_267, %select_n3A_59, %select_n3A_251 : vector<256x1024xi1>, vector<256x1024xf32>
    %jit3A_270 = arith.constant 0x7F800000 : f32
    %broadcast_in_dim3A_271 = vector.broadcast %jit3A_270 : f32 to vector<256x1024xf32>
    %select_n3A_272 = arith.select %eq3A_267, %broadcast_in_dim3A_271, %select_n3A_254 : vector<256x1024xi1>, vector<256x1024xf32>
    %reduce_min3A_273 = arith.constant dense<0x7F800000> : vector<256xf32>
    %reduce_min3A_274 = vector.multi_reduction <minimumf>, %select_n3A_268, %reduce_min3A_273 [1] : vector<256x1024xf32> to vector<256xf32>
    %broadcast_in_dim3A_275 = vector.shape_cast %reduce_min3A_274 : vector<256xf32> to vector<256x1xf32>
    %eq3A_276 = vector.broadcast %broadcast_in_dim3A_275 : vector<256x1xf32> to vector<256x1024xf32>
    %eq3A_277 = arith.cmpf oeq, %select_n3A_268, %eq3A_276 : vector<256x1024xf32>
    %jit3A_278 = arith.constant 2.048000e+03 : f32
    %broadcast_in_dim3A_279 = vector.broadcast %jit3A_278 : f32 to vector<256x1024xf32>
    %select_n3A_280 = arith.select %eq3A_277, %select_n3A_269, %broadcast_in_dim3A_279 : vector<256x1024xi1>, vector<256x1024xf32>
    %reduce_min3A_281 = arith.constant dense<0x7F800000> : vector<256xf32>
    %reduce_min3A_282 = vector.multi_reduction <minimumf>, %select_n3A_280, %reduce_min3A_281 [1] : vector<256x1024xf32> to vector<256xf32>
    %broadcast_in_dim3A_283 = vector.shape_cast %reduce_min3A_282 : vector<256xf32> to vector<256x1xf32>
    %eq3A_284 = vector.broadcast %broadcast_in_dim3A_283 : vector<256x1xf32> to vector<256x1024xf32>
    %eq3A_285 = arith.cmpf oeq, %select_n3A_269, %eq3A_284 : vector<256x1024xf32>
    %select_n3A_286 = arith.select %eq3A_285, %select_n3A_272, %select_n3A_268 : vector<256x1024xi1>, vector<256x1024xf32>
    %select_n3A_287 = arith.select %eq3A_285, %select_n3A_59, %select_n3A_269 : vector<256x1024xi1>, vector<256x1024xf32>
    %jit3A_288 = arith.constant 0x7F800000 : f32
    %broadcast_in_dim3A_289 = vector.broadcast %jit3A_288 : f32 to vector<256x1024xf32>
    %select_n3A_290 = arith.select %eq3A_285, %broadcast_in_dim3A_289, %select_n3A_272 : vector<256x1024xi1>, vector<256x1024xf32>
    %reduce_min3A_291 = arith.constant dense<0x7F800000> : vector<256xf32>
    %reduce_min3A_292 = vector.multi_reduction <minimumf>, %select_n3A_286, %reduce_min3A_291 [1] : vector<256x1024xf32> to vector<256xf32>
    %broadcast_in_dim3A_293 = vector.shape_cast %reduce_min3A_292 : vector<256xf32> to vector<256x1xf32>
    %eq3A_294 = vector.broadcast %broadcast_in_dim3A_293 : vector<256x1xf32> to vector<256x1024xf32>
    %eq3A_295 = arith.cmpf oeq, %select_n3A_286, %eq3A_294 : vector<256x1024xf32>
    %jit3A_296 = arith.constant 2.048000e+03 : f32
    %broadcast_in_dim3A_297 = vector.broadcast %jit3A_296 : f32 to vector<256x1024xf32>
    %select_n3A_298 = arith.select %eq3A_295, %select_n3A_287, %broadcast_in_dim3A_297 : vector<256x1024xi1>, vector<256x1024xf32>
    %reduce_min3A_299 = arith.constant dense<0x7F800000> : vector<256xf32>
    %reduce_min3A_300 = vector.multi_reduction <minimumf>, %select_n3A_298, %reduce_min3A_299 [1] : vector<256x1024xf32> to vector<256xf32>
    %broadcast_in_dim3A_301 = vector.shape_cast %reduce_min3A_300 : vector<256xf32> to vector<256x1xf32>
    %eq3A_302 = vector.broadcast %broadcast_in_dim3A_301 : vector<256x1xf32> to vector<256x1024xf32>
    %eq3A_303 = arith.cmpf oeq, %select_n3A_287, %eq3A_302 : vector<256x1024xf32>
    %select_n3A_304 = arith.select %eq3A_303, %select_n3A_290, %select_n3A_286 : vector<256x1024xi1>, vector<256x1024xf32>
    %select_n3A_305 = arith.select %eq3A_303, %select_n3A_59, %select_n3A_287 : vector<256x1024xi1>, vector<256x1024xf32>
    %jit3A_306 = arith.constant 0x7F800000 : f32
    %broadcast_in_dim3A_307 = vector.broadcast %jit3A_306 : f32 to vector<256x1024xf32>
    %select_n3A_308 = arith.select %eq3A_303, %broadcast_in_dim3A_307, %select_n3A_290 : vector<256x1024xi1>, vector<256x1024xf32>
    %reduce_min3A_309 = arith.constant dense<0x7F800000> : vector<256xf32>
    %reduce_min3A_310 = vector.multi_reduction <minimumf>, %select_n3A_304, %reduce_min3A_309 [1] : vector<256x1024xf32> to vector<256xf32>
    %broadcast_in_dim3A_311 = vector.shape_cast %reduce_min3A_310 : vector<256xf32> to vector<256x1xf32>
    %eq3A_312 = vector.broadcast %broadcast_in_dim3A_311 : vector<256x1xf32> to vector<256x1024xf32>
    %eq3A_313 = arith.cmpf oeq, %select_n3A_304, %eq3A_312 : vector<256x1024xf32>
    %jit3A_314 = arith.constant 2.048000e+03 : f32
    %broadcast_in_dim3A_315 = vector.broadcast %jit3A_314 : f32 to vector<256x1024xf32>
    %select_n3A_316 = arith.select %eq3A_313, %select_n3A_305, %broadcast_in_dim3A_315 : vector<256x1024xi1>, vector<256x1024xf32>
    %reduce_min3A_317 = arith.constant dense<0x7F800000> : vector<256xf32>
    %reduce_min3A_318 = vector.multi_reduction <minimumf>, %select_n3A_316, %reduce_min3A_317 [1] : vector<256x1024xf32> to vector<256xf32>
    %broadcast_in_dim3A_319 = vector.shape_cast %reduce_min3A_318 : vector<256xf32> to vector<256x1xf32>
    %eq3A_320 = vector.broadcast %broadcast_in_dim3A_319 : vector<256x1xf32> to vector<256x1024xf32>
    %eq3A_321 = arith.cmpf oeq, %select_n3A_305, %eq3A_320 : vector<256x1024xf32>
    %select_n3A_322 = arith.select %eq3A_321, %select_n3A_308, %select_n3A_304 : vector<256x1024xi1>, vector<256x1024xf32>
    %select_n3A_323 = arith.select %eq3A_321, %select_n3A_59, %select_n3A_305 : vector<256x1024xi1>, vector<256x1024xf32>
    %reduce_min3A_324 = arith.constant dense<0x7F800000> : vector<256xf32>
    %reduce_min3A_325 = vector.multi_reduction <minimumf>, %select_n3A_322, %reduce_min3A_324 [1] : vector<256x1024xf32> to vector<256xf32>
    %broadcast_in_dim3A_326 = vector.shape_cast %reduce_min3A_325 : vector<256xf32> to vector<256x1xf32>
    %eq3A_327 = vector.broadcast %broadcast_in_dim3A_326 : vector<256x1xf32> to vector<256x1024xf32>
    %eq3A_328 = arith.cmpf oeq, %select_n3A_322, %eq3A_327 : vector<256x1024xf32>
    %jit3A_329 = arith.constant 2.048000e+03 : f32
    %broadcast_in_dim3A_330 = vector.broadcast %jit3A_329 : f32 to vector<256x1024xf32>
    %select_n3A_331 = arith.select %eq3A_328, %select_n3A_323, %broadcast_in_dim3A_330 : vector<256x1024xi1>, vector<256x1024xf32>
    %reduce_min3A_332 = arith.constant dense<0x7F800000> : vector<256xf32>
    %reduce_min3A_333 = vector.multi_reduction <minimumf>, %select_n3A_331, %reduce_min3A_332 [1] : vector<256x1024xf32> to vector<256xf32>
    %broadcast_in_dim3A_334 = vector.shape_cast %reduce_min3A_333 : vector<256xf32> to vector<256x1xf32>
    %concatenate3A_335 = tpu.concatenate %broadcast_in_dim3A_67, %broadcast_in_dim3A_85, %broadcast_in_dim3A_103, %broadcast_in_dim3A_121, %broadcast_in_dim3A_139, %broadcast_in_dim3A_157, %broadcast_in_dim3A_175, %broadcast_in_dim3A_193, %broadcast_in_dim3A_211, %broadcast_in_dim3A_229, %broadcast_in_dim3A_247, %broadcast_in_dim3A_265, %broadcast_in_dim3A_283, %broadcast_in_dim3A_301, %broadcast_in_dim3A_319, %broadcast_in_dim3A_334 in 1 : vector<256x1xf32>, vector<256x1xf32>, vector<256x1xf32>, vector<256x1xf32>, vector<256x1xf32>, vector<256x1xf32>, vector<256x1xf32>, vector<256x1xf32>, vector<256x1xf32>, vector<256x1xf32>, vector<256x1xf32>, vector<256x1xf32>, vector<256x1xf32>, vector<256x1xf32>, vector<256x1xf32>, vector<256x1xf32> -> vector<256x16xf32>
    %convert_element_type3A_336 = arith.fptosi %concatenate3A_335 : vector<256x16xf32> to vector<256x16xi32>
    %transpose3A = tpu.transpose %convert_element_type3A_336, [1, 0] : vector<256x16xi32> -> vector<16x256xi32>
    %swap3A_337 = arith.constant 0 : index
    %swap3A_338 = arith.constant 0 : index
    %swap3A_339 = arith.constant 0 : index
    %swap3A_340 = vector.load %arg4[%swap3A_337, %swap3A_338, %swap3A_339] : memref<1x16x256xi32, #tpu.memory_space<vmem>>, vector<1x16x256xi32>
    %swap3A_341 = vector.shape_cast %swap3A_340 : vector<1x16x256xi32> to vector<16x256xi32>
    %swap3A_342 = vector.shape_cast %transpose3A : vector<16x256xi32> to vector<1x16x256xi32>
    tpu.vector_store %arg4[%swap3A_337, %swap3A_338, %swap3A_339], %swap3A_342 {strides = array<i32>} : memref<1x16x256xi32, #tpu.memory_space<vmem>>, vector<1x16x256xi32>,
    return
  }
  func.func @transform_0(%arg0: i32) -> (i32, i32, i32) {
    %c0_i32 = arith.constant 0 : i32
    %c0_i32_0 = arith.constant 0 : i32
    %c0_i32_1 = arith.constant 0 : i32
    return %c0_i32, %arg0, %c0_i32_0 : i32, i32, i32
  }
  func.func @transform_1(%arg0: i32) -> (i32, i32, i32) {
    %c0_i32 = arith.constant 0 : i32
    %c0_i32_0 = arith.constant 0 : i32
    %c0_i32_1 = arith.constant 0 : i32
    return %c0_i32, %arg0, %c0_i32_0 : i32, i32, i32
  }
  func.func @transform_2(%arg0: i32) -> (i32, i32, i32) {
    %c0_i32 = arith.constant 0 : i32
    %c0_i32_0 = arith.constant 0 : i32
    %c0_i32_1 = arith.constant 0 : i32
    %c0_i32_2 = arith.constant 0 : i32
    return %c0_i32, %c0_i32_0, %c0_i32_1 : i32, i32, i32
  }
  func.func @transform_3(%arg0: i32) -> (i32, i32, i32) {
    %c0_i32 = arith.constant 0 : i32
    %c0_i32_0 = arith.constant 0 : i32
    %c0_i32_1 = arith.constant 0 : i32
    return %c0_i32, %c0_i32_0, %arg0 : i32, i32, i32
  }
  func.func @transform_4(%arg0: i32) -> (i32, i32, i32) {
    %c0_i32 = arith.constant 0 : i32
    %c0_i32_0 = arith.constant 0 : i32
    %c0_i32_1 = arith.constant 0 : i32
    return %c0_i32, %arg0, %c0_i32_0 : i32, i32, i32
  }
  func.func @transform_5(%arg0: i32) -> (i32, i32, i32) {
    %c0_i32 = arith.constant 0 : i32
    %c0_i32_0 = arith.constant 0 : i32
    %c0_i32_1 = arith.constant 0 : i32
    return %c0_i32, %arg0, %c0_i32_0 : i32, i32, i32
  }
}

module attributes {stable_mosaic.version = 14 : i64} {
  func.func @_mlp_body(%arg0: i32, %arg1: memref<1x256x256xf32, #tpu.memory_space<vmem>>, %arg2: memref<1x16x256x128xi32, #tpu.memory_space<vmem>>, %arg3: memref<256x256xf32, #tpu.memory_space<vmem>>, %arg4: memref<128x256xf32, #tpu.memory_space<vmem>>, %arg5: memref<128x256xf32, #tpu.memory_space<vmem>>, %arg6: memref<1x256xf32, #tpu.memory_space<vmem>>, %arg7: memref<256x256xf32, #tpu.memory_space<vmem>>, %arg8: memref<1x256xf32, #tpu.memory_space<vmem>>, %arg9: memref<256x128xf32, #tpu.memory_space<vmem>>, %arg10: memref<1x1xf32, #tpu.memory_space<vmem>>, %arg11: memref<128x128xf32, #tpu.memory_space<vmem>>, %arg12: memref<1x128xf32, #tpu.memory_space<vmem>>, %arg13: memref<1x256x128xf32, #tpu.memory_space<vmem>>) attributes {dimension_semantics = [#tpu.dimension_semantics<arbitrary>], iteration_bounds = array<i64: 8>, scalar_prefetch = 0 : i64, scratch_operands = 0 : i64, tpu.core_type = #tpu.core_type<tc>, window_params = [{transform_indices = @transform_0, window_bounds = array<i64: 1, 256, 256>}, {transform_indices = @transform_1, window_bounds = array<i64: 1, 16, 256, 128>}, {pipeline_mode = #tpu.pipeline_mode<synchronous>, transform_indices = @transform_2, window_bounds = array<i64: 256, 256>}, {pipeline_mode = #tpu.pipeline_mode<synchronous>, transform_indices = @transform_3, window_bounds = array<i64: 128, 256>}, {pipeline_mode = #tpu.pipeline_mode<synchronous>, transform_indices = @transform_4, window_bounds = array<i64: 128, 256>}, {pipeline_mode = #tpu.pipeline_mode<synchronous>, transform_indices = @transform_5, window_bounds = array<i64: 1, 256>}, {pipeline_mode = #tpu.pipeline_mode<synchronous>, transform_indices = @transform_6, window_bounds = array<i64: 256, 256>}, {pipeline_mode = #tpu.pipeline_mode<synchronous>, transform_indices = @transform_7, window_bounds = array<i64: 1, 256>}, {pipeline_mode = #tpu.pipeline_mode<synchronous>, transform_indices = @transform_8, window_bounds = array<i64: 256, 128>}, {pipeline_mode = #tpu.pipeline_mode<synchronous>, transform_indices = @transform_9, window_bounds = array<i64: 1, 1>}, {pipeline_mode = #tpu.pipeline_mode<synchronous>, transform_indices = @transform_10, window_bounds = array<i64: 128, 128>}, {pipeline_mode = #tpu.pipeline_mode<synchronous>, transform_indices = @transform_11, window_bounds = array<i64: 1, 128>}, {transform_indices = @transform_12, window_bounds = array<i64: 1, 256, 128>}]} {
    %get3A = arith.constant 0 : index
    %get3A_0 = arith.constant 0 : index
    %get3A_1 = arith.constant 0 : index
    %get3A_2 = vector.load %arg1[%get3A, %get3A_0, %get3A_1] : memref<1x256x256xf32, #tpu.memory_space<vmem>>, vector<1x256x256xf32>
    %get3A_3 = vector.shape_cast %get3A_2 : vector<1x256x256xf32> to vector<256x256xf32>
    %get3A_4 = arith.constant 0 : index
    %get3A_5 = arith.constant 0 : index
    %get3A_6 = vector.load %arg4[%get3A_4, %get3A_5] : memref<128x256xf32, #tpu.memory_space<vmem>>, vector<128x256xf32>
    %convert_element_type3A = arith.truncf %get3A_6 : vector<128x256xf32> to vector<128x256xbf16>
    %get3A_7 = arith.constant 0 : index
    %get3A_8 = arith.constant 0 : index
    %get3A_9 = vector.load %arg5[%get3A_7, %get3A_8] : memref<128x256xf32, #tpu.memory_space<vmem>>, vector<128x256xf32>
    %convert_element_type3A_10 = arith.truncf %get3A_9 : vector<128x256xf32> to vector<128x256xbf16>
    %get3A_11 = arith.constant 0 : index
    %get3A_12 = arith.constant 0 : index
    %get3A_13 = vector.load %arg7[%get3A_11, %get3A_12] : memref<256x256xf32, #tpu.memory_space<vmem>>, vector<256x256xf32>
    %convert_element_type3A_14 = arith.truncf %get3A_13 : vector<256x256xf32> to vector<256x256xbf16>
    %get3A_15 = arith.constant 0 : index
    %get3A_16 = arith.constant 0 : index
    %get3A_17 = vector.load %arg9[%get3A_15, %get3A_16] : memref<256x128xf32, #tpu.memory_space<vmem>>, vector<256x128xf32>
    %convert_element_type3A_18 = arith.truncf %get3A_17 : vector<256x128xf32> to vector<256x128xbf16>
    %convert_element_type3A_19 = arith.truncf %get3A_3 : vector<256x256xf32> to vector<256x256xbf16>
    %get3A_20 = arith.constant 0 : index
    %get3A_21 = arith.constant 0 : index
    %get3A_22 = vector.load %arg3[%get3A_20, %get3A_21] : memref<256x256xf32, #tpu.memory_space<vmem>>, vector<256x256xf32>
    %convert_element_type3A_23 = arith.truncf %get3A_22 : vector<256x256xf32> to vector<256x256xbf16>
    %dot_general3A = arith.constant dense<0.000000e+00> : vector<256x256xf32>
    %dot_general3A_24 = tpu.matmul %convert_element_type3A_19, %convert_element_type3A_23, %dot_general3A {dimension_numbers = #tpu.dot_dimension_numbers<[1], [0], [0], [1], [0, 0, 1, 1], [], []>, transpose_lhs_hint = false} : vector<256x256xbf16>, vector<256x256xbf16>, vector<256x256xf32> -> vector<256x256xf32>
    %get3A_25 = arith.constant 0 : index
    %get3A_26 = arith.constant 0 : index
    %get3A_27 = vector.load %arg6[%get3A_25, %get3A_26] : memref<1x256xf32, #tpu.memory_space<vmem>>, vector<1x256xf32>
    %add3A = vector.broadcast %get3A_27 : vector<1x256xf32> to vector<256x256xf32>
    %add3A_28 = arith.addf %dot_general3A_24, %add3A : vector<256x256xf32>
    %get3A_29 = arith.constant 0 : index
    %get3A_30 = arith.constant 0 : index
    %get3A_31 = arith.constant 0 : index
    %get3A_32 = arith.constant 0 : index
    %get3A_33 = vector.load %arg2[%get3A_29, %get3A_30, %get3A_31, %get3A_32] : memref<1x16x256x128xi32, #tpu.memory_space<vmem>>, vector<1x2x256x128xi32>
    %get3A_34 = vector.shape_cast %get3A_33 : vector<1x2x256x128xi32> to vector<2x256x128xi32>
    %reshape3A = vector.shape_cast %get3A_34 : vector<2x256x128xi32> to vector<512x128xi32>
    %shift_left3A = arith.constant 16 : i32
    %shift_left3A_35 = vector.broadcast %shift_left3A : i32 to vector<512x128xi32>
    %shift_left3A_36 = arith.shli %reshape3A, %shift_left3A_35 : vector<512x128xi32>
    %bitcast_convert_type3A = tpu.bitcast %shift_left3A_36 : vector<512x128xi32> -> vector<512x128xf32>
    %and3A = arith.constant -65536 : i32
    %and3A_37 = vector.broadcast %and3A : i32 to vector<512x128xi32>
    %and3A_38 = arith.andi %reshape3A, %and3A_37 : vector<512x128xi32>
    %bitcast_convert_type3A_39 = tpu.bitcast %and3A_38 : vector<512x128xi32> -> vector<512x128xf32>
    %convert_element_type3A_40 = arith.truncf %bitcast_convert_type3A : vector<512x128xf32> to vector<512x128xbf16>
    %dot_general3A_41 = arith.constant dense<0.000000e+00> : vector<512x256xf32>
    %dot_general3A_42 = tpu.matmul %convert_element_type3A_40, %convert_element_type3A, %dot_general3A_41 {dimension_numbers = #tpu.dot_dimension_numbers<[1], [0], [0], [1], [0, 0, 1, 1], [], []>, transpose_lhs_hint = false} : vector<512x128xbf16>, vector<128x256xbf16>, vector<512x256xf32> -> vector<512x256xf32>
    %convert_element_type3A_43 = arith.truncf %bitcast_convert_type3A_39 : vector<512x128xf32> to vector<512x128xbf16>
    %dot_general3A_44 = arith.constant dense<0.000000e+00> : vector<512x256xf32>
    %dot_general3A_45 = tpu.matmul %convert_element_type3A_43, %convert_element_type3A_10, %dot_general3A_44 {dimension_numbers = #tpu.dot_dimension_numbers<[1], [0], [0], [1], [0, 0, 1, 1], [], []>, transpose_lhs_hint = false} : vector<512x128xbf16>, vector<128x256xbf16>, vector<512x256xf32> -> vector<512x256xf32>
    %add3A_46 = arith.addf %dot_general3A_42, %dot_general3A_45 : vector<512x256xf32>
    %broadcast_in_dim3A = vector.shape_cast %add3A_28 : vector<256x256xf32> to vector<1x256x256xf32>
    %broadcast_in_dim3A_47 = vector.shape_cast %broadcast_in_dim3A : vector<1x256x256xf32> to vector<1x256x256xf32>
    %broadcast_in_dim3A_48 = vector.broadcast %broadcast_in_dim3A_47 : vector<1x256x256xf32> to vector<2x256x256xf32>
    %reshape3A_49 = vector.shape_cast %broadcast_in_dim3A_48 : vector<2x256x256xf32> to vector<512x256xf32>
    %add3A_50 = arith.addf %add3A_46, %reshape3A_49 : vector<512x256xf32>
    %max3A = arith.constant 0.000000e+00 : f32
    %max3A_51 = vector.broadcast %max3A : f32 to vector<512x256xf32>
    %max3A_52 = arith.maximumf %add3A_50, %max3A_51 : vector<512x256xf32>
    %convert_element_type3A_53 = arith.truncf %max3A_52 : vector<512x256xf32> to vector<512x256xbf16>
    %dot_general3A_54 = arith.constant dense<0.000000e+00> : vector<512x256xf32>
    %dot_general3A_55 = tpu.matmul %convert_element_type3A_53, %convert_element_type3A_14, %dot_general3A_54 {dimension_numbers = #tpu.dot_dimension_numbers<[1], [0], [0], [1], [0, 0, 1, 1], [], []>, transpose_lhs_hint = false} : vector<512x256xbf16>, vector<256x256xbf16>, vector<512x256xf32> -> vector<512x256xf32>
    %get3A_56 = arith.constant 0 : index
    %get3A_57 = arith.constant 0 : index
    %get3A_58 = vector.load %arg8[%get3A_56, %get3A_57] : memref<1x256xf32, #tpu.memory_space<vmem>>, vector<1x256xf32>
    %add3A_59 = vector.broadcast %get3A_58 : vector<1x256xf32> to vector<512x256xf32>
    %add3A_60 = arith.addf %dot_general3A_55, %add3A_59 : vector<512x256xf32>
    %max3A_61 = arith.constant 0.000000e+00 : f32
    %max3A_62 = vector.broadcast %max3A_61 : f32 to vector<512x256xf32>
    %max3A_63 = arith.maximumf %add3A_60, %max3A_62 : vector<512x256xf32>
    %convert_element_type3A_64 = arith.truncf %max3A_63 : vector<512x256xf32> to vector<512x256xbf16>
    %dot_general3A_65 = arith.constant dense<0.000000e+00> : vector<512x128xf32>
    %dot_general3A_66 = tpu.matmul %convert_element_type3A_64, %convert_element_type3A_18, %dot_general3A_65 {dimension_numbers = #tpu.dot_dimension_numbers<[1], [0], [0], [1], [0, 0, 1, 1], [], []>, transpose_lhs_hint = false} : vector<512x256xbf16>, vector<256x128xbf16>, vector<512x128xf32> -> vector<512x128xf32>
    %slice3A = vector.extract_strided_slice %dot_general3A_66 {offsets = [0, 0], sizes = [512, 1], strides = [1, 1]} : vector<512x128xf32> to vector<512x1xf32>
    %get3A_67 = arith.constant 0 : index
    %get3A_68 = arith.constant 0 : index
    %get3A_69 = vector.load %arg10[%get3A_67, %get3A_68] : memref<1x1xf32, #tpu.memory_space<vmem>>, vector<1x1xf32>
    %add3A_70 = vector.broadcast %get3A_69 : vector<1x1xf32> to vector<512x1xf32>
    %add3A_71 = arith.addf %slice3A, %add3A_70 : vector<512x1xf32>
    %mul3A = arith.constant 2.500000e-01 : f32
    %mul3A_72 = vector.broadcast %mul3A : f32 to vector<512x1xf32>
    %mul3A_73 = arith.mulf %add3A_71, %mul3A_72 : vector<512x1xf32>
    %mul3A_74 = vector.broadcast %mul3A_73 : vector<512x1xf32> to vector<512x128xf32>
    %mul3A_75 = arith.mulf %mul3A_74, %bitcast_convert_type3A : vector<512x128xf32>
    %reshape3A_76 = vector.shape_cast %mul3A_75 : vector<512x128xf32> to vector<2x256x128xf32>
    %reduce_sum3A = arith.constant dense<0.000000e+00> : vector<256x128xf32>
    %reduce_sum3A_77 = vector.multi_reduction <add>, %reshape3A_76, %reduce_sum3A [0] : vector<2x256x128xf32> to vector<256x128xf32>
    %get3A_78 = arith.constant 0 : index
    %get3A_79 = arith.constant 2 : index
    %get3A_80 = arith.constant 0 : index
    %get3A_81 = arith.constant 0 : index
    %get3A_82 = vector.load %arg2[%get3A_78, %get3A_79, %get3A_80, %get3A_81] : memref<1x16x256x128xi32, #tpu.memory_space<vmem>>, vector<1x2x256x128xi32>
    %get3A_83 = vector.shape_cast %get3A_82 : vector<1x2x256x128xi32> to vector<2x256x128xi32>
    %reshape3A_84 = vector.shape_cast %get3A_83 : vector<2x256x128xi32> to vector<512x128xi32>
    %shift_left3A_85 = arith.constant 16 : i32
    %shift_left3A_86 = vector.broadcast %shift_left3A_85 : i32 to vector<512x128xi32>
    %shift_left3A_87 = arith.shli %reshape3A_84, %shift_left3A_86 : vector<512x128xi32>
    %bitcast_convert_type3A_88 = tpu.bitcast %shift_left3A_87 : vector<512x128xi32> -> vector<512x128xf32>
    %and3A_89 = arith.constant -65536 : i32
    %and3A_90 = vector.broadcast %and3A_89 : i32 to vector<512x128xi32>
    %and3A_91 = arith.andi %reshape3A_84, %and3A_90 : vector<512x128xi32>
    %bitcast_convert_type3A_92 = tpu.bitcast %and3A_91 : vector<512x128xi32> -> vector<512x128xf32>
    %convert_element_type3A_93 = arith.truncf %bitcast_convert_type3A_88 : vector<512x128xf32> to vector<512x128xbf16>
    %dot_general3A_94 = arith.constant dense<0.000000e+00> : vector<512x256xf32>
    %dot_general3A_95 = tpu.matmul %convert_element_type3A_93, %convert_element_type3A, %dot_general3A_94 {dimension_numbers = #tpu.dot_dimension_numbers<[1], [0], [0], [1], [0, 0, 1, 1], [], []>, transpose_lhs_hint = false} : vector<512x128xbf16>, vector<128x256xbf16>, vector<512x256xf32> -> vector<512x256xf32>
    %convert_element_type3A_96 = arith.truncf %bitcast_convert_type3A_92 : vector<512x128xf32> to vector<512x128xbf16>
    %dot_general3A_97 = arith.constant dense<0.000000e+00> : vector<512x256xf32>
    %dot_general3A_98 = tpu.matmul %convert_element_type3A_96, %convert_element_type3A_10, %dot_general3A_97 {dimension_numbers = #tpu.dot_dimension_numbers<[1], [0], [0], [1], [0, 0, 1, 1], [], []>, transpose_lhs_hint = false} : vector<512x128xbf16>, vector<128x256xbf16>, vector<512x256xf32> -> vector<512x256xf32>
    %add3A_99 = arith.addf %dot_general3A_95, %dot_general3A_98 : vector<512x256xf32>
    %broadcast_in_dim3A_100 = vector.shape_cast %add3A_28 : vector<256x256xf32> to vector<1x256x256xf32>
    %broadcast_in_dim3A_101 = vector.shape_cast %broadcast_in_dim3A_100 : vector<1x256x256xf32> to vector<1x256x256xf32>
    %broadcast_in_dim3A_102 = vector.broadcast %broadcast_in_dim3A_101 : vector<1x256x256xf32> to vector<2x256x256xf32>
    %reshape3A_103 = vector.shape_cast %broadcast_in_dim3A_102 : vector<2x256x256xf32> to vector<512x256xf32>
    %add3A_104 = arith.addf %add3A_99, %reshape3A_103 : vector<512x256xf32>
    %max3A_105 = arith.constant 0.000000e+00 : f32
    %max3A_106 = vector.broadcast %max3A_105 : f32 to vector<512x256xf32>
    %max3A_107 = arith.maximumf %add3A_104, %max3A_106 : vector<512x256xf32>
    %convert_element_type3A_108 = arith.truncf %max3A_107 : vector<512x256xf32> to vector<512x256xbf16>
    %dot_general3A_109 = arith.constant dense<0.000000e+00> : vector<512x256xf32>
    %dot_general3A_110 = tpu.matmul %convert_element_type3A_108, %convert_element_type3A_14, %dot_general3A_109 {dimension_numbers = #tpu.dot_dimension_numbers<[1], [0], [0], [1], [0, 0, 1, 1], [], []>, transpose_lhs_hint = false} : vector<512x256xbf16>, vector<256x256xbf16>, vector<512x256xf32> -> vector<512x256xf32>
    %get3A_111 = arith.constant 0 : index
    %get3A_112 = arith.constant 0 : index
    %get3A_113 = vector.load %arg8[%get3A_111, %get3A_112] : memref<1x256xf32, #tpu.memory_space<vmem>>, vector<1x256xf32>
    %add3A_114 = vector.broadcast %get3A_113 : vector<1x256xf32> to vector<512x256xf32>
    %add3A_115 = arith.addf %dot_general3A_110, %add3A_114 : vector<512x256xf32>
    %max3A_116 = arith.constant 0.000000e+00 : f32
    %max3A_117 = vector.broadcast %max3A_116 : f32 to vector<512x256xf32>
    %max3A_118 = arith.maximumf %add3A_115, %max3A_117 : vector<512x256xf32>
    %convert_element_type3A_119 = arith.truncf %max3A_118 : vector<512x256xf32> to vector<512x256xbf16>
    %dot_general3A_120 = arith.constant dense<0.000000e+00> : vector<512x128xf32>
    %dot_general3A_121 = tpu.matmul %convert_element_type3A_119, %convert_element_type3A_18, %dot_general3A_120 {dimension_numbers = #tpu.dot_dimension_numbers<[1], [0], [0], [1], [0, 0, 1, 1], [], []>, transpose_lhs_hint = false} : vector<512x256xbf16>, vector<256x128xbf16>, vector<512x128xf32> -> vector<512x128xf32>
    %slice3A_122 = vector.extract_strided_slice %dot_general3A_121 {offsets = [0, 0], sizes = [512, 1], strides = [1, 1]} : vector<512x128xf32> to vector<512x1xf32>
    %get3A_123 = arith.constant 0 : index
    %get3A_124 = arith.constant 0 : index
    %get3A_125 = vector.load %arg10[%get3A_123, %get3A_124] : memref<1x1xf32, #tpu.memory_space<vmem>>, vector<1x1xf32>
    %add3A_126 = vector.broadcast %get3A_125 : vector<1x1xf32> to vector<512x1xf32>
    %add3A_127 = arith.addf %slice3A_122, %add3A_126 : vector<512x1xf32>
    %mul3A_128 = arith.constant 2.500000e-01 : f32
    %mul3A_129 = vector.broadcast %mul3A_128 : f32 to vector<512x1xf32>
    %mul3A_130 = arith.mulf %add3A_127, %mul3A_129 : vector<512x1xf32>
    %mul3A_131 = vector.broadcast %mul3A_130 : vector<512x1xf32> to vector<512x128xf32>
    %mul3A_132 = arith.mulf %mul3A_131, %bitcast_convert_type3A_88 : vector<512x128xf32>
    %reshape3A_133 = vector.shape_cast %mul3A_132 : vector<512x128xf32> to vector<2x256x128xf32>
    %reduce_sum3A_134 = arith.constant dense<0.000000e+00> : vector<256x128xf32>
    %reduce_sum3A_135 = vector.multi_reduction <add>, %reshape3A_133, %reduce_sum3A_134 [0] : vector<2x256x128xf32> to vector<256x128xf32>
    %add3A_136 = arith.addf %reduce_sum3A_77, %reduce_sum3A_135 : vector<256x128xf32>
    %get3A_137 = arith.constant 0 : index
    %get3A_138 = arith.constant 4 : index
    %get3A_139 = arith.constant 0 : index
    %get3A_140 = arith.constant 0 : index
    %get3A_141 = vector.load %arg2[%get3A_137, %get3A_138, %get3A_139, %get3A_140] : memref<1x16x256x128xi32, #tpu.memory_space<vmem>>, vector<1x2x256x128xi32>
    %get3A_142 = vector.shape_cast %get3A_141 : vector<1x2x256x128xi32> to vector<2x256x128xi32>
    %reshape3A_143 = vector.shape_cast %get3A_142 : vector<2x256x128xi32> to vector<512x128xi32>
    %shift_left3A_144 = arith.constant 16 : i32
    %shift_left3A_145 = vector.broadcast %shift_left3A_144 : i32 to vector<512x128xi32>
    %shift_left3A_146 = arith.shli %reshape3A_143, %shift_left3A_145 : vector<512x128xi32>
    %bitcast_convert_type3A_147 = tpu.bitcast %shift_left3A_146 : vector<512x128xi32> -> vector<512x128xf32>
    %and3A_148 = arith.constant -65536 : i32
    %and3A_149 = vector.broadcast %and3A_148 : i32 to vector<512x128xi32>
    %and3A_150 = arith.andi %reshape3A_143, %and3A_149 : vector<512x128xi32>
    %bitcast_convert_type3A_151 = tpu.bitcast %and3A_150 : vector<512x128xi32> -> vector<512x128xf32>
    %convert_element_type3A_152 = arith.truncf %bitcast_convert_type3A_147 : vector<512x128xf32> to vector<512x128xbf16>
    %dot_general3A_153 = arith.constant dense<0.000000e+00> : vector<512x256xf32>
    %dot_general3A_154 = tpu.matmul %convert_element_type3A_152, %convert_element_type3A, %dot_general3A_153 {dimension_numbers = #tpu.dot_dimension_numbers<[1], [0], [0], [1], [0, 0, 1, 1], [], []>, transpose_lhs_hint = false} : vector<512x128xbf16>, vector<128x256xbf16>, vector<512x256xf32> -> vector<512x256xf32>
    %convert_element_type3A_155 = arith.truncf %bitcast_convert_type3A_151 : vector<512x128xf32> to vector<512x128xbf16>
    %dot_general3A_156 = arith.constant dense<0.000000e+00> : vector<512x256xf32>
    %dot_general3A_157 = tpu.matmul %convert_element_type3A_155, %convert_element_type3A_10, %dot_general3A_156 {dimension_numbers = #tpu.dot_dimension_numbers<[1], [0], [0], [1], [0, 0, 1, 1], [], []>, transpose_lhs_hint = false} : vector<512x128xbf16>, vector<128x256xbf16>, vector<512x256xf32> -> vector<512x256xf32>
    %add3A_158 = arith.addf %dot_general3A_154, %dot_general3A_157 : vector<512x256xf32>
    %broadcast_in_dim3A_159 = vector.shape_cast %add3A_28 : vector<256x256xf32> to vector<1x256x256xf32>
    %broadcast_in_dim3A_160 = vector.shape_cast %broadcast_in_dim3A_159 : vector<1x256x256xf32> to vector<1x256x256xf32>
    %broadcast_in_dim3A_161 = vector.broadcast %broadcast_in_dim3A_160 : vector<1x256x256xf32> to vector<2x256x256xf32>
    %reshape3A_162 = vector.shape_cast %broadcast_in_dim3A_161 : vector<2x256x256xf32> to vector<512x256xf32>
    %add3A_163 = arith.addf %add3A_158, %reshape3A_162 : vector<512x256xf32>
    %max3A_164 = arith.constant 0.000000e+00 : f32
    %max3A_165 = vector.broadcast %max3A_164 : f32 to vector<512x256xf32>
    %max3A_166 = arith.maximumf %add3A_163, %max3A_165 : vector<512x256xf32>
    %convert_element_type3A_167 = arith.truncf %max3A_166 : vector<512x256xf32> to vector<512x256xbf16>
    %dot_general3A_168 = arith.constant dense<0.000000e+00> : vector<512x256xf32>
    %dot_general3A_169 = tpu.matmul %convert_element_type3A_167, %convert_element_type3A_14, %dot_general3A_168 {dimension_numbers = #tpu.dot_dimension_numbers<[1], [0], [0], [1], [0, 0, 1, 1], [], []>, transpose_lhs_hint = false} : vector<512x256xbf16>, vector<256x256xbf16>, vector<512x256xf32> -> vector<512x256xf32>
    %get3A_170 = arith.constant 0 : index
    %get3A_171 = arith.constant 0 : index
    %get3A_172 = vector.load %arg8[%get3A_170, %get3A_171] : memref<1x256xf32, #tpu.memory_space<vmem>>, vector<1x256xf32>
    %add3A_173 = vector.broadcast %get3A_172 : vector<1x256xf32> to vector<512x256xf32>
    %add3A_174 = arith.addf %dot_general3A_169, %add3A_173 : vector<512x256xf32>
    %max3A_175 = arith.constant 0.000000e+00 : f32
    %max3A_176 = vector.broadcast %max3A_175 : f32 to vector<512x256xf32>
    %max3A_177 = arith.maximumf %add3A_174, %max3A_176 : vector<512x256xf32>
    %convert_element_type3A_178 = arith.truncf %max3A_177 : vector<512x256xf32> to vector<512x256xbf16>
    %dot_general3A_179 = arith.constant dense<0.000000e+00> : vector<512x128xf32>
    %dot_general3A_180 = tpu.matmul %convert_element_type3A_178, %convert_element_type3A_18, %dot_general3A_179 {dimension_numbers = #tpu.dot_dimension_numbers<[1], [0], [0], [1], [0, 0, 1, 1], [], []>, transpose_lhs_hint = false} : vector<512x256xbf16>, vector<256x128xbf16>, vector<512x128xf32> -> vector<512x128xf32>
    %slice3A_181 = vector.extract_strided_slice %dot_general3A_180 {offsets = [0, 0], sizes = [512, 1], strides = [1, 1]} : vector<512x128xf32> to vector<512x1xf32>
    %get3A_182 = arith.constant 0 : index
    %get3A_183 = arith.constant 0 : index
    %get3A_184 = vector.load %arg10[%get3A_182, %get3A_183] : memref<1x1xf32, #tpu.memory_space<vmem>>, vector<1x1xf32>
    %add3A_185 = vector.broadcast %get3A_184 : vector<1x1xf32> to vector<512x1xf32>
    %add3A_186 = arith.addf %slice3A_181, %add3A_185 : vector<512x1xf32>
    %mul3A_187 = arith.constant 2.500000e-01 : f32
    %mul3A_188 = vector.broadcast %mul3A_187 : f32 to vector<512x1xf32>
    %mul3A_189 = arith.mulf %add3A_186, %mul3A_188 : vector<512x1xf32>
    %mul3A_190 = vector.broadcast %mul3A_189 : vector<512x1xf32> to vector<512x128xf32>
    %mul3A_191 = arith.mulf %mul3A_190, %bitcast_convert_type3A_147 : vector<512x128xf32>
    %reshape3A_192 = vector.shape_cast %mul3A_191 : vector<512x128xf32> to vector<2x256x128xf32>
    %reduce_sum3A_193 = arith.constant dense<0.000000e+00> : vector<256x128xf32>
    %reduce_sum3A_194 = vector.multi_reduction <add>, %reshape3A_192, %reduce_sum3A_193 [0] : vector<2x256x128xf32> to vector<256x128xf32>
    %add3A_195 = arith.addf %add3A_136, %reduce_sum3A_194 : vector<256x128xf32>
    %get3A_196 = arith.constant 0 : index
    %get3A_197 = arith.constant 6 : index
    %get3A_198 = arith.constant 0 : index
    %get3A_199 = arith.constant 0 : index
    %get3A_200 = vector.load %arg2[%get3A_196, %get3A_197, %get3A_198, %get3A_199] : memref<1x16x256x128xi32, #tpu.memory_space<vmem>>, vector<1x2x256x128xi32>
    %get3A_201 = vector.shape_cast %get3A_200 : vector<1x2x256x128xi32> to vector<2x256x128xi32>
    %reshape3A_202 = vector.shape_cast %get3A_201 : vector<2x256x128xi32> to vector<512x128xi32>
    %shift_left3A_203 = arith.constant 16 : i32
    %shift_left3A_204 = vector.broadcast %shift_left3A_203 : i32 to vector<512x128xi32>
    %shift_left3A_205 = arith.shli %reshape3A_202, %shift_left3A_204 : vector<512x128xi32>
    %bitcast_convert_type3A_206 = tpu.bitcast %shift_left3A_205 : vector<512x128xi32> -> vector<512x128xf32>
    %and3A_207 = arith.constant -65536 : i32
    %and3A_208 = vector.broadcast %and3A_207 : i32 to vector<512x128xi32>
    %and3A_209 = arith.andi %reshape3A_202, %and3A_208 : vector<512x128xi32>
    %bitcast_convert_type3A_210 = tpu.bitcast %and3A_209 : vector<512x128xi32> -> vector<512x128xf32>
    %convert_element_type3A_211 = arith.truncf %bitcast_convert_type3A_206 : vector<512x128xf32> to vector<512x128xbf16>
    %dot_general3A_212 = arith.constant dense<0.000000e+00> : vector<512x256xf32>
    %dot_general3A_213 = tpu.matmul %convert_element_type3A_211, %convert_element_type3A, %dot_general3A_212 {dimension_numbers = #tpu.dot_dimension_numbers<[1], [0], [0], [1], [0, 0, 1, 1], [], []>, transpose_lhs_hint = false} : vector<512x128xbf16>, vector<128x256xbf16>, vector<512x256xf32> -> vector<512x256xf32>
    %convert_element_type3A_214 = arith.truncf %bitcast_convert_type3A_210 : vector<512x128xf32> to vector<512x128xbf16>
    %dot_general3A_215 = arith.constant dense<0.000000e+00> : vector<512x256xf32>
    %dot_general3A_216 = tpu.matmul %convert_element_type3A_214, %convert_element_type3A_10, %dot_general3A_215 {dimension_numbers = #tpu.dot_dimension_numbers<[1], [0], [0], [1], [0, 0, 1, 1], [], []>, transpose_lhs_hint = false} : vector<512x128xbf16>, vector<128x256xbf16>, vector<512x256xf32> -> vector<512x256xf32>
    %add3A_217 = arith.addf %dot_general3A_213, %dot_general3A_216 : vector<512x256xf32>
    %broadcast_in_dim3A_218 = vector.shape_cast %add3A_28 : vector<256x256xf32> to vector<1x256x256xf32>
    %broadcast_in_dim3A_219 = vector.shape_cast %broadcast_in_dim3A_218 : vector<1x256x256xf32> to vector<1x256x256xf32>
    %broadcast_in_dim3A_220 = vector.broadcast %broadcast_in_dim3A_219 : vector<1x256x256xf32> to vector<2x256x256xf32>
    %reshape3A_221 = vector.shape_cast %broadcast_in_dim3A_220 : vector<2x256x256xf32> to vector<512x256xf32>
    %add3A_222 = arith.addf %add3A_217, %reshape3A_221 : vector<512x256xf32>
    %max3A_223 = arith.constant 0.000000e+00 : f32
    %max3A_224 = vector.broadcast %max3A_223 : f32 to vector<512x256xf32>
    %max3A_225 = arith.maximumf %add3A_222, %max3A_224 : vector<512x256xf32>
    %convert_element_type3A_226 = arith.truncf %max3A_225 : vector<512x256xf32> to vector<512x256xbf16>
    %dot_general3A_227 = arith.constant dense<0.000000e+00> : vector<512x256xf32>
    %dot_general3A_228 = tpu.matmul %convert_element_type3A_226, %convert_element_type3A_14, %dot_general3A_227 {dimension_numbers = #tpu.dot_dimension_numbers<[1], [0], [0], [1], [0, 0, 1, 1], [], []>, transpose_lhs_hint = false} : vector<512x256xbf16>, vector<256x256xbf16>, vector<512x256xf32> -> vector<512x256xf32>
    %get3A_229 = arith.constant 0 : index
    %get3A_230 = arith.constant 0 : index
    %get3A_231 = vector.load %arg8[%get3A_229, %get3A_230] : memref<1x256xf32, #tpu.memory_space<vmem>>, vector<1x256xf32>
    %add3A_232 = vector.broadcast %get3A_231 : vector<1x256xf32> to vector<512x256xf32>
    %add3A_233 = arith.addf %dot_general3A_228, %add3A_232 : vector<512x256xf32>
    %max3A_234 = arith.constant 0.000000e+00 : f32
    %max3A_235 = vector.broadcast %max3A_234 : f32 to vector<512x256xf32>
    %max3A_236 = arith.maximumf %add3A_233, %max3A_235 : vector<512x256xf32>
    %convert_element_type3A_237 = arith.truncf %max3A_236 : vector<512x256xf32> to vector<512x256xbf16>
    %dot_general3A_238 = arith.constant dense<0.000000e+00> : vector<512x128xf32>
    %dot_general3A_239 = tpu.matmul %convert_element_type3A_237, %convert_element_type3A_18, %dot_general3A_238 {dimension_numbers = #tpu.dot_dimension_numbers<[1], [0], [0], [1], [0, 0, 1, 1], [], []>, transpose_lhs_hint = false} : vector<512x256xbf16>, vector<256x128xbf16>, vector<512x128xf32> -> vector<512x128xf32>
    %slice3A_240 = vector.extract_strided_slice %dot_general3A_239 {offsets = [0, 0], sizes = [512, 1], strides = [1, 1]} : vector<512x128xf32> to vector<512x1xf32>
    %get3A_241 = arith.constant 0 : index
    %get3A_242 = arith.constant 0 : index
    %get3A_243 = vector.load %arg10[%get3A_241, %get3A_242] : memref<1x1xf32, #tpu.memory_space<vmem>>, vector<1x1xf32>
    %add3A_244 = vector.broadcast %get3A_243 : vector<1x1xf32> to vector<512x1xf32>
    %add3A_245 = arith.addf %slice3A_240, %add3A_244 : vector<512x1xf32>
    %mul3A_246 = arith.constant 2.500000e-01 : f32
    %mul3A_247 = vector.broadcast %mul3A_246 : f32 to vector<512x1xf32>
    %mul3A_248 = arith.mulf %add3A_245, %mul3A_247 : vector<512x1xf32>
    %mul3A_249 = vector.broadcast %mul3A_248 : vector<512x1xf32> to vector<512x128xf32>
    %mul3A_250 = arith.mulf %mul3A_249, %bitcast_convert_type3A_206 : vector<512x128xf32>
    %reshape3A_251 = vector.shape_cast %mul3A_250 : vector<512x128xf32> to vector<2x256x128xf32>
    %reduce_sum3A_252 = arith.constant dense<0.000000e+00> : vector<256x128xf32>
    %reduce_sum3A_253 = vector.multi_reduction <add>, %reshape3A_251, %reduce_sum3A_252 [0] : vector<2x256x128xf32> to vector<256x128xf32>
    %add3A_254 = arith.addf %add3A_195, %reduce_sum3A_253 : vector<256x128xf32>
    %get3A_255 = arith.constant 0 : index
    %get3A_256 = arith.constant 8 : index
    %get3A_257 = arith.constant 0 : index
    %get3A_258 = arith.constant 0 : index
    %get3A_259 = vector.load %arg2[%get3A_255, %get3A_256, %get3A_257, %get3A_258] : memref<1x16x256x128xi32, #tpu.memory_space<vmem>>, vector<1x2x256x128xi32>
    %get3A_260 = vector.shape_cast %get3A_259 : vector<1x2x256x128xi32> to vector<2x256x128xi32>
    %reshape3A_261 = vector.shape_cast %get3A_260 : vector<2x256x128xi32> to vector<512x128xi32>
    %shift_left3A_262 = arith.constant 16 : i32
    %shift_left3A_263 = vector.broadcast %shift_left3A_262 : i32 to vector<512x128xi32>
    %shift_left3A_264 = arith.shli %reshape3A_261, %shift_left3A_263 : vector<512x128xi32>
    %bitcast_convert_type3A_265 = tpu.bitcast %shift_left3A_264 : vector<512x128xi32> -> vector<512x128xf32>
    %and3A_266 = arith.constant -65536 : i32
    %and3A_267 = vector.broadcast %and3A_266 : i32 to vector<512x128xi32>
    %and3A_268 = arith.andi %reshape3A_261, %and3A_267 : vector<512x128xi32>
    %bitcast_convert_type3A_269 = tpu.bitcast %and3A_268 : vector<512x128xi32> -> vector<512x128xf32>
    %convert_element_type3A_270 = arith.truncf %bitcast_convert_type3A_265 : vector<512x128xf32> to vector<512x128xbf16>
    %dot_general3A_271 = arith.constant dense<0.000000e+00> : vector<512x256xf32>
    %dot_general3A_272 = tpu.matmul %convert_element_type3A_270, %convert_element_type3A, %dot_general3A_271 {dimension_numbers = #tpu.dot_dimension_numbers<[1], [0], [0], [1], [0, 0, 1, 1], [], []>, transpose_lhs_hint = false} : vector<512x128xbf16>, vector<128x256xbf16>, vector<512x256xf32> -> vector<512x256xf32>
    %convert_element_type3A_273 = arith.truncf %bitcast_convert_type3A_269 : vector<512x128xf32> to vector<512x128xbf16>
    %dot_general3A_274 = arith.constant dense<0.000000e+00> : vector<512x256xf32>
    %dot_general3A_275 = tpu.matmul %convert_element_type3A_273, %convert_element_type3A_10, %dot_general3A_274 {dimension_numbers = #tpu.dot_dimension_numbers<[1], [0], [0], [1], [0, 0, 1, 1], [], []>, transpose_lhs_hint = false} : vector<512x128xbf16>, vector<128x256xbf16>, vector<512x256xf32> -> vector<512x256xf32>
    %add3A_276 = arith.addf %dot_general3A_272, %dot_general3A_275 : vector<512x256xf32>
    %broadcast_in_dim3A_277 = vector.shape_cast %add3A_28 : vector<256x256xf32> to vector<1x256x256xf32>
    %broadcast_in_dim3A_278 = vector.shape_cast %broadcast_in_dim3A_277 : vector<1x256x256xf32> to vector<1x256x256xf32>
    %broadcast_in_dim3A_279 = vector.broadcast %broadcast_in_dim3A_278 : vector<1x256x256xf32> to vector<2x256x256xf32>
    %reshape3A_280 = vector.shape_cast %broadcast_in_dim3A_279 : vector<2x256x256xf32> to vector<512x256xf32>
    %add3A_281 = arith.addf %add3A_276, %reshape3A_280 : vector<512x256xf32>
    %max3A_282 = arith.constant 0.000000e+00 : f32
    %max3A_283 = vector.broadcast %max3A_282 : f32 to vector<512x256xf32>
    %max3A_284 = arith.maximumf %add3A_281, %max3A_283 : vector<512x256xf32>
    %convert_element_type3A_285 = arith.truncf %max3A_284 : vector<512x256xf32> to vector<512x256xbf16>
    %dot_general3A_286 = arith.constant dense<0.000000e+00> : vector<512x256xf32>
    %dot_general3A_287 = tpu.matmul %convert_element_type3A_285, %convert_element_type3A_14, %dot_general3A_286 {dimension_numbers = #tpu.dot_dimension_numbers<[1], [0], [0], [1], [0, 0, 1, 1], [], []>, transpose_lhs_hint = false} : vector<512x256xbf16>, vector<256x256xbf16>, vector<512x256xf32> -> vector<512x256xf32>
    %get3A_288 = arith.constant 0 : index
    %get3A_289 = arith.constant 0 : index
    %get3A_290 = vector.load %arg8[%get3A_288, %get3A_289] : memref<1x256xf32, #tpu.memory_space<vmem>>, vector<1x256xf32>
    %add3A_291 = vector.broadcast %get3A_290 : vector<1x256xf32> to vector<512x256xf32>
    %add3A_292 = arith.addf %dot_general3A_287, %add3A_291 : vector<512x256xf32>
    %max3A_293 = arith.constant 0.000000e+00 : f32
    %max3A_294 = vector.broadcast %max3A_293 : f32 to vector<512x256xf32>
    %max3A_295 = arith.maximumf %add3A_292, %max3A_294 : vector<512x256xf32>
    %convert_element_type3A_296 = arith.truncf %max3A_295 : vector<512x256xf32> to vector<512x256xbf16>
    %dot_general3A_297 = arith.constant dense<0.000000e+00> : vector<512x128xf32>
    %dot_general3A_298 = tpu.matmul %convert_element_type3A_296, %convert_element_type3A_18, %dot_general3A_297 {dimension_numbers = #tpu.dot_dimension_numbers<[1], [0], [0], [1], [0, 0, 1, 1], [], []>, transpose_lhs_hint = false} : vector<512x256xbf16>, vector<256x128xbf16>, vector<512x128xf32> -> vector<512x128xf32>
    %slice3A_299 = vector.extract_strided_slice %dot_general3A_298 {offsets = [0, 0], sizes = [512, 1], strides = [1, 1]} : vector<512x128xf32> to vector<512x1xf32>
    %get3A_300 = arith.constant 0 : index
    %get3A_301 = arith.constant 0 : index
    %get3A_302 = vector.load %arg10[%get3A_300, %get3A_301] : memref<1x1xf32, #tpu.memory_space<vmem>>, vector<1x1xf32>
    %add3A_303 = vector.broadcast %get3A_302 : vector<1x1xf32> to vector<512x1xf32>
    %add3A_304 = arith.addf %slice3A_299, %add3A_303 : vector<512x1xf32>
    %mul3A_305 = arith.constant 2.500000e-01 : f32
    %mul3A_306 = vector.broadcast %mul3A_305 : f32 to vector<512x1xf32>
    %mul3A_307 = arith.mulf %add3A_304, %mul3A_306 : vector<512x1xf32>
    %mul3A_308 = vector.broadcast %mul3A_307 : vector<512x1xf32> to vector<512x128xf32>
    %mul3A_309 = arith.mulf %mul3A_308, %bitcast_convert_type3A_265 : vector<512x128xf32>
    %reshape3A_310 = vector.shape_cast %mul3A_309 : vector<512x128xf32> to vector<2x256x128xf32>
    %reduce_sum3A_311 = arith.constant dense<0.000000e+00> : vector<256x128xf32>
    %reduce_sum3A_312 = vector.multi_reduction <add>, %reshape3A_310, %reduce_sum3A_311 [0] : vector<2x256x128xf32> to vector<256x128xf32>
    %add3A_313 = arith.addf %add3A_254, %reduce_sum3A_312 : vector<256x128xf32>
    %get3A_314 = arith.constant 0 : index
    %get3A_315 = arith.constant 10 : index
    %get3A_316 = arith.constant 0 : index
    %get3A_317 = arith.constant 0 : index
    %get3A_318 = vector.load %arg2[%get3A_314, %get3A_315, %get3A_316, %get3A_317] : memref<1x16x256x128xi32, #tpu.memory_space<vmem>>, vector<1x2x256x128xi32>
    %get3A_319 = vector.shape_cast %get3A_318 : vector<1x2x256x128xi32> to vector<2x256x128xi32>
    %reshape3A_320 = vector.shape_cast %get3A_319 : vector<2x256x128xi32> to vector<512x128xi32>
    %shift_left3A_321 = arith.constant 16 : i32
    %shift_left3A_322 = vector.broadcast %shift_left3A_321 : i32 to vector<512x128xi32>
    %shift_left3A_323 = arith.shli %reshape3A_320, %shift_left3A_322 : vector<512x128xi32>
    %bitcast_convert_type3A_324 = tpu.bitcast %shift_left3A_323 : vector<512x128xi32> -> vector<512x128xf32>
    %and3A_325 = arith.constant -65536 : i32
    %and3A_326 = vector.broadcast %and3A_325 : i32 to vector<512x128xi32>
    %and3A_327 = arith.andi %reshape3A_320, %and3A_326 : vector<512x128xi32>
    %bitcast_convert_type3A_328 = tpu.bitcast %and3A_327 : vector<512x128xi32> -> vector<512x128xf32>
    %convert_element_type3A_329 = arith.truncf %bitcast_convert_type3A_324 : vector<512x128xf32> to vector<512x128xbf16>
    %dot_general3A_330 = arith.constant dense<0.000000e+00> : vector<512x256xf32>
    %dot_general3A_331 = tpu.matmul %convert_element_type3A_329, %convert_element_type3A, %dot_general3A_330 {dimension_numbers = #tpu.dot_dimension_numbers<[1], [0], [0], [1], [0, 0, 1, 1], [], []>, transpose_lhs_hint = false} : vector<512x128xbf16>, vector<128x256xbf16>, vector<512x256xf32> -> vector<512x256xf32>
    %convert_element_type3A_332 = arith.truncf %bitcast_convert_type3A_328 : vector<512x128xf32> to vector<512x128xbf16>
    %dot_general3A_333 = arith.constant dense<0.000000e+00> : vector<512x256xf32>
    %dot_general3A_334 = tpu.matmul %convert_element_type3A_332, %convert_element_type3A_10, %dot_general3A_333 {dimension_numbers = #tpu.dot_dimension_numbers<[1], [0], [0], [1], [0, 0, 1, 1], [], []>, transpose_lhs_hint = false} : vector<512x128xbf16>, vector<128x256xbf16>, vector<512x256xf32> -> vector<512x256xf32>
    %add3A_335 = arith.addf %dot_general3A_331, %dot_general3A_334 : vector<512x256xf32>
    %broadcast_in_dim3A_336 = vector.shape_cast %add3A_28 : vector<256x256xf32> to vector<1x256x256xf32>
    %broadcast_in_dim3A_337 = vector.shape_cast %broadcast_in_dim3A_336 : vector<1x256x256xf32> to vector<1x256x256xf32>
    %broadcast_in_dim3A_338 = vector.broadcast %broadcast_in_dim3A_337 : vector<1x256x256xf32> to vector<2x256x256xf32>
    %reshape3A_339 = vector.shape_cast %broadcast_in_dim3A_338 : vector<2x256x256xf32> to vector<512x256xf32>
    %add3A_340 = arith.addf %add3A_335, %reshape3A_339 : vector<512x256xf32>
    %max3A_341 = arith.constant 0.000000e+00 : f32
    %max3A_342 = vector.broadcast %max3A_341 : f32 to vector<512x256xf32>
    %max3A_343 = arith.maximumf %add3A_340, %max3A_342 : vector<512x256xf32>
    %convert_element_type3A_344 = arith.truncf %max3A_343 : vector<512x256xf32> to vector<512x256xbf16>
    %dot_general3A_345 = arith.constant dense<0.000000e+00> : vector<512x256xf32>
    %dot_general3A_346 = tpu.matmul %convert_element_type3A_344, %convert_element_type3A_14, %dot_general3A_345 {dimension_numbers = #tpu.dot_dimension_numbers<[1], [0], [0], [1], [0, 0, 1, 1], [], []>, transpose_lhs_hint = false} : vector<512x256xbf16>, vector<256x256xbf16>, vector<512x256xf32> -> vector<512x256xf32>
    %get3A_347 = arith.constant 0 : index
    %get3A_348 = arith.constant 0 : index
    %get3A_349 = vector.load %arg8[%get3A_347, %get3A_348] : memref<1x256xf32, #tpu.memory_space<vmem>>, vector<1x256xf32>
    %add3A_350 = vector.broadcast %get3A_349 : vector<1x256xf32> to vector<512x256xf32>
    %add3A_351 = arith.addf %dot_general3A_346, %add3A_350 : vector<512x256xf32>
    %max3A_352 = arith.constant 0.000000e+00 : f32
    %max3A_353 = vector.broadcast %max3A_352 : f32 to vector<512x256xf32>
    %max3A_354 = arith.maximumf %add3A_351, %max3A_353 : vector<512x256xf32>
    %convert_element_type3A_355 = arith.truncf %max3A_354 : vector<512x256xf32> to vector<512x256xbf16>
    %dot_general3A_356 = arith.constant dense<0.000000e+00> : vector<512x128xf32>
    %dot_general3A_357 = tpu.matmul %convert_element_type3A_355, %convert_element_type3A_18, %dot_general3A_356 {dimension_numbers = #tpu.dot_dimension_numbers<[1], [0], [0], [1], [0, 0, 1, 1], [], []>, transpose_lhs_hint = false} : vector<512x256xbf16>, vector<256x128xbf16>, vector<512x128xf32> -> vector<512x128xf32>
    %slice3A_358 = vector.extract_strided_slice %dot_general3A_357 {offsets = [0, 0], sizes = [512, 1], strides = [1, 1]} : vector<512x128xf32> to vector<512x1xf32>
    %get3A_359 = arith.constant 0 : index
    %get3A_360 = arith.constant 0 : index
    %get3A_361 = vector.load %arg10[%get3A_359, %get3A_360] : memref<1x1xf32, #tpu.memory_space<vmem>>, vector<1x1xf32>
    %add3A_362 = vector.broadcast %get3A_361 : vector<1x1xf32> to vector<512x1xf32>
    %add3A_363 = arith.addf %slice3A_358, %add3A_362 : vector<512x1xf32>
    %mul3A_364 = arith.constant 2.500000e-01 : f32
    %mul3A_365 = vector.broadcast %mul3A_364 : f32 to vector<512x1xf32>
    %mul3A_366 = arith.mulf %add3A_363, %mul3A_365 : vector<512x1xf32>
    %mul3A_367 = vector.broadcast %mul3A_366 : vector<512x1xf32> to vector<512x128xf32>
    %mul3A_368 = arith.mulf %mul3A_367, %bitcast_convert_type3A_324 : vector<512x128xf32>
    %reshape3A_369 = vector.shape_cast %mul3A_368 : vector<512x128xf32> to vector<2x256x128xf32>
    %reduce_sum3A_370 = arith.constant dense<0.000000e+00> : vector<256x128xf32>
    %reduce_sum3A_371 = vector.multi_reduction <add>, %reshape3A_369, %reduce_sum3A_370 [0] : vector<2x256x128xf32> to vector<256x128xf32>
    %add3A_372 = arith.addf %add3A_313, %reduce_sum3A_371 : vector<256x128xf32>
    %get3A_373 = arith.constant 0 : index
    %get3A_374 = arith.constant 12 : index
    %get3A_375 = arith.constant 0 : index
    %get3A_376 = arith.constant 0 : index
    %get3A_377 = vector.load %arg2[%get3A_373, %get3A_374, %get3A_375, %get3A_376] : memref<1x16x256x128xi32, #tpu.memory_space<vmem>>, vector<1x2x256x128xi32>
    %get3A_378 = vector.shape_cast %get3A_377 : vector<1x2x256x128xi32> to vector<2x256x128xi32>
    %reshape3A_379 = vector.shape_cast %get3A_378 : vector<2x256x128xi32> to vector<512x128xi32>
    %shift_left3A_380 = arith.constant 16 : i32
    %shift_left3A_381 = vector.broadcast %shift_left3A_380 : i32 to vector<512x128xi32>
    %shift_left3A_382 = arith.shli %reshape3A_379, %shift_left3A_381 : vector<512x128xi32>
    %bitcast_convert_type3A_383 = tpu.bitcast %shift_left3A_382 : vector<512x128xi32> -> vector<512x128xf32>
    %and3A_384 = arith.constant -65536 : i32
    %and3A_385 = vector.broadcast %and3A_384 : i32 to vector<512x128xi32>
    %and3A_386 = arith.andi %reshape3A_379, %and3A_385 : vector<512x128xi32>
    %bitcast_convert_type3A_387 = tpu.bitcast %and3A_386 : vector<512x128xi32> -> vector<512x128xf32>
    %convert_element_type3A_388 = arith.truncf %bitcast_convert_type3A_383 : vector<512x128xf32> to vector<512x128xbf16>
    %dot_general3A_389 = arith.constant dense<0.000000e+00> : vector<512x256xf32>
    %dot_general3A_390 = tpu.matmul %convert_element_type3A_388, %convert_element_type3A, %dot_general3A_389 {dimension_numbers = #tpu.dot_dimension_numbers<[1], [0], [0], [1], [0, 0, 1, 1], [], []>, transpose_lhs_hint = false} : vector<512x128xbf16>, vector<128x256xbf16>, vector<512x256xf32> -> vector<512x256xf32>
    %convert_element_type3A_391 = arith.truncf %bitcast_convert_type3A_387 : vector<512x128xf32> to vector<512x128xbf16>
    %dot_general3A_392 = arith.constant dense<0.000000e+00> : vector<512x256xf32>
    %dot_general3A_393 = tpu.matmul %convert_element_type3A_391, %convert_element_type3A_10, %dot_general3A_392 {dimension_numbers = #tpu.dot_dimension_numbers<[1], [0], [0], [1], [0, 0, 1, 1], [], []>, transpose_lhs_hint = false} : vector<512x128xbf16>, vector<128x256xbf16>, vector<512x256xf32> -> vector<512x256xf32>
    %add3A_394 = arith.addf %dot_general3A_390, %dot_general3A_393 : vector<512x256xf32>
    %broadcast_in_dim3A_395 = vector.shape_cast %add3A_28 : vector<256x256xf32> to vector<1x256x256xf32>
    %broadcast_in_dim3A_396 = vector.shape_cast %broadcast_in_dim3A_395 : vector<1x256x256xf32> to vector<1x256x256xf32>
    %broadcast_in_dim3A_397 = vector.broadcast %broadcast_in_dim3A_396 : vector<1x256x256xf32> to vector<2x256x256xf32>
    %reshape3A_398 = vector.shape_cast %broadcast_in_dim3A_397 : vector<2x256x256xf32> to vector<512x256xf32>
    %add3A_399 = arith.addf %add3A_394, %reshape3A_398 : vector<512x256xf32>
    %max3A_400 = arith.constant 0.000000e+00 : f32
    %max3A_401 = vector.broadcast %max3A_400 : f32 to vector<512x256xf32>
    %max3A_402 = arith.maximumf %add3A_399, %max3A_401 : vector<512x256xf32>
    %convert_element_type3A_403 = arith.truncf %max3A_402 : vector<512x256xf32> to vector<512x256xbf16>
    %dot_general3A_404 = arith.constant dense<0.000000e+00> : vector<512x256xf32>
    %dot_general3A_405 = tpu.matmul %convert_element_type3A_403, %convert_element_type3A_14, %dot_general3A_404 {dimension_numbers = #tpu.dot_dimension_numbers<[1], [0], [0], [1], [0, 0, 1, 1], [], []>, transpose_lhs_hint = false} : vector<512x256xbf16>, vector<256x256xbf16>, vector<512x256xf32> -> vector<512x256xf32>
    %get3A_406 = arith.constant 0 : index
    %get3A_407 = arith.constant 0 : index
    %get3A_408 = vector.load %arg8[%get3A_406, %get3A_407] : memref<1x256xf32, #tpu.memory_space<vmem>>, vector<1x256xf32>
    %add3A_409 = vector.broadcast %get3A_408 : vector<1x256xf32> to vector<512x256xf32>
    %add3A_410 = arith.addf %dot_general3A_405, %add3A_409 : vector<512x256xf32>
    %max3A_411 = arith.constant 0.000000e+00 : f32
    %max3A_412 = vector.broadcast %max3A_411 : f32 to vector<512x256xf32>
    %max3A_413 = arith.maximumf %add3A_410, %max3A_412 : vector<512x256xf32>
    %convert_element_type3A_414 = arith.truncf %max3A_413 : vector<512x256xf32> to vector<512x256xbf16>
    %dot_general3A_415 = arith.constant dense<0.000000e+00> : vector<512x128xf32>
    %dot_general3A_416 = tpu.matmul %convert_element_type3A_414, %convert_element_type3A_18, %dot_general3A_415 {dimension_numbers = #tpu.dot_dimension_numbers<[1], [0], [0], [1], [0, 0, 1, 1], [], []>, transpose_lhs_hint = false} : vector<512x256xbf16>, vector<256x128xbf16>, vector<512x128xf32> -> vector<512x128xf32>
    %slice3A_417 = vector.extract_strided_slice %dot_general3A_416 {offsets = [0, 0], sizes = [512, 1], strides = [1, 1]} : vector<512x128xf32> to vector<512x1xf32>
    %get3A_418 = arith.constant 0 : index
    %get3A_419 = arith.constant 0 : index
    %get3A_420 = vector.load %arg10[%get3A_418, %get3A_419] : memref<1x1xf32, #tpu.memory_space<vmem>>, vector<1x1xf32>
    %add3A_421 = vector.broadcast %get3A_420 : vector<1x1xf32> to vector<512x1xf32>
    %add3A_422 = arith.addf %slice3A_417, %add3A_421 : vector<512x1xf32>
    %mul3A_423 = arith.constant 2.500000e-01 : f32
    %mul3A_424 = vector.broadcast %mul3A_423 : f32 to vector<512x1xf32>
    %mul3A_425 = arith.mulf %add3A_422, %mul3A_424 : vector<512x1xf32>
    %mul3A_426 = vector.broadcast %mul3A_425 : vector<512x1xf32> to vector<512x128xf32>
    %mul3A_427 = arith.mulf %mul3A_426, %bitcast_convert_type3A_383 : vector<512x128xf32>
    %reshape3A_428 = vector.shape_cast %mul3A_427 : vector<512x128xf32> to vector<2x256x128xf32>
    %reduce_sum3A_429 = arith.constant dense<0.000000e+00> : vector<256x128xf32>
    %reduce_sum3A_430 = vector.multi_reduction <add>, %reshape3A_428, %reduce_sum3A_429 [0] : vector<2x256x128xf32> to vector<256x128xf32>
    %add3A_431 = arith.addf %add3A_372, %reduce_sum3A_430 : vector<256x128xf32>
    %get3A_432 = arith.constant 0 : index
    %get3A_433 = arith.constant 14 : index
    %get3A_434 = arith.constant 0 : index
    %get3A_435 = arith.constant 0 : index
    %get3A_436 = vector.load %arg2[%get3A_432, %get3A_433, %get3A_434, %get3A_435] : memref<1x16x256x128xi32, #tpu.memory_space<vmem>>, vector<1x2x256x128xi32>
    %get3A_437 = vector.shape_cast %get3A_436 : vector<1x2x256x128xi32> to vector<2x256x128xi32>
    %reshape3A_438 = vector.shape_cast %get3A_437 : vector<2x256x128xi32> to vector<512x128xi32>
    %shift_left3A_439 = arith.constant 16 : i32
    %shift_left3A_440 = vector.broadcast %shift_left3A_439 : i32 to vector<512x128xi32>
    %shift_left3A_441 = arith.shli %reshape3A_438, %shift_left3A_440 : vector<512x128xi32>
    %bitcast_convert_type3A_442 = tpu.bitcast %shift_left3A_441 : vector<512x128xi32> -> vector<512x128xf32>
    %and3A_443 = arith.constant -65536 : i32
    %and3A_444 = vector.broadcast %and3A_443 : i32 to vector<512x128xi32>
    %and3A_445 = arith.andi %reshape3A_438, %and3A_444 : vector<512x128xi32>
    %bitcast_convert_type3A_446 = tpu.bitcast %and3A_445 : vector<512x128xi32> -> vector<512x128xf32>
    %convert_element_type3A_447 = arith.truncf %bitcast_convert_type3A_442 : vector<512x128xf32> to vector<512x128xbf16>
    %dot_general3A_448 = arith.constant dense<0.000000e+00> : vector<512x256xf32>
    %dot_general3A_449 = tpu.matmul %convert_element_type3A_447, %convert_element_type3A, %dot_general3A_448 {dimension_numbers = #tpu.dot_dimension_numbers<[1], [0], [0], [1], [0, 0, 1, 1], [], []>, transpose_lhs_hint = false} : vector<512x128xbf16>, vector<128x256xbf16>, vector<512x256xf32> -> vector<512x256xf32>
    %convert_element_type3A_450 = arith.truncf %bitcast_convert_type3A_446 : vector<512x128xf32> to vector<512x128xbf16>
    %dot_general3A_451 = arith.constant dense<0.000000e+00> : vector<512x256xf32>
    %dot_general3A_452 = tpu.matmul %convert_element_type3A_450, %convert_element_type3A_10, %dot_general3A_451 {dimension_numbers = #tpu.dot_dimension_numbers<[1], [0], [0], [1], [0, 0, 1, 1], [], []>, transpose_lhs_hint = false} : vector<512x128xbf16>, vector<128x256xbf16>, vector<512x256xf32> -> vector<512x256xf32>
    %add3A_453 = arith.addf %dot_general3A_449, %dot_general3A_452 : vector<512x256xf32>
    %broadcast_in_dim3A_454 = vector.shape_cast %add3A_28 : vector<256x256xf32> to vector<1x256x256xf32>
    %broadcast_in_dim3A_455 = vector.shape_cast %broadcast_in_dim3A_454 : vector<1x256x256xf32> to vector<1x256x256xf32>
    %broadcast_in_dim3A_456 = vector.broadcast %broadcast_in_dim3A_455 : vector<1x256x256xf32> to vector<2x256x256xf32>
    %reshape3A_457 = vector.shape_cast %broadcast_in_dim3A_456 : vector<2x256x256xf32> to vector<512x256xf32>
    %add3A_458 = arith.addf %add3A_453, %reshape3A_457 : vector<512x256xf32>
    %max3A_459 = arith.constant 0.000000e+00 : f32
    %max3A_460 = vector.broadcast %max3A_459 : f32 to vector<512x256xf32>
    %max3A_461 = arith.maximumf %add3A_458, %max3A_460 : vector<512x256xf32>
    %convert_element_type3A_462 = arith.truncf %max3A_461 : vector<512x256xf32> to vector<512x256xbf16>
    %dot_general3A_463 = arith.constant dense<0.000000e+00> : vector<512x256xf32>
    %dot_general3A_464 = tpu.matmul %convert_element_type3A_462, %convert_element_type3A_14, %dot_general3A_463 {dimension_numbers = #tpu.dot_dimension_numbers<[1], [0], [0], [1], [0, 0, 1, 1], [], []>, transpose_lhs_hint = false} : vector<512x256xbf16>, vector<256x256xbf16>, vector<512x256xf32> -> vector<512x256xf32>
    %get3A_465 = arith.constant 0 : index
    %get3A_466 = arith.constant 0 : index
    %get3A_467 = vector.load %arg8[%get3A_465, %get3A_466] : memref<1x256xf32, #tpu.memory_space<vmem>>, vector<1x256xf32>
    %add3A_468 = vector.broadcast %get3A_467 : vector<1x256xf32> to vector<512x256xf32>
    %add3A_469 = arith.addf %dot_general3A_464, %add3A_468 : vector<512x256xf32>
    %max3A_470 = arith.constant 0.000000e+00 : f32
    %max3A_471 = vector.broadcast %max3A_470 : f32 to vector<512x256xf32>
    %max3A_472 = arith.maximumf %add3A_469, %max3A_471 : vector<512x256xf32>
    %convert_element_type3A_473 = arith.truncf %max3A_472 : vector<512x256xf32> to vector<512x256xbf16>
    %dot_general3A_474 = arith.constant dense<0.000000e+00> : vector<512x128xf32>
    %dot_general3A_475 = tpu.matmul %convert_element_type3A_473, %convert_element_type3A_18, %dot_general3A_474 {dimension_numbers = #tpu.dot_dimension_numbers<[1], [0], [0], [1], [0, 0, 1, 1], [], []>, transpose_lhs_hint = false} : vector<512x256xbf16>, vector<256x128xbf16>, vector<512x128xf32> -> vector<512x128xf32>
    %slice3A_476 = vector.extract_strided_slice %dot_general3A_475 {offsets = [0, 0], sizes = [512, 1], strides = [1, 1]} : vector<512x128xf32> to vector<512x1xf32>
    %get3A_477 = arith.constant 0 : index
    %get3A_478 = arith.constant 0 : index
    %get3A_479 = vector.load %arg10[%get3A_477, %get3A_478] : memref<1x1xf32, #tpu.memory_space<vmem>>, vector<1x1xf32>
    %add3A_480 = vector.broadcast %get3A_479 : vector<1x1xf32> to vector<512x1xf32>
    %add3A_481 = arith.addf %slice3A_476, %add3A_480 : vector<512x1xf32>
    %mul3A_482 = arith.constant 2.500000e-01 : f32
    %mul3A_483 = vector.broadcast %mul3A_482 : f32 to vector<512x1xf32>
    %mul3A_484 = arith.mulf %add3A_481, %mul3A_483 : vector<512x1xf32>
    %mul3A_485 = vector.broadcast %mul3A_484 : vector<512x1xf32> to vector<512x128xf32>
    %mul3A_486 = arith.mulf %mul3A_485, %bitcast_convert_type3A_442 : vector<512x128xf32>
    %reshape3A_487 = vector.shape_cast %mul3A_486 : vector<512x128xf32> to vector<2x256x128xf32>
    %reduce_sum3A_488 = arith.constant dense<0.000000e+00> : vector<256x128xf32>
    %reduce_sum3A_489 = vector.multi_reduction <add>, %reshape3A_487, %reduce_sum3A_488 [0] : vector<2x256x128xf32> to vector<256x128xf32>
    %add3A_490 = arith.addf %add3A_431, %reduce_sum3A_489 : vector<256x128xf32>
    %slice3A_491 = vector.extract_strided_slice %get3A_3 {offsets = [0, 0], sizes = [256, 128], strides = [1, 1]} : vector<256x256xf32> to vector<256x128xf32>
    %get3A_492 = arith.constant 0 : index
    %get3A_493 = arith.constant 0 : index
    %get3A_494 = vector.load %arg11[%get3A_492, %get3A_493] : memref<128x128xf32, #tpu.memory_space<vmem>>, vector<128x128xf32>
    %dot_general3A_495 = arith.constant dense<0.000000e+00> : vector<256x128xf32>
    %dot_general3A_496 = tpu.matmul %slice3A_491, %get3A_494, %dot_general3A_495 {dimension_numbers = #tpu.dot_dimension_numbers<[1], [0], [0], [1], [0, 0, 1, 1], [], []>, transpose_lhs_hint = false} : vector<256x128xf32>, vector<128x128xf32>, vector<256x128xf32> -> vector<256x128xf32>
    %get3A_497 = arith.constant 0 : index
    %get3A_498 = arith.constant 0 : index
    %get3A_499 = vector.load %arg12[%get3A_497, %get3A_498] : memref<1x128xf32, #tpu.memory_space<vmem>>, vector<1x128xf32>
    %add3A_500 = vector.broadcast %get3A_499 : vector<1x128xf32> to vector<256x128xf32>
    %add3A_501 = arith.addf %dot_general3A_496, %add3A_500 : vector<256x128xf32>
    %add3A_502 = arith.addf %add3A_501, %add3A_490 : vector<256x128xf32>
    %add3A_503 = arith.addf %add3A_502, %slice3A_491 : vector<256x128xf32>
    %max3A_504 = arith.constant 0.000000e+00 : f32
    %max3A_505 = vector.broadcast %max3A_504 : f32 to vector<256x128xf32>
    %max3A_506 = arith.maximumf %add3A_503, %max3A_505 : vector<256x128xf32>
    %swap3A = arith.constant 0 : index
    %swap3A_507 = arith.constant 0 : index
    %swap3A_508 = arith.constant 0 : index
    %swap3A_509 = vector.load %arg13[%swap3A, %swap3A_507, %swap3A_508] : memref<1x256x128xf32, #tpu.memory_space<vmem>>, vector<1x256x128xf32>
    %swap3A_510 = vector.shape_cast %swap3A_509 : vector<1x256x128xf32> to vector<256x128xf32>
    %swap3A_511 = vector.shape_cast %max3A_506 : vector<256x128xf32> to vector<1x256x128xf32>
    tpu.vector_store %arg13[%swap3A, %swap3A_507, %swap3A_508], %swap3A_511 {strides = array<i32>} : memref<1x256x128xf32, #tpu.memory_space<vmem>>, vector<1x256x128xf32>,
    return
  }
  func.func @transform_0(%arg0: i32) -> (i32, i32, i32) {
    %c0_i32 = arith.constant 0 : i32
    %c0_i32_0 = arith.constant 0 : i32
    %c0_i32_1 = arith.constant 0 : i32
    return %c0_i32, %arg0, %c0_i32_0 : i32, i32, i32
  }
  func.func @transform_1(%arg0: i32) -> (i32, i32, i32, i32) {
    %c0_i32 = arith.constant 0 : i32
    %c0_i32_0 = arith.constant 0 : i32
    %c0_i32_1 = arith.constant 0 : i32
    %c0_i32_2 = arith.constant 0 : i32
    return %c0_i32, %c0_i32_0, %arg0, %c0_i32_1 : i32, i32, i32, i32
  }
  func.func @transform_2(%arg0: i32) -> (i32, i32) {
    %c0_i32 = arith.constant 0 : i32
    %c0_i32_0 = arith.constant 0 : i32
    %c0_i32_1 = arith.constant 0 : i32
    return %c0_i32, %c0_i32_0 : i32, i32
  }
  func.func @transform_3(%arg0: i32) -> (i32, i32) {
    %c0_i32 = arith.constant 0 : i32
    %c0_i32_0 = arith.constant 0 : i32
    %c0_i32_1 = arith.constant 0 : i32
    return %c0_i32, %c0_i32_0 : i32, i32
  }
  func.func @transform_4(%arg0: i32) -> (i32, i32) {
    %c0_i32 = arith.constant 0 : i32
    %c0_i32_0 = arith.constant 0 : i32
    %c0_i32_1 = arith.constant 0 : i32
    return %c0_i32, %c0_i32_0 : i32, i32
  }
  func.func @transform_5(%arg0: i32) -> (i32, i32) {
    %c0_i32 = arith.constant 0 : i32
    %c0_i32_0 = arith.constant 0 : i32
    %c0_i32_1 = arith.constant 0 : i32
    return %c0_i32, %c0_i32_0 : i32, i32
  }
  func.func @transform_6(%arg0: i32) -> (i32, i32) {
    %c0_i32 = arith.constant 0 : i32
    %c0_i32_0 = arith.constant 0 : i32
    %c0_i32_1 = arith.constant 0 : i32
    return %c0_i32, %c0_i32_0 : i32, i32
  }
  func.func @transform_7(%arg0: i32) -> (i32, i32) {
    %c0_i32 = arith.constant 0 : i32
    %c0_i32_0 = arith.constant 0 : i32
    %c0_i32_1 = arith.constant 0 : i32
    return %c0_i32, %c0_i32_0 : i32, i32
  }
  func.func @transform_8(%arg0: i32) -> (i32, i32) {
    %c0_i32 = arith.constant 0 : i32
    %c0_i32_0 = arith.constant 0 : i32
    %c0_i32_1 = arith.constant 0 : i32
    return %c0_i32, %c0_i32_0 : i32, i32
  }
  func.func @transform_9(%arg0: i32) -> (i32, i32) {
    %c0_i32 = arith.constant 0 : i32
    %c0_i32_0 = arith.constant 0 : i32
    %c0_i32_1 = arith.constant 0 : i32
    return %c0_i32, %c0_i32_0 : i32, i32
  }
  func.func @transform_10(%arg0: i32) -> (i32, i32) {
    %c0_i32 = arith.constant 0 : i32
    %c0_i32_0 = arith.constant 0 : i32
    %c0_i32_1 = arith.constant 0 : i32
    return %c0_i32, %c0_i32_0 : i32, i32
  }
  func.func @transform_11(%arg0: i32) -> (i32, i32) {
    %c0_i32 = arith.constant 0 : i32
    %c0_i32_0 = arith.constant 0 : i32
    %c0_i32_1 = arith.constant 0 : i32
    return %c0_i32, %c0_i32_0 : i32, i32
  }
  func.func @transform_12(%arg0: i32) -> (i32, i32, i32) {
    %c0_i32 = arith.constant 0 : i32
    %c0_i32_0 = arith.constant 0 : i32
    %c0_i32_1 = arith.constant 0 : i32
    return %c0_i32, %arg0, %c0_i32_0 : i32, i32, i32
  }
}

</mosaic_0001>

<sc_bundles>
// kernel: kernel.11.cloned.1.call-start
scs
__scs_entry_jumppad:
0x0: {  	(pc) =	sbr.rel $0x88, $3  }
0x1: {  	(tag) =	ssettag $0x0;
	lr =	simm.s32 $0x1  }
0x2: {  	[smem:$0x3F97] =	sst lr;
	_ =	strace $0xD0000000  }
0x3: {  	_ = 	snop  }
0x4: {  	_ = 	snop  }
0x5: {  	_ = 	snop  }
0x6: {  	_ = 	snop  }
0x7: {  	_ = 	snop  }
__scs_overlays_trampoline_lowered:
0x8: {  	[smem:$0x3FA6] =	sst s0  }
0x9: {  	[smem:$0x3FA7] =	sst s1  }
0xa: {  	[smem:$0x3FA8] =	sst s2  }
0xb: {  	[smem:$0x3FA9] =	sst s3  }
0xc: {  	[smem:$0x3FAA] =	sst s4  }
0xd: {  	[smem:$0x3FAB] =	sst s5  }
0xe: {  	[smem:$0x3FAC] =	sst s6  }
0xf: {  	[smem:$0x3FAD] =	sst s7  }
0x10: {  	[smem:$0x3FAE] =	sst s8  }
0x11: {  	[smem:$0x3FAF] =	sst s9;
	s0 =	simm.s32 @!p0 $0x0  }
0x12: {  	s1 =	sld [smem:$0x3F95];
	s0 =	simm.s32 @p0 $0x1  }
0x13: {  	[smem:$0x3FB0] =	sst s0;
	s0 =	simm.s32 @!p1 $0x0  }
0x14: {  	s2 =	sld [smem:$0x3F94];
	s0 =	simm.s32 @p1 $0x1  }
0x15: {  	[smem:$0x3FB1] =	sst s0;
	s0 =	simm.s32 @!p2 $0x0  }
0x16: {  	s3 =	sld [smem:$0x3FDB];
	s0 =	simm.s32 @p2 $0x1  }
0x17: {  	s4 =	simm.s32 $0x1BF5;
	[smem:$0x3FB3] =	sst s0  }
0x18: {  	s0 =	sld [smem:$0x3F96];
	_ =	swait.ge [sflag:s4], $0x0  }
0x19: {  	s7 =	sld [smem:$0x3F97]  }
0x1a: {  	s8 =	sadd.s32 $0xFFFFE003, lr  }
0x1b: {  	s9 =	sadd.s32 $0xFFFFFEF7, lr;
	s5 =	simm.s32 $0xFFFFFFFF;
	p2 =	slt.u32 s8, $0xFFFFF086  }
0x1c: {  	p1 =	slt.u32 s9, $0xF7A;
	s5 =	simm.s32 @!p2 $0x0  }
0x1d: {  	s5 =	simm.s32 @p1 $0x1;
	p0 =	seq.s32 s7, s2  }
0x1e: {  	s7 =	smul.u32 @!p0 $0xF7A, s2;
	p2 =	seq.s32 @!p0 s5, $0x0  }
0x1f: {  	s9 =	smul.u32 $0xF7A, s1;
	s8 =	simm.s32 @!p0 $0x1BF5;
	p2 =	por !p2, p0  }
0x20: {  	[sflag:s8] =	ssyncset.s32 @!p0 $0xFFFFF086;
	s6 =	sadd.s32 @!p0 s3, s7;
	s7 =	simm.s32 @!p0 $0x108  }
0x21: {  	s3 =	sadd.s32 s3, s9;
	s6 =	sadd.s32 @!p0 $0x88, s6;
	s7 =	simm.s32 @p2 $0x1082  }
0x22: {  	[simem:s7], [sflag:s8] =	dma.local @!p0 [hbm:s6], $0xF7A  }
0x23: {  	s9 =	sor.u32 $0xD0000000, s2;
	s6 =	simm.s32 $0x108;
	_ =	swait.ge @!p0 [sflag:s8], $0x0  }
0x24: {  	s3 =	sadd.s32 $0x88, s3;
	s6 =	simm.s32 @!p1 $0x1082;
	[sflag:s4] =	ssyncset.s32 $0xFFFFF086  }
0x25: {  	[simem:s6], [sflag:s4] =	dma.local [hbm:s3], $0xF7A  }
0x26: {  	[smem:$0x3F97] =	sst s1;
	(tag) =	ssettag s2;
	_ =	strace s9  }
0x27: {  	s1 =	sld [smem:$0x3FA7]  }
0x28: {  	s2 =	sld [smem:$0x3FA8]  }
0x29: {  	s4 =	sld [smem:$0x3FAA]  }
0x2a: {  	p0 =	seq.s32 s5, $0x0;
	s5 =	sld [smem:$0x3FAB]  }
0x2b: {  	s6 =	sld [smem:$0x3FAC]  }
0x2c: {  	s7 =	sld [smem:$0x3FAD]  }
0x2d: {  	s3 =	simm.s32 $0x108;
	s8 =	sld [smem:$0x3FAE]  }
0x2e: {  	s3 =	simm.s32 @!p0 $0x1082;
	s9 =	sld [smem:$0x3FAF]  }
0x2f: {  	lr =	sadd.s32 s0, s3;
	s0 =	sld [smem:$0x3FA6]  }
0x30: {  	s3 =	sld [smem:$0x3FA9]  }
0x31: {  	[smem:$0x3FB2] =	sst s10  }
0x32: {  	s10 =	sld [smem:$0x3FB0];
	_ =	sdelay $0x3  }
0x33: {  	p0 =	seq.s32 s10, $0x1;
	s10 =	sld [smem:$0x3FB2];
	_ =	sdelay $0x3  }
0x34: {  	[smem:$0x3FB2] =	sst s10  }
0x35: {  	s10 =	sld [smem:$0x3FB1];
	_ =	sdelay $0x3  }
0x36: {  	p1 =	seq.s32 s10, $0x1;
	s10 =	sld [smem:$0x3FB2];
	_ =	sdelay $0x3  }
0x37: {  	[smem:$0x3FB2] =	sst s10  }
0x38: {  	s10 =	sld [smem:$0x3FB3]  }
0x39: {  	_ = 	snop;
	(pc) =	sbr.ind lr, $3  }
0x3a: {  	_ = 	snop  }
0x3b: {  	_ = 	snop  }
0x3c: {  	p2 =	seq.s32 s10, $0x1;
	s10 =	sld [smem:$0x3FB2]  }
0x3d: {  	_ =	shalt  }
0x3e: {  	_ =	shalt  }
0x3f: {  	_ =	shalt  }
0x40: {  	_ =	shalt  }
0x41: {  	_ =	shalt  }
0x42: {  	_ =	shalt  }
0x43: {  	_ =	shalt  }
0x44: {  	_ =	shalt  }
0x45: {  	_ =	shalt  }
0x46: {  	_ =	shalt  }
0x47: {  	_ =	shalt  }
0x48: {  	_ =	shalt  }
0x49: {  	_ =	shalt  }
0x4a: {  	_ =	shalt  }
0x4b: {  	_ =	shalt  }
0x4c: {  	_ =	shalt  }
0x4d: {  	_ =	shalt  }
0x4e: {  	_ =	shalt  }
0x4f: {  	_ =	shalt  }
0x50: {  	_ =	shalt  }
0x51: {  	_ =	shalt  }
0x52: {  	_ =	shalt  }
0x53: {  	_ =	shalt  }
0x54: {  	_ =	shalt  }
0x55: {  	_ =	shalt  }
0x56: {  	_ =	shalt  }
0x57: {  	_ =	shalt  }
0x58: {  	_ =	shalt  }
0x59: {  	_ =	shalt  }
0x5a: {  	_ =	shalt  }
0x5b: {  	_ =	shalt  }
0x5c: {  	_ =	shalt  }
0x5d: {  	_ =	shalt  }
0x5e: {  	_ =	shalt  }
0x5f: {  	_ =	shalt  }
0x60: {  	_ =	shalt  }
0x61: {  	_ =	shalt  }
0x62: {  	_ =	shalt  }
0x63: {  	_ =	shalt  }
0x64: {  	_ =	shalt  }
0x65: {  	_ =	shalt  }
0x66: {  	_ =	shalt  }
0x67: {  	_ =	shalt  }
0x68: {  	_ =	shalt  }
0x69: {  	_ =	shalt  }
0x6a: {  	_ =	shalt  }
0x6b: {  	_ =	shalt  }
0x6c: {  	_ =	shalt  }
0x6d: {  	_ =	shalt  }
0x6e: {  	_ =	shalt  }
0x6f: {  	_ =	shalt  }
0x70: {  	_ =	shalt  }
0x71: {  	_ =	shalt  }
0x72: {  	_ =	shalt  }
0x73: {  	_ =	shalt  }
0x74: {  	_ =	shalt  }
0x75: {  	_ =	shalt  }
0x76: {  	_ =	shalt  }
0x77: {  	_ =	shalt  }
0x78: {  	_ =	shalt  }
0x79: {  	_ =	shalt  }
0x7a: {  	_ =	shalt  }
0x7b: {  	_ =	shalt  }
0x7c: {  	_ =	shalt  }
0x7d: {  	_ =	shalt  }
0x7e: {  	_ =	shalt  }
0x7f: {  	_ =	shalt  }
0x80: {  	_ =	shalt  }
0x81: {  	_ =	shalt  }
0x82: {  	_ =	shalt  }
0x83: {  	_ =	shalt  }
0x84: {  	_ =	shalt  }
0x85: {  	_ =	shalt  }
0x86: {  	_ =	shalt  }
0x87: {  	_ =	shalt  }
.Lfunc_end0:
.L_simem_size_0:
called_computation.1_lowered:
.L_overlay_start_0:
0x88: {  	s2 =	sld [smem:$0x3FD9]  }
0x89: {  	s3 =	sld [smem:$0x3FFE];
	_ =	sdelay $0x1  }
0x8a: {  	s1 =	srdreg.scid  }
0x8b: {  	s0 =	sand.u32 $0x1, s1  }
0x8c: {  	s17 =	sshll.u32 s0, $0xA;
	s2 =	sadd.s32 s3, s2  }
0x8d: {  	s2 =	sadd.s32 s2, s17  }
0x8e: {  	[smem:$0x3FBE] =	sst s2  }
0x8f: {  	_ = 	snop  }
0x90: {  	s2 =	sld [smem:$0x3FD0];
	(tm) =	ssettm $0x1  }
0x91: {  	s18 =	sld [smem:$0x3FFB];
	_ =	sdelay $0x3  }
0x92: {  	_ =	strace s18  }
0x93: {  	s3 =	sld [smem:$0x3FFC];
	_ =	sdelay $0x3  }
0x94: {  	_ =	strace s3  }
0x95: {  	s3 =	sld [smem:$0x3FFD];
	_ =	sdelay $0x3  }
0x96: {  	_ =	strace s3  }
0x97: {  	_ =	strace $0x8FFFFFFF  }
0x98: {  	s19 =	sld [smem:$0x3FDB];
	_ =	sdelay $0x1  }
0x99: {  	s4 =	simm.s32 $_scs_section_size  }
0x9a: {  	s5 =	simm.s32 $_size__tile_overlayer_lowered;
	s6 =	simm.s32 $_tile_overlayer_lowered  }
0x9b: {  	s22 =	simm.s32 $0x1BFF;
	s21 =	sshll.u32 s6, $0x1;
	s3 =	sadd.s32 s4, s19  }
0x9c: {  	s7 =	simm.s32 $0x0;
	s20 =	sshll.u32 s5, $0x1;
	s5 =	sadd.s32 s21, s3  }
0x9d: {  	[timem:s7], [sflag:s22] =	dma.local [hbm:s5], s20  }
0x9e: {  	_ =	swait.ge [sflag:s22], s20  }
0x9f: {  	s4 =	ssub.s32 $0x0, s20;
	[sflag:s22] =	ssyncset.done $0x0  }
0xa0: {  	[sflag:s22] =	ssyncadd.s32 s4;
	_ =	sdelay $0x1  }
0xa1: {  	s23 =	simm.s32 $0x1B8B  }
0xa2: {  	_ =	swait.ge [sflag:s23], $0x1  }
0xa3: {  	[sflag:s23] =	ssyncset.done $0x0  }
0xa4: {  	s25 =	simm.s32 $0x1B8E;
	s24 =	sld [smem:$0x3FFE];
	[sflag:s23] =	ssyncadd.s32 $0xFFFFFFFF  }
0xa5: {  	s26 =	simm.s32 $execute0_lowered;
	[smem:$0x3FD2] =	sst s25  }
0xa6: {  	s5 =	sshll.u32 s26, $0x1;
	_ =	strace $0x80000046;
	[dreg:$0x1] =	wrdreg $0xFFFFFFFF  }
0xa7: {  	s28 =	simm.s32 $_size_execute0_lowered;
	s3 =	sadd.s32 s3, s5;
	[dreg:$0x0] =	wrdreg $0x0  }
0xa8: {  	s5 =	sshll.u32 s28, $0x1;
	[dreg:$0x2] =	wrdreg s3  }
0xa9: {  	[dreg:$0x3] =	wrdreg s5  }
0xaa: {  	[dreg:$0x4] =	wrdreg $0xC0  }
0xab: {  	_ =	task [dreg:s7], $0x5FFFF  }
0xac: {  	[dreg:$0x1] =	wrdreg $0xFFFFFFFF  }
0xad: {  	[dreg:$0x0] =	wrdreg $0x60  }
0xae: {  	[dreg:$0x2] =	wrdreg s2  }
0xaf: {  	[dreg:$0x3] =	wrdreg s24  }
0xb0: {  	[dreg:$0x4] =	wrdreg $0xA  }
0xb1: {  	_ =	task.clear_ibuf [dreg:s7], $0x5FFFF;
	_ =	strace $0x90000046  }
0xb2: {  	s29 =	simm.s32 $0xA;
	_ =	strace $0x80000048  }
0xb3: {  	_ =	swait.ge [sflag:s29], $0x1  }
0xb4: {  	[sflag:s29] =	ssyncadd.s32 $0xFFFFFFFF  }
0xb5: {  	_ =	strace $0x90000048  }
0xb6: {  	_ =	sfence  }
0xb7: {  	s30 =	sld [smem:$0x0];
	_ =	sdelay $0x2  }
0xb8: {  	s31 =	sshll.u32 s1, $0xD;
	s1 =	sshrl.u32 s1, $0x2  }
0xb9: {  	s3 =	sand.u32 $0x4000, s31;
	s1 =	sadd.s32 s1, s30  }
0xba: {  	s0 =	sor.u32 s3, s0;
	s1 =	sshll.u32 s1, $0x11  }
0xbb: {  	s0 =	sor.u32 s1, s0  }
0xbc: {  	s0 =	sadd.s32 $0x8F2B, s0  }
0xbd: {  	[sflag:s0] =	ssyncadd.remote.s32 $0x1  }
0xbe: {  	_ =	sfence.sel $0xFFFF  }
0xbf: {  	[dreg:$0x0] =	wrdreg $0xFFFFFFFF;
	(pc) =	sbr.abs _section_cstart, $3  }
0xc0: {  	[dreg:$0x1] =	wrdreg $0xFFFFFFFF  }
0xc1: {  	_ =	task.clear_ibuf [dreg:s7], $0x2FFFF;
	_ =	strace $0x9FFFFFFF  }
0xc2: {  	(tm) =	ssettm $0x7FFFFFFF  }
0xc3: {  	_ =	shalt  }
tec
execute0_lowered:
.L_overlay_start_1:
0x0: {  	(tag) =	ssettag $0x1  }
0x1: {  	s1 =	srdreg.scid;
	s0 =	stileid.u32  }
0x2: {  	s2 =	rddreg [dreg:$0x0];
	s24 =	sand.u32 $0x1, s1;
	s30 =	sshll.u32 s0, $0x1  }
0x3: {  	s10 =	rddreg [dreg:$0x1];
	s11 =	sor.u32 s24, s30  }
0x4: {  	s3 =	simm.s32 $0x0;
	s1 =	rddreg [dreg:$0x2];
	s4 =	sshll.u32 s11, $0x7  }
0x5: {  	[smem:$0x7FF] =	sst s3;
	s4 =	sadd.s32 s4, s10  }
0x6: {  	_ =	strace $0x80000047;
	s5 =	sadd.s32 $0x2C00, s4;
	s4 =	simm.s32 $0x3  }
0x7: {  	[tilespmem:s3], [sflag:$0x3] =	stream.linear.gather [hbm4b:s5+s3], $0x400, $0x38;
	[tilespmem:$0x8400] =	vst v63  }
0x8: {  	_ =	swait.ge [sflag:s4], $0x400  }
0x9: {  	[sflag:s4] =	ssyncset.done $0x0  }
0xa: {  	s6 =	simm.s32 $0x80;
	s7 =	simm.s32 $0x400;
	[sflag:s4] =	ssyncadd.s32 $0xFFFFFC00  }
0xb: {  	[tilespmem:s7], [sflag:$0x1] =	stream.indirect.gather [hbm4b:s2+s6], $0x80, s3, s6, $0xb8;
	[tilespmem:$0x8400] =	vst v63  }
0xc: {  	s8 =	simm.s32 $0x4400;
	s9 =	simm.s32 $0x1  }
0xd: {  	[tilespmem:s8], [sflag:$0x2] =	stream.indirect.gather [hbm4b:s2+s6], $0x80, s6, s6, $0xb8;
	[tilespmem:$0x8400] =	vst v63  }
0xe: {  	s11 =	sshll.u32 s11, $0xE;
	_ =	swait.ge [sflag:s9], $0x4000  }
0xf: {  	s25 =	sadd.s32 s11, s10;
	[sflag:s9] =	ssyncset.done $0x0  }
0x10: {  	s10 =	sadd.s32 $0x3C00, s25;
	[sflag:s9] =	ssyncadd.s32 $0xFFFFC000  }
0x11: {  	[hbm4b:s10+s3] =	stream.linear.scatter [tilespmem:s7], [sflag:$0x3], $0x4000, $0x38;
	[tilespmem:$0x8400] =	vst v63  }
0x12: {  	_ =	swait.ge [sflag:s4], $0x4000  }
0x13: {  	[sflag:s4] =	ssyncset.done $0x0  }
0x14: {  	s12 =	simm.s32 $0x2;
	s11 =	simm.s32 $0x100;
	[sflag:s4] =	ssyncadd.s32 $0xFFFFC000  }
0x15: {  	[tilespmem:s7], [sflag:$0x1] =	stream.indirect.gather [hbm4b:s2+s6], $0x80, s11, s6, $0xb8;
	[tilespmem:$0x8400] =	vst v63  }
0x16: {  	_ =	swait.ge [sflag:s12], $0x4000  }
0x17: {  	[sflag:s12] =	ssyncset.done $0x0  }
0x18: {  	s13 =	sadd.s32 $0x4400, s25;
	[sflag:s12] =	ssyncadd.s32 $0xFFFFC000  }
0x19: {  	[hbm4b:s13+s3] =	stream.linear.scatter [tilespmem:s8], [sflag:$0x3], $0x4000, $0x38;
	[tilespmem:$0x8400] =	vst v63  }
0x1a: {  	_ =	swait.ge [sflag:s4], $0x4000  }
0x1b: {  	[sflag:s4] =	ssyncset.done $0x0  }
0x1c: {  	s14 =	simm.s32 $0x180;
	[sflag:s4] =	ssyncadd.s32 $0xFFFFC000  }
0x1d: {  	[tilespmem:s8], [sflag:$0x2] =	stream.indirect.gather [hbm4b:s2+s6], $0x80, s14, s6, $0xb8;
	[tilespmem:$0x8400] =	vst v63  }
0x1e: {  	_ =	swait.ge [sflag:s9], $0x4000  }
0x1f: {  	[sflag:s9] =	ssyncset.done $0x0  }
0x20: {  	s15 =	sadd.s32 $0x4C00, s25;
	[sflag:s9] =	ssyncadd.s32 $0xFFFFC000  }
0x21: {  	[hbm4b:s15+s3] =	stream.linear.scatter [tilespmem:s7], [sflag:$0x3], $0x4000, $0x38;
	[tilespmem:$0x8400] =	vst v63  }
0x22: {  	_ =	swait.ge [sflag:s4], $0x4000  }
0x23: {  	[sflag:s4] =	ssyncset.done $0x0  }
0x24: {  	s16 =	simm.s32 $0x200;
	[sflag:s4] =	ssyncadd.s32 $0xFFFFC000  }
0x25: {  	[tilespmem:s7], [sflag:$0x1] =	stream.indirect.gather [hbm4b:s2+s6], $0x80, s16, s6, $0xb8;
	[tilespmem:$0x8400] =	vst v63  }
0x26: {  	_ =	swait.ge [sflag:s12], $0x4000  }
0x27: {  	[sflag:s12] =	ssyncset.done $0x0  }
0x28: {  	s17 =	sadd.s32 $0x5400, s25;
	[sflag:s12] =	ssyncadd.s32 $0xFFFFC000  }
0x29: {  	[hbm4b:s17+s3] =	stream.linear.scatter [tilespmem:s8], [sflag:$0x3], $0x4000, $0x38;
	[tilespmem:$0x8400] =	vst v63  }
0x2a: {  	_ =	swait.ge [sflag:s4], $0x4000  }
0x2b: {  	[sflag:s4] =	ssyncset.done $0x0  }
0x2c: {  	s18 =	simm.s32 $0x280;
	[sflag:s4] =	ssyncadd.s32 $0xFFFFC000  }
0x2d: {  	[tilespmem:s8], [sflag:$0x2] =	stream.indirect.gather [hbm4b:s2+s6], $0x80, s18, s6, $0xb8;
	[tilespmem:$0x8400] =	vst v63  }
0x2e: {  	_ =	swait.ge [sflag:s9], $0x4000  }
0x2f: {  	[sflag:s9] =	ssyncset.done $0x0  }
0x30: {  	s19 =	sadd.s32 $0x5C00, s25;
	[sflag:s9] =	ssyncadd.s32 $0xFFFFC000  }
0x31: {  	[hbm4b:s19+s3] =	stream.linear.scatter [tilespmem:s7], [sflag:$0x3], $0x4000, $0x38;
	[tilespmem:$0x8400] =	vst v63  }
0x32: {  	_ =	swait.ge [sflag:s4], $0x4000  }
0x33: {  	[sflag:s4] =	ssyncset.done $0x0  }
0x34: {  	s20 =	simm.s32 $0x300;
	[sflag:s4] =	ssyncadd.s32 $0xFFFFC000  }
0x35: {  	[tilespmem:s7], [sflag:$0x1] =	stream.indirect.gather [hbm4b:s2+s6], $0x80, s20, s6, $0xb8;
	[tilespmem:$0x8400] =	vst v63  }
0x36: {  	_ =	swait.ge [sflag:s12], $0x4000  }
0x37: {  	[sflag:s12] =	ssyncset.done $0x0  }
0x38: {  	s21 =	sadd.s32 $0x6400, s25;
	[sflag:s12] =	ssyncadd.s32 $0xFFFFC000  }
0x39: {  	[hbm4b:s21+s3] =	stream.linear.scatter [tilespmem:s8], [sflag:$0x3], $0x4000, $0x38;
	[tilespmem:$0x8400] =	vst v63  }
0x3a: {  	_ =	swait.ge [sflag:s4], $0x4000  }
0x3b: {  	[sflag:s4] =	ssyncset.done $0x0  }
0x3c: {  	s22 =	simm.s32 $0x380;
	[sflag:s4] =	ssyncadd.s32 $0xFFFFC000  }
0x3d: {  	[tilespmem:s8], [sflag:$0x2] =	stream.indirect.gather [hbm4b:s2+s6], $0x80, s22, s6, $0xb8;
	[tilespmem:$0x8400] =	vst v63  }
0x3e: {  	_ =	swait.ge [sflag:s9], $0x4000  }
0x3f: {  	[sflag:s9] =	ssyncset.done $0x0  }
0x40: {  	s24 =	ssub.s32 $0x2, s24;
	s23 =	sadd.s32 $0x6C00, s25;
	[sflag:s9] =	ssyncadd.s32 $0xFFFFC000  }
0x41: {  	[hbm4b:s23+s3] =	stream.linear.scatter [tilespmem:s7], [sflag:$0x3], $0x4000, $0x38;
	[tilespmem:$0x8400] =	vst v63  }
0x42: {  	s26 =	sshrl.u32 s24, $0x1;
	_ =	swait.ge [sflag:s4], $0x4000  }
0x43: {  	s26 =	ssub.s32 s24, s26;
	[sflag:s4] =	ssyncset.done $0x0  }
0x44: {  	s31 =	smax.u32 s26, $0x1;
	[sflag:s4] =	ssyncadd.s32 $0xFFFFC000  }
0x45: {  	p0 =	sne.s32 s31, $0x1;
	_ =	swait.ge [sflag:s12], $0x4000  }
.Ltmp0:
0x46: {  	[sflag:s12] =	ssyncset.done $0x0;
	(pc) =	sbr.rel @!p0 .LBB2_2-.Ltmp0, $4  }
0x47: {  	s24 =	sadd.s32 $0x7400, s25;
	[sflag:s12] =	ssyncadd.s32 $0xFFFFC000  }
0x48: {  	[hbm4b:s24+s3] =	stream.linear.scatter [tilespmem:s8], [sflag:$0x3], $0x4000, $0x38;
	[tilespmem:$0x8400] =	vst v63  }
0x49: {  	_ =	swait.ge [sflag:s4], $0x4000  }
0x4a: {  	s25 =	sadd.s32 $0xFFFFFFFF, s31;
	[sflag:s4] =	ssyncset.done $0x0  }
.LBB2_1:
0x4b: {  	p0 =	sne.s32 s25, $0x1;
	s25 =	sadd.s32 $0xFFFFFFFF, s25;
	[sflag:s4] =	ssyncadd.s32 $0xFFFFC000  }
0x4c: {  	[tilespmem:s3], [sflag:$0x3] =	stream.linear.gather [hbm4b:s5+s3], $0x400, $0x38;
	[tilespmem:$0x8400] =	vst v63  }
0x4d: {  	_ =	swait.ge [sflag:s4], $0x400  }
0x4e: {  	[sflag:s4] =	ssyncset.done $0x0  }
0x4f: {  	[sflag:s4] =	ssyncadd.s32 $0xFFFFFC00  }
0x50: {  	[tilespmem:s7], [sflag:$0x1] =	stream.indirect.gather [hbm4b:s2+s6], $0x80, s3, s6, $0xb8;
	[tilespmem:$0x8400] =	vst v63  }
0x51: {  	_ = 	snop  }
0x52: {  	[tilespmem:s8], [sflag:$0x2] =	stream.indirect.gather [hbm4b:s2+s6], $0x80, s6, s6, $0xb8;
	[tilespmem:$0x8400] =	vst v63  }
0x53: {  	_ =	swait.ge [sflag:s9], $0x4000  }
0x54: {  	[sflag:s9] =	ssyncset.done $0x0  }
0x55: {  	[sflag:s9] =	ssyncadd.s32 $0xFFFFC000  }
0x56: {  	[hbm4b:s10+s3] =	stream.linear.scatter [tilespmem:s7], [sflag:$0x3], $0x4000, $0x38;
	[tilespmem:$0x8400] =	vst v63  }
0x57: {  	_ =	swait.ge [sflag:s4], $0x4000  }
0x58: {  	[sflag:s4] =	ssyncset.done $0x0  }
0x59: {  	[sflag:s4] =	ssyncadd.s32 $0xFFFFC000  }
0x5a: {  	[tilespmem:s7], [sflag:$0x1] =	stream.indirect.gather [hbm4b:s2+s6], $0x80, s11, s6, $0xb8;
	[tilespmem:$0x8400] =	vst v63  }
0x5b: {  	_ =	swait.ge [sflag:s12], $0x4000  }
0x5c: {  	[sflag:s12] =	ssyncset.done $0x0  }
0x5d: {  	[sflag:s12] =	ssyncadd.s32 $0xFFFFC000  }
0x5e: {  	[hbm4b:s13+s3] =	stream.linear.scatter [tilespmem:s8], [sflag:$0x3], $0x4000, $0x38;
	[tilespmem:$0x8400] =	vst v63  }
0x5f: {  	_ =	swait.ge [sflag:s4], $0x4000  }
0x60: {  	[sflag:s4] =	ssyncset.done $0x0  }
0x61: {  	[sflag:s4] =	ssyncadd.s32 $0xFFFFC000  }
0x62: {  	[tilespmem:s8], [sflag:$0x2] =	stream.indirect.gather [hbm4b:s2+s6], $0x80, s14, s6, $0xb8;
	[tilespmem:$0x8400] =	vst v63  }
0x63: {  	_ =	swait.ge [sflag:s9], $0x4000  }
0x64: {  	[sflag:s9] =	ssyncset.done $0x0  }
0x65: {  	[sflag:s9] =	ssyncadd.s32 $0xFFFFC000  }
0x66: {  	[hbm4b:s15+s3] =	stream.linear.scatter [tilespmem:s7], [sflag:$0x3], $0x4000, $0x38;
	[tilespmem:$0x8400] =	vst v63  }
0x67: {  	_ =	swait.ge [sflag:s4], $0x4000  }
0x68: {  	[sflag:s4] =	ssyncset.done $0x0  }
0x69: {  	[sflag:s4] =	ssyncadd.s32 $0xFFFFC000  }
0x6a: {  	[tilespmem:s7], [sflag:$0x1] =	stream.indirect.gather [hbm4b:s2+s6], $0x80, s16, s6, $0xb8;
	[tilespmem:$0x8400] =	vst v63  }
0x6b: {  	_ =	swait.ge [sflag:s12], $0x4000  }
0x6c: {  	[sflag:s12] =	ssyncset.done $0x0  }
0x6d: {  	[sflag:s12] =	ssyncadd.s32 $0xFFFFC000  }
0x6e: {  	[hbm4b:s17+s3] =	stream.linear.scatter [tilespmem:s8], [sflag:$0x3], $0x4000, $0x38;
	[tilespmem:$0x8400] =	vst v63  }
0x6f: {  	_ =	swait.ge [sflag:s4], $0x4000  }
0x70: {  	[sflag:s4] =	ssyncset.done $0x0  }
0x71: {  	[sflag:s4] =	ssyncadd.s32 $0xFFFFC000  }
0x72: {  	[tilespmem:s8], [sflag:$0x2] =	stream.indirect.gather [hbm4b:s2+s6], $0x80, s18, s6, $0xb8;
	[tilespmem:$0x8400] =	vst v63  }
0x73: {  	_ =	swait.ge [sflag:s9], $0x4000  }
0x74: {  	[sflag:s9] =	ssyncset.done $0x0  }
0x75: {  	[sflag:s9] =	ssyncadd.s32 $0xFFFFC000  }
0x76: {  	[hbm4b:s19+s3] =	stream.linear.scatter [tilespmem:s7], [sflag:$0x3], $0x4000, $0x38;
	[tilespmem:$0x8400] =	vst v63  }
0x77: {  	_ =	swait.ge [sflag:s4], $0x4000  }
0x78: {  	[sflag:s4] =	ssyncset.done $0x0  }
0x79: {  	[sflag:s4] =	ssyncadd.s32 $0xFFFFC000  }
0x7a: {  	[tilespmem:s7], [sflag:$0x1] =	stream.indirect.gather [hbm4b:s2+s6], $0x80, s20, s6, $0xb8;
	[tilespmem:$0x8400] =	vst v63  }
0x7b: {  	_ =	swait.ge [sflag:s12], $0x4000  }
0x7c: {  	[sflag:s12] =	ssyncset.done $0x0  }
0x7d: {  	[sflag:s12] =	ssyncadd.s32 $0xFFFFC000  }
0x7e: {  	[hbm4b:s21+s3] =	stream.linear.scatter [tilespmem:s8], [sflag:$0x3], $0x4000, $0x38;
	[tilespmem:$0x8400] =	vst v63  }
0x7f: {  	_ =	swait.ge [sflag:s4], $0x4000  }
0x80: {  	[sflag:s4] =	ssyncset.done $0x0  }
0x81: {  	[sflag:s4] =	ssyncadd.s32 $0xFFFFC000  }
0x82: {  	[tilespmem:s8], [sflag:$0x2] =	stream.indirect.gather [hbm4b:s2+s6], $0x80, s22, s6, $0xb8;
	[tilespmem:$0x8400] =	vst v63  }
0x83: {  	_ =	swait.ge [sflag:s9], $0x4000  }
0x84: {  	[sflag:s9] =	ssyncset.done $0x0  }
0x85: {  	[sflag:s9] =	ssyncadd.s32 $0xFFFFC000  }
0x86: {  	[hbm4b:s23+s3] =	stream.linear.scatter [tilespmem:s7], [sflag:$0x3], $0x4000, $0x38;
	[tilespmem:$0x8400] =	vst v63  }
0x87: {  	_ =	swait.ge [sflag:s4], $0x4000  }
0x88: {  	[sflag:s4] =	ssyncset.done $0x0  }
0x89: {  	[sflag:s4] =	ssyncadd.s32 $0xFFFFC000  }
0x8a: {  	_ =	swait.ge [sflag:s12], $0x4000  }
.Ltmp1:
0x8b: {  	[sflag:s12] =	ssyncset.done $0x0;
	(pc) =	sbr.rel @p0 .LBB2_1-.Ltmp1, $4  }
0x8c: {  	[sflag:s12] =	ssyncadd.s32 $0xFFFFC000  }
0x8d: {  	[hbm4b:s24+s3] =	stream.linear.scatter [tilespmem:s8], [sflag:$0x3], $0x4000, $0x38;
	[tilespmem:$0x8400] =	vst v63  }
0x8e: {  	_ =	swait.ge [sflag:s4], $0x4000  }
0x8f: {  	[sflag:s4] =	ssyncset.done $0x0  }
.LBB2_2:
0x90: {  	[sflag:s4] =	ssyncadd.s32 $0xFFFFC000  }
0x91: {  	_ =	sfence.sel $0x180000  }
0x92: {  	[bflag:$0x0] =	sbarrier.arrive $0xFFFF  }
0x93: {  	p0 =	sne.s32 s0, $0x0;
	_ =	strace $0x90000047  }
0x94: {  	s0 =	sadd.s32 @!p0 $0x100000, s1;
	[bflag:$0x2] =	sbarrier.arrive $0xFFFF  }
0x95: {  	[sflag:s0] =	ssyncadd.tile.s32 @!p0 $0x1;
	_ =	shalt  }
.Lfunc_end2:
_tile_overlayer_lowered:
.L_overlay_start_2:
0x96: {  	(tag) =	ssettag $0x2  }
0x97: {  	s0 =	rddreg [dreg:$0x0];
	s2 =	stileid.u32  }
0x98: {  	s1 =	rddreg [dreg:$0x1];
	p0 =	sne.s32 s2, $0x0  }
0x99: {  	s3 =	rddreg [dreg:$0x2];
	[bflag:$0x3] =	sbarrier.arrive $0xFFFF;
	s2 =	simm.s32 @!p0 $0x1C03  }
0x9a: {  	[timem:s3], [sflag:s2] =	dma.local @!p0 [hbm:s0], s1  }
0x9b: {  	s0 =	simm.s32 @!p0 $0x3  }
0x9c: {  	_ =	swait.ge @!p0 [sflag:s0], s1  }
0x9d: {  	s1 =	ssub.s32 @!p0 $0x0, s1;
	[sflag:s0] =	ssyncset.done @!p0 $0x0  }
0x9e: {  	[sflag:s0] =	ssyncadd.s32 @!p0 s1  }
0x9f: {  	[bflag:$0x3] =	sbarrier.arrive $0xFFFF  }
0xa0: {  	_ =	shalt  }

// kernel: kernel.8.cloned.1.call-start
scs
__scs_entry_jumppad:
0x0: {  	(pc) =	sbr.rel $0x88, $3  }
0x1: {  	(tag) =	ssettag $0x0;
	lr =	simm.s32 $0x1  }
0x2: {  	[smem:$0x3F97] =	sst lr;
	_ =	strace $0xD0000000  }
0x3: {  	_ = 	snop  }
0x4: {  	_ = 	snop  }
0x5: {  	_ = 	snop  }
0x6: {  	_ = 	snop  }
0x7: {  	_ = 	snop  }
__scs_overlays_trampoline_lowered:
0x8: {  	[smem:$0x3FA6] =	sst s0  }
0x9: {  	[smem:$0x3FA7] =	sst s1  }
0xa: {  	[smem:$0x3FA8] =	sst s2  }
0xb: {  	[smem:$0x3FA9] =	sst s3  }
0xc: {  	[smem:$0x3FAA] =	sst s4  }
0xd: {  	[smem:$0x3FAB] =	sst s5  }
0xe: {  	[smem:$0x3FAC] =	sst s6  }
0xf: {  	[smem:$0x3FAD] =	sst s7  }
0x10: {  	[smem:$0x3FAE] =	sst s8  }
0x11: {  	[smem:$0x3FAF] =	sst s9;
	s0 =	simm.s32 @!p0 $0x0  }
0x12: {  	s1 =	sld [smem:$0x3F95];
	s0 =	simm.s32 @p0 $0x1  }
0x13: {  	[smem:$0x3FB0] =	sst s0;
	s0 =	simm.s32 @!p1 $0x0  }
0x14: {  	s2 =	sld [smem:$0x3F94];
	s0 =	simm.s32 @p1 $0x1  }
0x15: {  	[smem:$0x3FB1] =	sst s0;
	s0 =	simm.s32 @!p2 $0x0  }
0x16: {  	s3 =	sld [smem:$0x3FDB];
	s0 =	simm.s32 @p2 $0x1  }
0x17: {  	s4 =	simm.s32 $0x1BF5;
	[smem:$0x3FB3] =	sst s0  }
0x18: {  	s0 =	sld [smem:$0x3F96];
	_ =	swait.ge [sflag:s4], $0x0  }
0x19: {  	s7 =	sld [smem:$0x3F97]  }
0x1a: {  	s8 =	sadd.s32 $0xFFFFE003, lr  }
0x1b: {  	s9 =	sadd.s32 $0xFFFFFEF7, lr;
	s5 =	simm.s32 $0xFFFFFFFF;
	p2 =	slt.u32 s8, $0xFFFFF086  }
0x1c: {  	p1 =	slt.u32 s9, $0xF7A;
	s5 =	simm.s32 @!p2 $0x0  }
0x1d: {  	s5 =	simm.s32 @p1 $0x1;
	p0 =	seq.s32 s7, s2  }
0x1e: {  	s7 =	smul.u32 @!p0 $0xF7A, s2;
	p2 =	seq.s32 @!p0 s5, $0x0  }
0x1f: {  	s9 =	smul.u32 $0xF7A, s1;
	s8 =	simm.s32 @!p0 $0x1BF5;
	p2 =	por !p2, p0  }
0x20: {  	[sflag:s8] =	ssyncset.s32 @!p0 $0xFFFFF086;
	s6 =	sadd.s32 @!p0 s3, s7;
	s7 =	simm.s32 @!p0 $0x108  }
0x21: {  	s3 =	sadd.s32 s3, s9;
	s6 =	sadd.s32 @!p0 $0x88, s6;
	s7 =	simm.s32 @p2 $0x1082  }
0x22: {  	[simem:s7], [sflag:s8] =	dma.local @!p0 [hbm:s6], $0xF7A  }
0x23: {  	s9 =	sor.u32 $0xD0000000, s2;
	s6 =	simm.s32 $0x108;
	_ =	swait.ge @!p0 [sflag:s8], $0x0  }
0x24: {  	s3 =	sadd.s32 $0x88, s3;
	s6 =	simm.s32 @!p1 $0x1082;
	[sflag:s4] =	ssyncset.s32 $0xFFFFF086  }
0x25: {  	[simem:s6], [sflag:s4] =	dma.local [hbm:s3], $0xF7A  }
0x26: {  	[smem:$0x3F97] =	sst s1;
	(tag) =	ssettag s2;
	_ =	strace s9  }
0x27: {  	s1 =	sld [smem:$0x3FA7]  }
0x28: {  	s2 =	sld [smem:$0x3FA8]  }
0x29: {  	s4 =	sld [smem:$0x3FAA]  }
0x2a: {  	p0 =	seq.s32 s5, $0x0;
	s5 =	sld [smem:$0x3FAB]  }
0x2b: {  	s6 =	sld [smem:$0x3FAC]  }
0x2c: {  	s7 =	sld [smem:$0x3FAD]  }
0x2d: {  	s3 =	simm.s32 $0x108;
	s8 =	sld [smem:$0x3FAE]  }
0x2e: {  	s3 =	simm.s32 @!p0 $0x1082;
	s9 =	sld [smem:$0x3FAF]  }
0x2f: {  	lr =	sadd.s32 s0, s3;
	s0 =	sld [smem:$0x3FA6]  }
0x30: {  	s3 =	sld [smem:$0x3FA9]  }
0x31: {  	[smem:$0x3FB2] =	sst s10  }
0x32: {  	s10 =	sld [smem:$0x3FB0];
	_ =	sdelay $0x3  }
0x33: {  	p0 =	seq.s32 s10, $0x1;
	s10 =	sld [smem:$0x3FB2];
	_ =	sdelay $0x3  }
0x34: {  	[smem:$0x3FB2] =	sst s10  }
0x35: {  	s10 =	sld [smem:$0x3FB1];
	_ =	sdelay $0x3  }
0x36: {  	p1 =	seq.s32 s10, $0x1;
	s10 =	sld [smem:$0x3FB2];
	_ =	sdelay $0x3  }
0x37: {  	[smem:$0x3FB2] =	sst s10  }
0x38: {  	s10 =	sld [smem:$0x3FB3]  }
0x39: {  	_ = 	snop;
	(pc) =	sbr.ind lr, $3  }
0x3a: {  	_ = 	snop  }
0x3b: {  	_ = 	snop  }
0x3c: {  	p2 =	seq.s32 s10, $0x1;
	s10 =	sld [smem:$0x3FB2]  }
0x3d: {  	_ =	shalt  }
0x3e: {  	_ =	shalt  }
0x3f: {  	_ =	shalt  }
0x40: {  	_ =	shalt  }
0x41: {  	_ =	shalt  }
0x42: {  	_ =	shalt  }
0x43: {  	_ =	shalt  }
0x44: {  	_ =	shalt  }
0x45: {  	_ =	shalt  }
0x46: {  	_ =	shalt  }
0x47: {  	_ =	shalt  }
0x48: {  	_ =	shalt  }
0x49: {  	_ =	shalt  }
0x4a: {  	_ =	shalt  }
0x4b: {  	_ =	shalt  }
0x4c: {  	_ =	shalt  }
0x4d: {  	_ =	shalt  }
0x4e: {  	_ =	shalt  }
0x4f: {  	_ =	shalt  }
0x50: {  	_ =	shalt  }
0x51: {  	_ =	shalt  }
0x52: {  	_ =	shalt  }
0x53: {  	_ =	shalt  }
0x54: {  	_ =	shalt  }
0x55: {  	_ =	shalt  }
0x56: {  	_ =	shalt  }
0x57: {  	_ =	shalt  }
0x58: {  	_ =	shalt  }
0x59: {  	_ =	shalt  }
0x5a: {  	_ =	shalt  }
0x5b: {  	_ =	shalt  }
0x5c: {  	_ =	shalt  }
0x5d: {  	_ =	shalt  }
0x5e: {  	_ =	shalt  }
0x5f: {  	_ =	shalt  }
0x60: {  	_ =	shalt  }
0x61: {  	_ =	shalt  }
0x62: {  	_ =	shalt  }
0x63: {  	_ =	shalt  }
0x64: {  	_ =	shalt  }
0x65: {  	_ =	shalt  }
0x66: {  	_ =	shalt  }
0x67: {  	_ =	shalt  }
0x68: {  	_ =	shalt  }
0x69: {  	_ =	shalt  }
0x6a: {  	_ =	shalt  }
0x6b: {  	_ =	shalt  }
0x6c: {  	_ =	shalt  }
0x6d: {  	_ =	shalt  }
0x6e: {  	_ =	shalt  }
0x6f: {  	_ =	shalt  }
0x70: {  	_ =	shalt  }
0x71: {  	_ =	shalt  }
0x72: {  	_ =	shalt  }
0x73: {  	_ =	shalt  }
0x74: {  	_ =	shalt  }
0x75: {  	_ =	shalt  }
0x76: {  	_ =	shalt  }
0x77: {  	_ =	shalt  }
0x78: {  	_ =	shalt  }
0x79: {  	_ =	shalt  }
0x7a: {  	_ =	shalt  }
0x7b: {  	_ =	shalt  }
0x7c: {  	_ =	shalt  }
0x7d: {  	_ =	shalt  }
0x7e: {  	_ =	shalt  }
0x7f: {  	_ =	shalt  }
0x80: {  	_ =	shalt  }
0x81: {  	_ =	shalt  }
0x82: {  	_ =	shalt  }
0x83: {  	_ =	shalt  }
0x84: {  	_ =	shalt  }
0x85: {  	_ =	shalt  }
0x86: {  	_ =	shalt  }
0x87: {  	_ =	shalt  }
.Lfunc_end0:
.L_simem_size_0:
called_computation_lowered:
.L_overlay_start_0:
0x88: {  	s2 =	sld [smem:$0x3FD9]  }
0x89: {  	s3 =	sld [smem:$0x3FFE];
	_ =	sdelay $0x1  }
0x8a: {  	s1 =	srdreg.scid  }
0x8b: {  	s0 =	sand.u32 $0x1, s1  }
0x8c: {  	s17 =	sshll.u32 s0, $0xA;
	s2 =	sadd.s32 s3, s2  }
0x8d: {  	s2 =	sadd.s32 s2, s17  }
0x8e: {  	[smem:$0x3FBE] =	sst s2  }
0x8f: {  	_ = 	snop  }
0x90: {  	(tm) =	ssettm $0x1  }
0x91: {  	s18 =	sld [smem:$0x3FFB];
	_ =	sdelay $0x3  }
0x92: {  	_ =	strace s18  }
0x93: {  	s2 =	sld [smem:$0x3FFC];
	_ =	sdelay $0x3  }
0x94: {  	_ =	strace s2  }
0x95: {  	s2 =	sld [smem:$0x3FFD];
	_ =	sdelay $0x3  }
0x96: {  	_ =	strace s2  }
0x97: {  	_ =	strace $0x8FFFFFFF  }
0x98: {  	s19 =	sld [smem:$0x3FDB];
	_ =	sdelay $0x1  }
0x99: {  	s20 =	simm.s32 $_scs_section_size  }
0x9a: {  	s4 =	simm.s32 $_size__tile_overlayer_lowered;
	s5 =	simm.s32 $_tile_overlayer_lowered  }
0x9b: {  	s6 =	simm.s32 $0x1BFF;
	s21 =	sshll.u32 s5, $0x1;
	s3 =	sadd.s32 s20, s19  }
0x9c: {  	s22 =	simm.s32 $0x0;
	s4 =	sshll.u32 s4, $0x1;
	s5 =	sadd.s32 s21, s3  }
0x9d: {  	[timem:s22], [sflag:s6] =	dma.local [hbm:s5], s4  }
0x9e: {  	_ =	swait.ge [sflag:s6], s4  }
0x9f: {  	s4 =	ssub.s32 $0x0, s4;
	[sflag:s6] =	ssyncset.done $0x0  }
0xa0: {  	[sflag:s6] =	ssyncadd.s32 s4;
	_ =	sdelay $0x1  }
0xa1: {  	s23 =	simm.s32 $0x1B8B  }
0xa2: {  	_ =	swait.ge [sflag:s23], $0x1  }
0xa3: {  	[sflag:s23] =	ssyncset.done $0x0  }
0xa4: {  	[sflag:s23] =	ssyncadd.s32 $0xFFFFFFFF  }
0xa5: {  	s4 =	sld [smem:$0x0]  }
0xa6: {  	s5 =	sand.u32 $0xFFFFFFFE, s1  }
0xa7: {  	p0 =	sne.s32 s1, s5  }
0xa8: {  	s5 =	sshll.u32 @p0 s5, $0xE  }
0xa9: {  	s5 =	sadd.s32 @p0 $0x11B8D, s5;
	s6 =	sshll.u32 @p0 s4, $0x11  }
0xaa: {  	s5 =	sor.u32 @p0 s6, s5  }
0xab: {  	[sflag:s5] =	ssyncadd.remote.s32 @p0 $0x1;
	_ =	sdelay $0x1  }
0xac: {  	s5 =	simm.s32 @p0 $0x1B8D  }
0xad: {  	_ =	swait.eq @p0 [sflag:s5], $0x1  }
0xae: {  	[sflag:s5] =	ssyncadd.s32 @p0 $0xFFFFFFFF  }
0xaf: {  	s6 =	sshll.u32 @!p0 s1, $0xE  }
0xb0: {  	s6 =	sor.u32 @!p0 $0x4000, s6;
	s5 =	simm.s32 @!p0 $0x1B8D  }
0xb1: {  	s4 =	sshll.u32 @!p0 s4, $0x11;
	s6 =	sadd.s32 @!p0 $0x11B8D, s6;
	_ =	swait.eq @!p0 [sflag:s5], $0x1  }
0xb2: {  	s4 =	sor.u32 @!p0 s4, s6;
	[sflag:s5] =	ssyncadd.s32 @!p0 $0xFFFFFFFF  }
0xb3: {  	s25 =	simm.s32 $0x1B8E;
	s24 =	sld [smem:$0x3FFE];
	[sflag:s4] =	ssyncadd.remote.s32 @!p0 $0x1  }
0xb4: {  	s26 =	simm.s32 $execute0_lowered;
	[smem:$0x3FD2] =	sst s25  }
0xb5: {  	s5 =	sshll.u32 s26, $0x1;
	_ =	strace $0x80000049;
	[dreg:$0x1] =	wrdreg $0xFFFFFFFF  }
0xb6: {  	s28 =	simm.s32 $_size_execute0_lowered;
	s3 =	sadd.s32 s3, s5;
	[dreg:$0x0] =	wrdreg $0x0  }
0xb7: {  	s5 =	sshll.u32 s28, $0x1;
	[dreg:$0x2] =	wrdreg s3  }
0xb8: {  	[dreg:$0x3] =	wrdreg s5  }
0xb9: {  	[dreg:$0x4] =	wrdreg $0xC0  }
0xba: {  	_ =	task [dreg:s22], $0x5FFFF  }
0xbb: {  	[dreg:$0x1] =	wrdreg $0xFFFFFFFF  }
0xbc: {  	[dreg:$0x0] =	wrdreg $0x60  }
0xbd: {  	[dreg:$0x2] =	wrdreg s24  }
0xbe: {  	[dreg:$0x3] =	wrdreg $0x9  }
0xbf: {  	_ =	task.clear_ibuf [dreg:s22], $0x4FFFF;
	_ =	strace $0x90000049  }
0xc0: {  	s29 =	simm.s32 $0x9;
	_ =	strace $0x8000004B  }
0xc1: {  	_ =	swait.ge [sflag:s29], $0x1  }
0xc2: {  	[sflag:s29] =	ssyncadd.s32 $0xFFFFFFFF  }
0xc3: {  	_ =	strace $0x9000004B  }
0xc4: {  	_ =	sfence  }
0xc5: {  	s30 =	sld [smem:$0x0];
	_ =	sdelay $0x2  }
0xc6: {  	s31 =	sshll.u32 s1, $0xD;
	s1 =	sshrl.u32 s1, $0x2  }
0xc7: {  	s4 =	sand.u32 $0x4000, s31;
	s1 =	sadd.s32 s1, s30  }
0xc8: {  	s0 =	sor.u32 s4, s0;
	s1 =	sshll.u32 s1, $0x11  }
0xc9: {  	s0 =	sor.u32 s1, s0  }
0xca: {  	s0 =	sadd.s32 $0x8F2B, s0  }
0xcb: {  	[sflag:s0] =	ssyncadd.remote.s32 $0x1  }
0xcc: {  	_ =	sfence.sel $0xFFFF  }
0xcd: {  	[dreg:$0x0] =	wrdreg $0xFFFFFFFF;
	(pc) =	sbr.abs _section_cstart, $3  }
0xce: {  	[dreg:$0x1] =	wrdreg $0xFFFFFFFF  }
0xcf: {  	_ =	task.clear_ibuf [dreg:s22], $0x2FFFF;
	_ =	strace $0x9FFFFFFF  }
0xd0: {  	(tm) =	ssettm $0x7FFFFFFF  }
0xd1: {  	_ =	shalt  }
tec
execute0_lowered:
.L_overlay_start_1:
0x0: {  	(tag) =	ssettag $0x1  }
0x1: {  	s1 =	srdreg.scid;
	s0 =	stileid.u32  }
0x2: {  	s24 =	sand.u32 $0x1, s1;
	s30 =	sshll.u32 s0, $0x1  }
0x3: {  	s10 =	rddreg [dreg:$0x0];
	s11 =	sor.u32 s24, s30  }
0x4: {  	s2 =	simm.s32 $0x0;
	s1 =	rddreg [dreg:$0x1];
	s3 =	sshll.u32 s11, $0x7  }
0x5: {  	[smem:$0x7FF] =	sst s2;
	s3 =	sadd.s32 s3, s10  }
0x6: {  	_ =	strace $0x8000004A;
	s4 =	sadd.s32 $0x8BC00, s3;
	s3 =	simm.s32 $0x3  }
0x7: {  	[tilespmem:s2], [sflag:$0x3] =	stream.linear.gather [hbm4b:s4+s2], $0x400, $0x38;
	[tilespmem:$0x8400] =	vst v63  }
0x8: {  	_ =	swait.ge [sflag:s3], $0x400  }
0x9: {  	s6 =	simm.s32 $0x80;
	[sflag:s3] =	ssyncset.done $0x0  }
0xa: {  	s7 =	simm.s32 $0x400;
	s5 =	sadd.s32 $0x83C00, s10;
	[sflag:s3] =	ssyncadd.s32 $0xFFFFFC00  }
0xb: {  	[tilespmem:s7], [sflag:$0x1] =	stream.indirect.gather [hbm4b:s5+s6], $0x80, s2, s6, $0xb8;
	[tilespmem:$0x8400] =	vst v63  }
0xc: {  	s8 =	simm.s32 $0x4400;
	s9 =	simm.s32 $0x1  }
0xd: {  	[tilespmem:s8], [sflag:$0x2] =	stream.indirect.gather [hbm4b:s5+s6], $0x80, s6, s6, $0xb8;
	[tilespmem:$0x8400] =	vst v63  }
0xe: {  	s11 =	sshll.u32 s11, $0xE;
	_ =	swait.ge [sflag:s9], $0x4000  }
0xf: {  	s25 =	sadd.s32 s11, s10;
	[sflag:s9] =	ssyncset.done $0x0  }
0x10: {  	s10 =	sadd.s32 $0x8CC00, s25;
	[sflag:s9] =	ssyncadd.s32 $0xFFFFC000  }
0x11: {  	[hbm4b:s10+s2] =	stream.linear.scatter [tilespmem:s7], [sflag:$0x3], $0x4000, $0x38;
	[tilespmem:$0x8400] =	vst v63  }
0x12: {  	_ =	swait.ge [sflag:s3], $0x4000  }
0x13: {  	[sflag:s3] =	ssyncset.done $0x0  }
0x14: {  	s12 =	simm.s32 $0x2;
	s11 =	simm.s32 $0x100;
	[sflag:s3] =	ssyncadd.s32 $0xFFFFC000  }
0x15: {  	[tilespmem:s7], [sflag:$0x1] =	stream.indirect.gather [hbm4b:s5+s6], $0x80, s11, s6, $0xb8;
	[tilespmem:$0x8400] =	vst v63  }
0x16: {  	_ =	swait.ge [sflag:s12], $0x4000  }
0x17: {  	[sflag:s12] =	ssyncset.done $0x0  }
0x18: {  	s13 =	sadd.s32 $0x8D400, s25;
	[sflag:s12] =	ssyncadd.s32 $0xFFFFC000  }
0x19: {  	[hbm4b:s13+s2] =	stream.linear.scatter [tilespmem:s8], [sflag:$0x3], $0x4000, $0x38;
	[tilespmem:$0x8400] =	vst v63  }
0x1a: {  	_ =	swait.ge [sflag:s3], $0x4000  }
0x1b: {  	[sflag:s3] =	ssyncset.done $0x0  }
0x1c: {  	s14 =	simm.s32 $0x180;
	[sflag:s3] =	ssyncadd.s32 $0xFFFFC000  }
0x1d: {  	[tilespmem:s8], [sflag:$0x2] =	stream.indirect.gather [hbm4b:s5+s6], $0x80, s14, s6, $0xb8;
	[tilespmem:$0x8400] =	vst v63  }
0x1e: {  	_ =	swait.ge [sflag:s9], $0x4000  }
0x1f: {  	[sflag:s9] =	ssyncset.done $0x0  }
0x20: {  	s15 =	sadd.s32 $0x8DC00, s25;
	[sflag:s9] =	ssyncadd.s32 $0xFFFFC000  }
0x21: {  	[hbm4b:s15+s2] =	stream.linear.scatter [tilespmem:s7], [sflag:$0x3], $0x4000, $0x38;
	[tilespmem:$0x8400] =	vst v63  }
0x22: {  	_ =	swait.ge [sflag:s3], $0x4000  }
0x23: {  	[sflag:s3] =	ssyncset.done $0x0  }
0x24: {  	s16 =	simm.s32 $0x200;
	[sflag:s3] =	ssyncadd.s32 $0xFFFFC000  }
0x25: {  	[tilespmem:s7], [sflag:$0x1] =	stream.indirect.gather [hbm4b:s5+s6], $0x80, s16, s6, $0xb8;
	[tilespmem:$0x8400] =	vst v63  }
0x26: {  	_ =	swait.ge [sflag:s12], $0x4000  }
0x27: {  	[sflag:s12] =	ssyncset.done $0x0  }
0x28: {  	s17 =	sadd.s32 $0x8E400, s25;
	[sflag:s12] =	ssyncadd.s32 $0xFFFFC000  }
0x29: {  	[hbm4b:s17+s2] =	stream.linear.scatter [tilespmem:s8], [sflag:$0x3], $0x4000, $0x38;
	[tilespmem:$0x8400] =	vst v63  }
0x2a: {  	_ =	swait.ge [sflag:s3], $0x4000  }
0x2b: {  	[sflag:s3] =	ssyncset.done $0x0  }
0x2c: {  	s18 =	simm.s32 $0x280;
	[sflag:s3] =	ssyncadd.s32 $0xFFFFC000  }
0x2d: {  	[tilespmem:s8], [sflag:$0x2] =	stream.indirect.gather [hbm4b:s5+s6], $0x80, s18, s6, $0xb8;
	[tilespmem:$0x8400] =	vst v63  }
0x2e: {  	_ =	swait.ge [sflag:s9], $0x4000  }
0x2f: {  	[sflag:s9] =	ssyncset.done $0x0  }
0x30: {  	s19 =	sadd.s32 $0x8EC00, s25;
	[sflag:s9] =	ssyncadd.s32 $0xFFFFC000  }
0x31: {  	[hbm4b:s19+s2] =	stream.linear.scatter [tilespmem:s7], [sflag:$0x3], $0x4000, $0x38;
	[tilespmem:$0x8400] =	vst v63  }
0x32: {  	_ =	swait.ge [sflag:s3], $0x4000  }
0x33: {  	[sflag:s3] =	ssyncset.done $0x0  }
0x34: {  	s20 =	simm.s32 $0x300;
	[sflag:s3] =	ssyncadd.s32 $0xFFFFC000  }
0x35: {  	[tilespmem:s7], [sflag:$0x1] =	stream.indirect.gather [hbm4b:s5+s6], $0x80, s20, s6, $0xb8;
	[tilespmem:$0x8400] =	vst v63  }
0x36: {  	_ =	swait.ge [sflag:s12], $0x4000  }
0x37: {  	[sflag:s12] =	ssyncset.done $0x0  }
0x38: {  	s21 =	sadd.s32 $0x8F400, s25;
	[sflag:s12] =	ssyncadd.s32 $0xFFFFC000  }
0x39: {  	[hbm4b:s21+s2] =	stream.linear.scatter [tilespmem:s8], [sflag:$0x3], $0x4000, $0x38;
	[tilespmem:$0x8400] =	vst v63  }
0x3a: {  	_ =	swait.ge [sflag:s3], $0x4000  }
0x3b: {  	[sflag:s3] =	ssyncset.done $0x0  }
0x3c: {  	s22 =	simm.s32 $0x380;
	[sflag:s3] =	ssyncadd.s32 $0xFFFFC000  }
0x3d: {  	[tilespmem:s8], [sflag:$0x2] =	stream.indirect.gather [hbm4b:s5+s6], $0x80, s22, s6, $0xb8;
	[tilespmem:$0x8400] =	vst v63  }
0x3e: {  	_ =	swait.ge [sflag:s9], $0x4000  }
0x3f: {  	[sflag:s9] =	ssyncset.done $0x0  }
0x40: {  	s24 =	ssub.s32 $0x2, s24;
	s23 =	sadd.s32 $0x8FC00, s25;
	[sflag:s9] =	ssyncadd.s32 $0xFFFFC000  }
0x41: {  	[hbm4b:s23+s2] =	stream.linear.scatter [tilespmem:s7], [sflag:$0x3], $0x4000, $0x38;
	[tilespmem:$0x8400] =	vst v63  }
0x42: {  	s26 =	sshrl.u32 s24, $0x1;
	_ =	swait.ge [sflag:s3], $0x4000  }
0x43: {  	s26 =	ssub.s32 s24, s26;
	[sflag:s3] =	ssyncset.done $0x0  }
0x44: {  	s31 =	smax.u32 s26, $0x1;
	[sflag:s3] =	ssyncadd.s32 $0xFFFFC000  }
0x45: {  	p0 =	sne.s32 s31, $0x1;
	_ =	swait.ge [sflag:s12], $0x4000  }
.Ltmp0:
0x46: {  	[sflag:s12] =	ssyncset.done $0x0;
	(pc) =	sbr.rel @!p0 .LBB2_2-.Ltmp0, $4  }
0x47: {  	s24 =	sadd.s32 $0x90400, s25;
	[sflag:s12] =	ssyncadd.s32 $0xFFFFC000  }
0x48: {  	[hbm4b:s24+s2] =	stream.linear.scatter [tilespmem:s8], [sflag:$0x3], $0x4000, $0x38;
	[tilespmem:$0x8400] =	vst v63  }
0x49: {  	_ =	swait.ge [sflag:s3], $0x4000  }
0x4a: {  	s25 =	sadd.s32 $0xFFFFFFFF, s31;
	[sflag:s3] =	ssyncset.done $0x0  }
.LBB2_1:
0x4b: {  	p0 =	sne.s32 s25, $0x1;
	s25 =	sadd.s32 $0xFFFFFFFF, s25;
	[sflag:s3] =	ssyncadd.s32 $0xFFFFC000  }
0x4c: {  	[tilespmem:s2], [sflag:$0x3] =	stream.linear.gather [hbm4b:s4+s2], $0x400, $0x38;
	[tilespmem:$0x8400] =	vst v63  }
0x4d: {  	_ =	swait.ge [sflag:s3], $0x400  }
0x4e: {  	[sflag:s3] =	ssyncset.done $0x0  }
0x4f: {  	[sflag:s3] =	ssyncadd.s32 $0xFFFFFC00  }
0x50: {  	[tilespmem:s7], [sflag:$0x1] =	stream.indirect.gather [hbm4b:s5+s6], $0x80, s2, s6, $0xb8;
	[tilespmem:$0x8400] =	vst v63  }
0x51: {  	_ = 	snop  }
0x52: {  	[tilespmem:s8], [sflag:$0x2] =	stream.indirect.gather [hbm4b:s5+s6], $0x80, s6, s6, $0xb8;
	[tilespmem:$0x8400] =	vst v63  }
0x53: {  	_ =	swait.ge [sflag:s9], $0x4000  }
0x54: {  	[sflag:s9] =	ssyncset.done $0x0  }
0x55: {  	[sflag:s9] =	ssyncadd.s32 $0xFFFFC000  }
0x56: {  	[hbm4b:s10+s2] =	stream.linear.scatter [tilespmem:s7], [sflag:$0x3], $0x4000, $0x38;
	[tilespmem:$0x8400] =	vst v63  }
0x57: {  	_ =	swait.ge [sflag:s3], $0x4000  }
0x58: {  	[sflag:s3] =	ssyncset.done $0x0  }
0x59: {  	[sflag:s3] =	ssyncadd.s32 $0xFFFFC000  }
0x5a: {  	[tilespmem:s7], [sflag:$0x1] =	stream.indirect.gather [hbm4b:s5+s6], $0x80, s11, s6, $0xb8;
	[tilespmem:$0x8400] =	vst v63  }
0x5b: {  	_ =	swait.ge [sflag:s12], $0x4000  }
0x5c: {  	[sflag:s12] =	ssyncset.done $0x0  }
0x5d: {  	[sflag:s12] =	ssyncadd.s32 $0xFFFFC000  }
0x5e: {  	[hbm4b:s13+s2] =	stream.linear.scatter [tilespmem:s8], [sflag:$0x3], $0x4000, $0x38;
	[tilespmem:$0x8400] =	vst v63  }
0x5f: {  	_ =	swait.ge [sflag:s3], $0x4000  }
0x60: {  	[sflag:s3] =	ssyncset.done $0x0  }
0x61: {  	[sflag:s3] =	ssyncadd.s32 $0xFFFFC000  }
0x62: {  	[tilespmem:s8], [sflag:$0x2] =	stream.indirect.gather [hbm4b:s5+s6], $0x80, s14, s6, $0xb8;
	[tilespmem:$0x8400] =	vst v63  }
0x63: {  	_ =	swait.ge [sflag:s9], $0x4000  }
0x64: {  	[sflag:s9] =	ssyncset.done $0x0  }
0x65: {  	[sflag:s9] =	ssyncadd.s32 $0xFFFFC000  }
0x66: {  	[hbm4b:s15+s2] =	stream.linear.scatter [tilespmem:s7], [sflag:$0x3], $0x4000, $0x38;
	[tilespmem:$0x8400] =	vst v63  }
0x67: {  	_ =	swait.ge [sflag:s3], $0x4000  }
0x68: {  	[sflag:s3] =	ssyncset.done $0x0  }
0x69: {  	[sflag:s3] =	ssyncadd.s32 $0xFFFFC000  }
0x6a: {  	[tilespmem:s7], [sflag:$0x1] =	stream.indirect.gather [hbm4b:s5+s6], $0x80, s16, s6, $0xb8;
	[tilespmem:$0x8400] =	vst v63  }
0x6b: {  	_ =	swait.ge [sflag:s12], $0x4000  }
0x6c: {  	[sflag:s12] =	ssyncset.done $0x0  }
0x6d: {  	[sflag:s12] =	ssyncadd.s32 $0xFFFFC000  }
0x6e: {  	[hbm4b:s17+s2] =	stream.linear.scatter [tilespmem:s8], [sflag:$0x3], $0x4000, $0x38;
	[tilespmem:$0x8400] =	vst v63  }
0x6f: {  	_ =	swait.ge [sflag:s3], $0x4000  }
0x70: {  	[sflag:s3] =	ssyncset.done $0x0  }
0x71: {  	[sflag:s3] =	ssyncadd.s32 $0xFFFFC000  }
0x72: {  	[tilespmem:s8], [sflag:$0x2] =	stream.indirect.gather [hbm4b:s5+s6], $0x80, s18, s6, $0xb8;
	[tilespmem:$0x8400] =	vst v63  }
0x73: {  	_ =	swait.ge [sflag:s9], $0x4000  }
0x74: {  	[sflag:s9] =	ssyncset.done $0x0  }
0x75: {  	[sflag:s9] =	ssyncadd.s32 $0xFFFFC000  }
0x76: {  	[hbm4b:s19+s2] =	stream.linear.scatter [tilespmem:s7], [sflag:$0x3], $0x4000, $0x38;
	[tilespmem:$0x8400] =	vst v63  }
0x77: {  	_ =	swait.ge [sflag:s3], $0x4000  }
0x78: {  	[sflag:s3] =	ssyncset.done $0x0  }
0x79: {  	[sflag:s3] =	ssyncadd.s32 $0xFFFFC000  }
0x7a: {  	[tilespmem:s7], [sflag:$0x1] =	stream.indirect.gather [hbm4b:s5+s6], $0x80, s20, s6, $0xb8;
	[tilespmem:$0x8400] =	vst v63  }
0x7b: {  	_ =	swait.ge [sflag:s12], $0x4000  }
0x7c: {  	[sflag:s12] =	ssyncset.done $0x0  }
0x7d: {  	[sflag:s12] =	ssyncadd.s32 $0xFFFFC000  }
0x7e: {  	[hbm4b:s21+s2] =	stream.linear.scatter [tilespmem:s8], [sflag:$0x3], $0x4000, $0x38;
	[tilespmem:$0x8400] =	vst v63  }
0x7f: {  	_ =	swait.ge [sflag:s3], $0x4000  }
0x80: {  	[sflag:s3] =	ssyncset.done $0x0  }
0x81: {  	[sflag:s3] =	ssyncadd.s32 $0xFFFFC000  }
0x82: {  	[tilespmem:s8], [sflag:$0x2] =	stream.indirect.gather [hbm4b:s5+s6], $0x80, s22, s6, $0xb8;
	[tilespmem:$0x8400] =	vst v63  }
0x83: {  	_ =	swait.ge [sflag:s9], $0x4000  }
0x84: {  	[sflag:s9] =	ssyncset.done $0x0  }
0x85: {  	[sflag:s9] =	ssyncadd.s32 $0xFFFFC000  }
0x86: {  	[hbm4b:s23+s2] =	stream.linear.scatter [tilespmem:s7], [sflag:$0x3], $0x4000, $0x38;
	[tilespmem:$0x8400] =	vst v63  }
0x87: {  	_ =	swait.ge [sflag:s3], $0x4000  }
0x88: {  	[sflag:s3] =	ssyncset.done $0x0  }
0x89: {  	[sflag:s3] =	ssyncadd.s32 $0xFFFFC000  }
0x8a: {  	_ =	swait.ge [sflag:s12], $0x4000  }
.Ltmp1:
0x8b: {  	[sflag:s12] =	ssyncset.done $0x0;
	(pc) =	sbr.rel @p0 .LBB2_1-.Ltmp1, $4  }
0x8c: {  	[sflag:s12] =	ssyncadd.s32 $0xFFFFC000  }
0x8d: {  	[hbm4b:s24+s2] =	stream.linear.scatter [tilespmem:s8], [sflag:$0x3], $0x4000, $0x38;
	[tilespmem:$0x8400] =	vst v63  }
0x8e: {  	_ =	swait.ge [sflag:s3], $0x4000  }
0x8f: {  	[sflag:s3] =	ssyncset.done $0x0  }
.LBB2_2:
0x90: {  	[sflag:s3] =	ssyncadd.s32 $0xFFFFC000  }
0x91: {  	_ =	sfence.sel $0x180000  }
0x92: {  	[bflag:$0x0] =	sbarrier.arrive $0xFFFF  }
0x93: {  	p0 =	sne.s32 s0, $0x0;
	_ =	strace $0x9000004A  }
0x94: {  	s0 =	sadd.s32 @!p0 $0x100000, s1;
	[bflag:$0x2] =	sbarrier.arrive $0xFFFF  }
0x95: {  	[sflag:s0] =	ssyncadd.tile.s32 @!p0 $0x1;
	_ =	shalt  }
.Lfunc_end2:
_tile_overlayer_lowered:
.L_overlay_start_2:
0x96: {  	(tag) =	ssettag $0x2  }
0x97: {  	s0 =	rddreg [dreg:$0x0];
	s2 =	stileid.u32  }
0x98: {  	s1 =	rddreg [dreg:$0x1];
	p0 =	sne.s32 s2, $0x0  }
0x99: {  	s3 =	rddreg [dreg:$0x2];
	[bflag:$0x3] =	sbarrier.arrive $0xFFFF;
	s2 =	simm.s32 @!p0 $0x1C03  }
0x9a: {  	[timem:s3], [sflag:s2] =	dma.local @!p0 [hbm:s0], s1  }
0x9b: {  	s0 =	simm.s32 @!p0 $0x3  }
0x9c: {  	_ =	swait.ge @!p0 [sflag:s0], s1  }
0x9d: {  	s1 =	ssub.s32 @!p0 $0x0, s1;
	[sflag:s0] =	ssyncset.done @!p0 $0x0  }
0x9e: {  	[sflag:s0] =	ssyncadd.s32 @!p0 s1  }
0x9f: {  	[bflag:$0x3] =	sbarrier.arrive $0xFFFF  }
0xa0: {  	_ =	shalt  }

</sc_bundles>
